<compile_context>
chip_gen: v7x
topology: tpu7x:2x2x1
jax: 0.10.2.dev20260603
libtpu: 0.0.44.dev20260713+nightly
codegen_flags: <defaults>
</compile_context>

<pallas_src>
import jax
import jax.numpy as jnp
from jax import lax
from jax.experimental import pallas as pl
from jax.experimental.pallas import tpu as pltpu
from jax.experimental.pallas import tpu_sc as plsc

N = 4_194_304
NB = 7
NC = 2
NS = 16
LANES = 16
NW = NC * NS
PER_W = N // NW
CHUNK = 16384
NCHUNK = PER_W // CHUNK


def _tanh_via_exp(t):
    e = jnp.exp(-2.0 * jnp.abs(t))
    return jnp.sign(t) * (1.0 - e) / (1.0 + e)


def _body(x_hbm, a_hbm, b_hbm, c_hbm, out_hbm,
          a_v, b_v, c_v, t_v, l_v, in0, in1, out0, out1,
          s_in0, s_in1, s_out0, s_out1):
    cid = lax.axis_index("c")
    sid = lax.axis_index("s")
    wid = sid * NC + cid
    base = wid * PER_W

    pltpu.make_async_copy(
        x_hbm.at[pl.ds(base, CHUNK)], in0, s_in0).start()
    pltpu.make_async_copy(
        x_hbm.at[pl.ds(base + CHUNK, CHUNK)], in1, s_in1).start()

    pltpu.sync_copy(a_hbm, a_v.at[pl.ds(0, NB)])
    pltpu.sync_copy(b_hbm, b_v.at[pl.ds(0, NB)])
    pltpu.sync_copy(c_hbm, c_v.at[pl.ds(0, NB)])
    av, bv, cv = a_v[...], b_v[...], c_v[...]
    a_s = [av[i] for i in range(NB)]
    b_s = [bv[i] for i in range(NB)]
    c_s = [cv[i] for i in range(NB)]

    iota = lax.iota(jnp.int32, LANES)
    midv = jnp.zeros((LANES,), jnp.float32)
    for k in range(1, NB):
        midv = jnp.where(iota == k, (b_s[k - 1] + b_s[k]) * 0.5, midv)
    acc = jnp.zeros((LANES,), jnp.float32)
    s = jnp.float32(0.0)
    for i in range(NB):
        acc = acc + a_s[i] * _tanh_via_exp(c_s[i] * (midv - b_s[i]))
        s = s + a_s[i]
    qv = jnp.where(iota == 0, -s, acc)
    qv = jnp.where(iota == NB, s, qv)
    l_v[...] = qv

    bbits = plsc.bitcast(bv, jnp.int32)
    bup_bits = jnp.where(bv == 0.0, 1,
                         jnp.where(bv > 0.0, bbits + 1, bbits - 1))
    bup = plsc.bitcast(bup_bits, jnp.float32)
    tpv = jnp.zeros((LANES,), jnp.float32)
    tpv = jnp.where(iota == 1, bup[0], tpv)
    for j in range(2, NB):
        tpv = jnp.where(iota == j, b_s[j - 1], tpv)
    tpv = jnp.where(iota == NB, bup[NB - 1], tpv)
    t_v[...] = tpv

    t2v = jnp.full((LANES,), tpv[2], jnp.float32)
    t4v = jnp.full((LANES,), tpv[4], jnp.float32)
    t6v = jnp.full((LANES,), tpv[6], jnp.float32)
    i0 = jnp.zeros((LANES,), jnp.int32)
    i1 = jnp.full((LANES,), 1, jnp.int32)
    i2 = jnp.full((LANES,), 2, jnp.int32)
    i4 = jnp.full((LANES,), 4, jnp.int32)
    i6 = jnp.full((LANES,), 6, jnp.int32)

    def compute(cin, cout):
        @plsc.parallel_loop(0, CHUNK, step=LANES, unroll=8)
        def _(off):
            xv = cin[pl.ds(off, LANES)]
            m2 = xv >= t2v
            m4 = xv >= t4v
            m6 = xv >= t6v
            hi = jnp.where(m6, i6, i4)
            lo = jnp.where(m2, i2, i0)
            k = jnp.where(m4, hi, lo)
            k3 = k + i1
            t3 = plsc.load_gather(t_v, [k3])
            k = jnp.where(xv >= t3, k3, k)
            cout[pl.ds(off, LANES)] = plsc.load_gather(l_v, [k])

    ins, outs = [in0, in1], [out0, out1]
    isems, osems = [s_in0, s_in1], [s_out0, s_out1]

    def in_copy(t, p):
        return pltpu.make_async_copy(
            x_hbm.at[pl.ds(base + t * CHUNK, CHUNK)], ins[p], isems[p])

    def out_copy(t, p):
        return pltpu.make_async_copy(
            outs[p], out_hbm.at[pl.ds(base + t * CHUNK, CHUNK)], osems[p])

    for t in range(NCHUNK):
        p = t % 2
        if 2 <= t + 1 < NCHUNK:
            in_copy(t + 1, 1 - p).start()
        in_copy(t, p).wait()
        if t >= 2:
            out_copy(t - 2, p).wait()
        compute(ins[p], outs[p])
        out_copy(t, p).start()
    out_copy(NCHUNK - 2, NCHUNK % 2).wait()
    out_copy(NCHUNK - 1, (NCHUNK - 1) % 2).wait()


def _sc_quantize(x, a, b, c):
    mesh = plsc.VectorSubcoreMesh(core_axis_name="c", subcore_axis_name="s")
    f = pl.kernel(
        _body,
        out_type=jax.ShapeDtypeStruct((N,), jnp.float32),
        mesh=mesh,
        scratch_types=[
            pltpu.VMEM((LANES,), jnp.float32),
            pltpu.VMEM((LANES,), jnp.float32),
            pltpu.VMEM((LANES,), jnp.float32),
            pltpu.VMEM((LANES,), jnp.float32),
            pltpu.VMEM((LANES,), jnp.float32),
            pltpu.VMEM((CHUNK,), jnp.float32),
            pltpu.VMEM((CHUNK,), jnp.float32),
            pltpu.VMEM((CHUNK,), jnp.float32),
            pltpu.VMEM((CHUNK,), jnp.float32),
            pltpu.SemaphoreType.DMA,
            pltpu.SemaphoreType.DMA,
            pltpu.SemaphoreType.DMA,
            pltpu.SemaphoreType.DMA,
        ],
        compiler_params=pltpu.CompilerParams(needs_layout_passes=False),
    )
    return f(x, a, b, c)


def kernel(x, a, b, c):
    return _sc_quantize(x, a, b, c)

# --- scband reference (transcript-rebuilt; emitter-appended) ---
"""Pipeline reference for scband-hard-quantization-layer-5549097747053 (READ-ONLY COPY).

The authoritative reference and input builder live on the scoring server;
editing this copy changes nothing except your own understanding.
"""

import jax, jax.numpy as jnp
import numpy as np

NUM_CODE_WORDS = 8

def setup_inputs(seed: int = 0) -> dict:
    key = jax.random.key(seed)
    x = jax.random.normal(key, (4194304,), dtype=jnp.float32)
    a = jnp.array([0.2, 0.25, 0.3, 0.25, 0.2, 0.3, 0.25], dtype=jnp.float32)
    b = jnp.array([-3.0, -2.0, -1.0, 0.0, 1.0, 2.0, 3.0], dtype=jnp.float32)
    c = jnp.array([4.0, 5.0, 6.0, 5.0, 4.0, 6.0, 5.0], dtype=jnp.float32)
    return {"x": x, "a": a, "b": b, "c": c}

def reference(x, a, b, c):
    # forward: hard quantization with tanh-smoothed levels inside (b[0], b[-1]]
    bs = jnp.sort(b)
    n = b.shape[0]
    # np.digitize(x, sorted_b) with default right=False
    ind = jnp.digitize(x, bs)
    # clip so gathers are in-range; out-of-range lanes are overwritten by masks below
    ind = jnp.clip(ind, 1, n - 1)
    mid = (bs[ind - 1] + bs[ind]) * 0.5
    # z[i,:] = a[i] * tanh(c[i] * (mid - b[i])); summed over code words
    quant = jnp.sum(a[:, None] * jnp.tanh(c[:, None] * (mid[None, :] - b[:, None])), axis=0)
    s = jnp.sum(a)
    low = x <= b[0]
    high = x > b[-1]
    z = jnp.where(low, -s, jnp.where(high, s, quant))
    return z

if __name__ == "__main__":
    import jax
    _d = setup_inputs()
    print(jax.jit(kernel)(*tuple(_d.values())))

</pallas_src>

<mosaic_0001>
#map = affine_map<(d0, d1) -> (0)>
module attributes {stable_mosaic.version = 14 : i64} {
  func.func @_body(%arg0: i32, %arg1: i32, %arg2: memref<4194304xf32, #tpu.memory_space<hbm>>, %arg3: memref<7xf32, #tpu.memory_space<hbm>>, %arg4: memref<7xf32, #tpu.memory_space<hbm>>, %arg5: memref<7xf32, #tpu.memory_space<hbm>>, %arg6: memref<4194304xf32, #tpu.memory_space<hbm>>, %arg7: memref<16xf32, #tpu.memory_space<vmem>>, %arg8: memref<16xf32, #tpu.memory_space<vmem>>, %arg9: memref<16xf32, #tpu.memory_space<vmem>>, %arg10: memref<16xf32, #tpu.memory_space<vmem>>, %arg11: memref<16xf32, #tpu.memory_space<vmem>>, %arg12: memref<16384xf32, #tpu.memory_space<vmem>>, %arg13: memref<16384xf32, #tpu.memory_space<vmem>>, %arg14: memref<16384xf32, #tpu.memory_space<vmem>>, %arg15: memref<16384xf32, #tpu.memory_space<vmem>>, %arg16: memref<!tpu.dma_semaphore, #tpu.memory_space<semaphore_mem>>, %arg17: memref<!tpu.dma_semaphore, #tpu.memory_space<semaphore_mem>>, %arg18: memref<!tpu.dma_semaphore, #tpu.memory_space<semaphore_mem>>, %arg19: memref<!tpu.dma_semaphore, #tpu.memory_space<semaphore_mem>>) attributes {dimension_semantics = [#tpu.dimension_semantics<core_parallel>, #tpu.dimension_semantics<subcore_parallel>], iteration_bounds = array<i64: 2, 16>, scalar_prefetch = 0 : i64, scratch_operands = 13 : i64, tpu.core_type = #tpu.core_type<sc_vector_subcore>, window_params = [{transform_indices = #map}, {transform_indices = #map}, {transform_indices = #map}, {transform_indices = #map}, {transform_indices = #map}]} {
    %mul3A = arith.constant 2 : i32
    %mul3A_0 = arith.muli %arg1, %mul3A : i32
    %add3A = arith.addi %mul3A_0, %arg0 : i32
    %mul3A_1 = arith.constant 131072 : i32
    %mul3A_2 = arith.muli %add3A, %mul3A_1 : i32
    %dma_start3A = tpu.memref_slice %arg2[%mul3A_2] : memref<4194304xf32, #tpu.memory_space<hbm>> -> memref<16384xf32, #tpu.memory_space<hbm>>
    %dma_start3A_3 = tpu.memref_slice %arg2[%mul3A_2] : memref<4194304xf32, #tpu.memory_space<hbm>> -> memref<16384xf32, #tpu.memory_space<hbm>>
    tpu.enqueue_dma source(%dma_start3A_3 : memref<16384xf32, #tpu.memory_space<hbm>>) target(%arg12 : memref<16384xf32, #tpu.memory_space<vmem>>) target_semaphore(%arg16 : memref<!tpu.dma_semaphore, #tpu.memory_space<semaphore_mem>>)
    %add3A_4 = arith.constant 16384 : i32
    %add3A_5 = arith.addi %mul3A_2, %add3A_4 : i32
    %dma_start3A_6 = tpu.memref_slice %arg2[%add3A_5] : memref<4194304xf32, #tpu.memory_space<hbm>> -> memref<16384xf32, #tpu.memory_space<hbm>>
    %dma_start3A_7 = tpu.memref_slice %arg2[%add3A_5] : memref<4194304xf32, #tpu.memory_space<hbm>> -> memref<16384xf32, #tpu.memory_space<hbm>>
    tpu.enqueue_dma source(%dma_start3A_7 : memref<16384xf32, #tpu.memory_space<hbm>>) target(%arg13 : memref<16384xf32, #tpu.memory_space<vmem>>) target_semaphore(%arg17 : memref<!tpu.dma_semaphore, #tpu.memory_space<semaphore_mem>>)
    "tpu.region"() ({
      %run_scoped3A = tpu.sem_alloc : memref<!tpu.dma_semaphore, #tpu.memory_space<semaphore_mem>>
      %dma_start3A_567 = arith.constant 0 : i32
      %dma_start3A_568 = tpu.memref_slice %arg7[%dma_start3A_567] : memref<16xf32, #tpu.memory_space<vmem>> -> memref<7xf32, #tpu.memory_space<vmem>>
      %dma_start3A_569 = arith.constant 0 : i32
      %dma_start3A_570 = tpu.memref_slice %arg7[%dma_start3A_569] : memref<16xf32, #tpu.memory_space<vmem>> -> memref<7xf32, #tpu.memory_space<vmem>>
      tpu.enqueue_dma source(%arg3 : memref<7xf32, #tpu.memory_space<hbm>>) target(%dma_start3A_570 : memref<7xf32, #tpu.memory_space<vmem>>) target_semaphore(%run_scoped3A : memref<!tpu.dma_semaphore, #tpu.memory_space<semaphore_mem>>)
      %dma_wait3A_571 = arith.constant 0 : i32
      %dma_wait3A_572 = tpu.memref_slice %arg7[%dma_wait3A_571] : memref<16xf32, #tpu.memory_space<vmem>> -> memref<7xf32, #tpu.memory_space<vmem>>
      %dma_wait3A_573 = arith.constant 0 : i32
      %dma_wait3A_574 = tpu.memref_slice %arg7[%dma_wait3A_573] : memref<16xf32, #tpu.memory_space<vmem>> -> memref<7xf32, #tpu.memory_space<vmem>>
      tpu.wait_dma2 semaphore(%run_scoped3A : memref<!tpu.dma_semaphore, #tpu.memory_space<semaphore_mem>>) src(%arg3 : memref<7xf32, #tpu.memory_space<hbm>>) dst(%dma_wait3A_574 : memref<7xf32, #tpu.memory_space<vmem>>)
      tpu.yield
    }) : () -> ()
    "tpu.region"() ({
      %run_scoped3A = tpu.sem_alloc : memref<!tpu.dma_semaphore, #tpu.memory_space<semaphore_mem>>
      %dma_start3A_567 = arith.constant 0 : i32
      %dma_start3A_568 = tpu.memref_slice %arg8[%dma_start3A_567] : memref<16xf32, #tpu.memory_space<vmem>> -> memref<7xf32, #tpu.memory_space<vmem>>
      %dma_start3A_569 = arith.constant 0 : i32
      %dma_start3A_570 = tpu.memref_slice %arg8[%dma_start3A_569] : memref<16xf32, #tpu.memory_space<vmem>> -> memref<7xf32, #tpu.memory_space<vmem>>
      tpu.enqueue_dma source(%arg4 : memref<7xf32, #tpu.memory_space<hbm>>) target(%dma_start3A_570 : memref<7xf32, #tpu.memory_space<vmem>>) target_semaphore(%run_scoped3A : memref<!tpu.dma_semaphore, #tpu.memory_space<semaphore_mem>>)
      %dma_wait3A_571 = arith.constant 0 : i32
      %dma_wait3A_572 = tpu.memref_slice %arg8[%dma_wait3A_571] : memref<16xf32, #tpu.memory_space<vmem>> -> memref<7xf32, #tpu.memory_space<vmem>>
      %dma_wait3A_573 = arith.constant 0 : i32
      %dma_wait3A_574 = tpu.memref_slice %arg8[%dma_wait3A_573] : memref<16xf32, #tpu.memory_space<vmem>> -> memref<7xf32, #tpu.memory_space<vmem>>
      tpu.wait_dma2 semaphore(%run_scoped3A : memref<!tpu.dma_semaphore, #tpu.memory_space<semaphore_mem>>) src(%arg4 : memref<7xf32, #tpu.memory_space<hbm>>) dst(%dma_wait3A_574 : memref<7xf32, #tpu.memory_space<vmem>>)
      tpu.yield
    }) : () -> ()
    "tpu.region"() ({
      %run_scoped3A = tpu.sem_alloc : memref<!tpu.dma_semaphore, #tpu.memory_space<semaphore_mem>>
      %dma_start3A_567 = arith.constant 0 : i32
      %dma_start3A_568 = tpu.memref_slice %arg9[%dma_start3A_567] : memref<16xf32, #tpu.memory_space<vmem>> -> memref<7xf32, #tpu.memory_space<vmem>>
      %dma_start3A_569 = arith.constant 0 : i32
      %dma_start3A_570 = tpu.memref_slice %arg9[%dma_start3A_569] : memref<16xf32, #tpu.memory_space<vmem>> -> memref<7xf32, #tpu.memory_space<vmem>>
      tpu.enqueue_dma source(%arg5 : memref<7xf32, #tpu.memory_space<hbm>>) target(%dma_start3A_570 : memref<7xf32, #tpu.memory_space<vmem>>) target_semaphore(%run_scoped3A : memref<!tpu.dma_semaphore, #tpu.memory_space<semaphore_mem>>)
      %dma_wait3A_571 = arith.constant 0 : i32
      %dma_wait3A_572 = tpu.memref_slice %arg9[%dma_wait3A_571] : memref<16xf32, #tpu.memory_space<vmem>> -> memref<7xf32, #tpu.memory_space<vmem>>
      %dma_wait3A_573 = arith.constant 0 : i32
      %dma_wait3A_574 = tpu.memref_slice %arg9[%dma_wait3A_573] : memref<16xf32, #tpu.memory_space<vmem>> -> memref<7xf32, #tpu.memory_space<vmem>>
      tpu.wait_dma2 semaphore(%run_scoped3A : memref<!tpu.dma_semaphore, #tpu.memory_space<semaphore_mem>>) src(%arg5 : memref<7xf32, #tpu.memory_space<hbm>>) dst(%dma_wait3A_574 : memref<7xf32, #tpu.memory_space<vmem>>)
      tpu.yield
    }) : () -> ()
    %get3A = arith.constant 0 : index
    %get3A_8 = tpu.vector_load %arg7[%get3A] {strides = array<i32>} : memref<16xf32, #tpu.memory_space<vmem>>, vector<16xf32>,
    %get3A_9 = arith.constant 0 : index
    %get3A_10 = tpu.vector_load %arg8[%get3A_9] {strides = array<i32>} : memref<16xf32, #tpu.memory_space<vmem>>, vector<16xf32>,
    %get3A_11 = arith.constant 0 : index
    %get3A_12 = tpu.vector_load %arg9[%get3A_11] {strides = array<i32>} : memref<16xf32, #tpu.memory_space<vmem>>, vector<16xf32>,
    %slice3A = vector.extract_strided_slice %get3A_8 {offsets = [0], sizes = [1], strides = [1]} : vector<16xf32> to vector<1xf32>
    %squeeze3A = vector.extract %slice3A[0] : f32 from vector<1xf32>
    %slice3A_13 = vector.extract_strided_slice %get3A_8 {offsets = [1], sizes = [1], strides = [1]} : vector<16xf32> to vector<1xf32>
    %squeeze3A_14 = vector.extract %slice3A_13[0] : f32 from vector<1xf32>
    %slice3A_15 = vector.extract_strided_slice %get3A_8 {offsets = [2], sizes = [1], strides = [1]} : vector<16xf32> to vector<1xf32>
    %squeeze3A_16 = vector.extract %slice3A_15[0] : f32 from vector<1xf32>
    %slice3A_17 = vector.extract_strided_slice %get3A_8 {offsets = [3], sizes = [1], strides = [1]} : vector<16xf32> to vector<1xf32>
    %squeeze3A_18 = vector.extract %slice3A_17[0] : f32 from vector<1xf32>
    %slice3A_19 = vector.extract_strided_slice %get3A_8 {offsets = [4], sizes = [1], strides = [1]} : vector<16xf32> to vector<1xf32>
    %squeeze3A_20 = vector.extract %slice3A_19[0] : f32 from vector<1xf32>
    %slice3A_21 = vector.extract_strided_slice %get3A_8 {offsets = [5], sizes = [1], strides = [1]} : vector<16xf32> to vector<1xf32>
    %squeeze3A_22 = vector.extract %slice3A_21[0] : f32 from vector<1xf32>
    %slice3A_23 = vector.extract_strided_slice %get3A_8 {offsets = [6], sizes = [1], strides = [1]} : vector<16xf32> to vector<1xf32>
    %squeeze3A_24 = vector.extract %slice3A_23[0] : f32 from vector<1xf32>
    %slice3A_25 = vector.extract_strided_slice %get3A_10 {offsets = [0], sizes = [1], strides = [1]} : vector<16xf32> to vector<1xf32>
    %squeeze3A_26 = vector.extract %slice3A_25[0] : f32 from vector<1xf32>
    %slice3A_27 = vector.extract_strided_slice %get3A_10 {offsets = [1], sizes = [1], strides = [1]} : vector<16xf32> to vector<1xf32>
    %squeeze3A_28 = vector.extract %slice3A_27[0] : f32 from vector<1xf32>
    %slice3A_29 = vector.extract_strided_slice %get3A_10 {offsets = [2], sizes = [1], strides = [1]} : vector<16xf32> to vector<1xf32>
    %squeeze3A_30 = vector.extract %slice3A_29[0] : f32 from vector<1xf32>
    %slice3A_31 = vector.extract_strided_slice %get3A_10 {offsets = [3], sizes = [1], strides = [1]} : vector<16xf32> to vector<1xf32>
    %squeeze3A_32 = vector.extract %slice3A_31[0] : f32 from vector<1xf32>
    %slice3A_33 = vector.extract_strided_slice %get3A_10 {offsets = [4], sizes = [1], strides = [1]} : vector<16xf32> to vector<1xf32>
    %squeeze3A_34 = vector.extract %slice3A_33[0] : f32 from vector<1xf32>
    %slice3A_35 = vector.extract_strided_slice %get3A_10 {offsets = [5], sizes = [1], strides = [1]} : vector<16xf32> to vector<1xf32>
    %squeeze3A_36 = vector.extract %slice3A_35[0] : f32 from vector<1xf32>
    %slice3A_37 = vector.extract_strided_slice %get3A_10 {offsets = [6], sizes = [1], strides = [1]} : vector<16xf32> to vector<1xf32>
    %squeeze3A_38 = vector.extract %slice3A_37[0] : f32 from vector<1xf32>
    %slice3A_39 = vector.extract_strided_slice %get3A_12 {offsets = [0], sizes = [1], strides = [1]} : vector<16xf32> to vector<1xf32>
    %squeeze3A_40 = vector.extract %slice3A_39[0] : f32 from vector<1xf32>
    %slice3A_41 = vector.extract_strided_slice %get3A_12 {offsets = [1], sizes = [1], strides = [1]} : vector<16xf32> to vector<1xf32>
    %squeeze3A_42 = vector.extract %slice3A_41[0] : f32 from vector<1xf32>
    %slice3A_43 = vector.extract_strided_slice %get3A_12 {offsets = [2], sizes = [1], strides = [1]} : vector<16xf32> to vector<1xf32>
    %squeeze3A_44 = vector.extract %slice3A_43[0] : f32 from vector<1xf32>
    %slice3A_45 = vector.extract_strided_slice %get3A_12 {offsets = [3], sizes = [1], strides = [1]} : vector<16xf32> to vector<1xf32>
    %squeeze3A_46 = vector.extract %slice3A_45[0] : f32 from vector<1xf32>
    %slice3A_47 = vector.extract_strided_slice %get3A_12 {offsets = [4], sizes = [1], strides = [1]} : vector<16xf32> to vector<1xf32>
    %squeeze3A_48 = vector.extract %slice3A_47[0] : f32 from vector<1xf32>
    %slice3A_49 = vector.extract_strided_slice %get3A_12 {offsets = [5], sizes = [1], strides = [1]} : vector<16xf32> to vector<1xf32>
    %squeeze3A_50 = vector.extract %slice3A_49[0] : f32 from vector<1xf32>
    %slice3A_51 = vector.extract_strided_slice %get3A_12 {offsets = [6], sizes = [1], strides = [1]} : vector<16xf32> to vector<1xf32>
    %squeeze3A_52 = vector.extract %slice3A_51[0] : f32 from vector<1xf32>
    %iota3A = tpu.iota {dimensions = array<i32: 0>} : vector<16xi32>
    %broadcast_in_dim3A = arith.constant 0.000000e+00 : f32
    %broadcast_in_dim3A_53 = vector.broadcast %broadcast_in_dim3A : f32 to vector<16xf32>
    %eq3A = arith.constant 1 : i32
    %eq3A_54 = vector.broadcast %eq3A : i32 to vector<16xi32>
    %eq3A_55 = arith.cmpi eq, %iota3A, %eq3A_54 : vector<16xi32>
    %add3A_56 = arith.addf %squeeze3A_26, %squeeze3A_28 : f32
    %mul3A_57 = arith.constant 5.000000e-01 : f32
    %mul3A_58 = arith.mulf %add3A_56, %mul3A_57 : f32
    %broadcast_in_dim3A_59 = vector.broadcast %mul3A_58 : f32 to vector<16xf32>
    %select_n3A = arith.select %eq3A_55, %broadcast_in_dim3A_59, %broadcast_in_dim3A_53 : vector<16xi1>, vector<16xf32>
    %eq3A_60 = arith.constant 2 : i32
    %eq3A_61 = vector.broadcast %eq3A_60 : i32 to vector<16xi32>
    %eq3A_62 = arith.cmpi eq, %iota3A, %eq3A_61 : vector<16xi32>
    %add3A_63 = arith.addf %squeeze3A_28, %squeeze3A_30 : f32
    %mul3A_64 = arith.constant 5.000000e-01 : f32
    %mul3A_65 = arith.mulf %add3A_63, %mul3A_64 : f32
    %broadcast_in_dim3A_66 = vector.broadcast %mul3A_65 : f32 to vector<16xf32>
    %select_n3A_67 = arith.select %eq3A_62, %broadcast_in_dim3A_66, %select_n3A : vector<16xi1>, vector<16xf32>
    %eq3A_68 = arith.constant 3 : i32
    %eq3A_69 = vector.broadcast %eq3A_68 : i32 to vector<16xi32>
    %eq3A_70 = arith.cmpi eq, %iota3A, %eq3A_69 : vector<16xi32>
    %add3A_71 = arith.addf %squeeze3A_30, %squeeze3A_32 : f32
    %mul3A_72 = arith.constant 5.000000e-01 : f32
    %mul3A_73 = arith.mulf %add3A_71, %mul3A_72 : f32
    %broadcast_in_dim3A_74 = vector.broadcast %mul3A_73 : f32 to vector<16xf32>
    %select_n3A_75 = arith.select %eq3A_70, %broadcast_in_dim3A_74, %select_n3A_67 : vector<16xi1>, vector<16xf32>
    %eq3A_76 = arith.constant 4 : i32
    %eq3A_77 = vector.broadcast %eq3A_76 : i32 to vector<16xi32>
    %eq3A_78 = arith.cmpi eq, %iota3A, %eq3A_77 : vector<16xi32>
    %add3A_79 = arith.addf %squeeze3A_32, %squeeze3A_34 : f32
    %mul3A_80 = arith.constant 5.000000e-01 : f32
    %mul3A_81 = arith.mulf %add3A_79, %mul3A_80 : f32
    %broadcast_in_dim3A_82 = vector.broadcast %mul3A_81 : f32 to vector<16xf32>
    %select_n3A_83 = arith.select %eq3A_78, %broadcast_in_dim3A_82, %select_n3A_75 : vector<16xi1>, vector<16xf32>
    %eq3A_84 = arith.constant 5 : i32
    %eq3A_85 = vector.broadcast %eq3A_84 : i32 to vector<16xi32>
    %eq3A_86 = arith.cmpi eq, %iota3A, %eq3A_85 : vector<16xi32>
    %add3A_87 = arith.addf %squeeze3A_34, %squeeze3A_36 : f32
    %mul3A_88 = arith.constant 5.000000e-01 : f32
    %mul3A_89 = arith.mulf %add3A_87, %mul3A_88 : f32
    %broadcast_in_dim3A_90 = vector.broadcast %mul3A_89 : f32 to vector<16xf32>
    %select_n3A_91 = arith.select %eq3A_86, %broadcast_in_dim3A_90, %select_n3A_83 : vector<16xi1>, vector<16xf32>
    %eq3A_92 = arith.constant 6 : i32
    %eq3A_93 = vector.broadcast %eq3A_92 : i32 to vector<16xi32>
    %eq3A_94 = arith.cmpi eq, %iota3A, %eq3A_93 : vector<16xi32>
    %add3A_95 = arith.addf %squeeze3A_36, %squeeze3A_38 : f32
    %mul3A_96 = arith.constant 5.000000e-01 : f32
    %mul3A_97 = arith.mulf %add3A_95, %mul3A_96 : f32
    %broadcast_in_dim3A_98 = vector.broadcast %mul3A_97 : f32 to vector<16xf32>
    %select_n3A_99 = arith.select %eq3A_94, %broadcast_in_dim3A_98, %select_n3A_91 : vector<16xi1>, vector<16xf32>
    %broadcast_in_dim3A_100 = arith.constant 0.000000e+00 : f32
    %broadcast_in_dim3A_101 = vector.broadcast %broadcast_in_dim3A_100 : f32 to vector<16xf32>
    %sub3A = vector.broadcast %squeeze3A_26 : f32 to vector<16xf32>
    %sub3A_102 = arith.subf %select_n3A_99, %sub3A : vector<16xf32>
    %mul3A_103 = vector.broadcast %squeeze3A_40 : f32 to vector<16xf32>
    %mul3A_104 = arith.mulf %mul3A_103, %sub3A_102 : vector<16xf32>
    %abs3A = math.absf %mul3A_104 : vector<16xf32>
    %mul3A_105 = arith.constant -2.000000e+00 : f32
    %mul3A_106 = vector.broadcast %mul3A_105 : f32 to vector<16xf32>
    %mul3A_107 = arith.mulf %mul3A_106, %abs3A : vector<16xf32>
    %exp3A = math.exp %mul3A_107 : vector<16xf32>
    %sign3A = tpu.bitcast %mul3A_104 : vector<16xf32> -> vector<16xi32>
    %sign3A_108 = arith.constant -2147483648 : i32
    %sign3A_109 = vector.broadcast %sign3A_108 : i32 to vector<16xi32>
    %sign3A_110 = arith.andi %sign3A, %sign3A_109 : vector<16xi32>
    %sign3A_111 = arith.constant 1065353216 : i32
    %sign3A_112 = vector.broadcast %sign3A_111 : i32 to vector<16xi32>
    %sign3A_113 = arith.ori %sign3A_112, %sign3A_110 : vector<16xi32>
    %sign3A_114 = tpu.bitcast %sign3A_113 : vector<16xi32> -> vector<16xf32>
    %sign3A_115 = math.absf %mul3A_104 : vector<16xf32>
    %sign3A_116 = arith.constant 0.000000e+00 : f32
    %sign3A_117 = vector.broadcast %sign3A_116 : f32 to vector<16xf32>
    %sign3A_118 = arith.cmpf ogt, %sign3A_115, %sign3A_117 : vector<16xf32>
    %sign3A_119 = arith.select %sign3A_118, %sign3A_114, %mul3A_104 : vector<16xi1>, vector<16xf32>
    %sub3A_120 = arith.constant 1.000000e+00 : f32
    %sub3A_121 = vector.broadcast %sub3A_120 : f32 to vector<16xf32>
    %sub3A_122 = arith.subf %sub3A_121, %exp3A : vector<16xf32>
    %mul3A_123 = arith.mulf %sign3A_119, %sub3A_122 : vector<16xf32>
    %add3A_124 = arith.constant 1.000000e+00 : f32
    %add3A_125 = vector.broadcast %add3A_124 : f32 to vector<16xf32>
    %add3A_126 = arith.addf %add3A_125, %exp3A : vector<16xf32>
    %div3A = arith.divf %mul3A_123, %add3A_126 : vector<16xf32>
    %mul3A_127 = vector.broadcast %squeeze3A : f32 to vector<16xf32>
    %mul3A_128 = arith.mulf %mul3A_127, %div3A : vector<16xf32>
    %add3A_129 = arith.addf %broadcast_in_dim3A_101, %mul3A_128 : vector<16xf32>
    %add3A_130 = arith.constant 0.000000e+00 : f32
    %add3A_131 = arith.addf %add3A_130, %squeeze3A : f32
    %sub3A_132 = vector.broadcast %squeeze3A_28 : f32 to vector<16xf32>
    %sub3A_133 = arith.subf %select_n3A_99, %sub3A_132 : vector<16xf32>
    %mul3A_134 = vector.broadcast %squeeze3A_42 : f32 to vector<16xf32>
    %mul3A_135 = arith.mulf %mul3A_134, %sub3A_133 : vector<16xf32>
    %abs3A_136 = math.absf %mul3A_135 : vector<16xf32>
    %mul3A_137 = arith.constant -2.000000e+00 : f32
    %mul3A_138 = vector.broadcast %mul3A_137 : f32 to vector<16xf32>
    %mul3A_139 = arith.mulf %mul3A_138, %abs3A_136 : vector<16xf32>
    %exp3A_140 = math.exp %mul3A_139 : vector<16xf32>
    %sign3A_141 = tpu.bitcast %mul3A_135 : vector<16xf32> -> vector<16xi32>
    %sign3A_142 = arith.constant -2147483648 : i32
    %sign3A_143 = vector.broadcast %sign3A_142 : i32 to vector<16xi32>
    %sign3A_144 = arith.andi %sign3A_141, %sign3A_143 : vector<16xi32>
    %sign3A_145 = arith.constant 1065353216 : i32
    %sign3A_146 = vector.broadcast %sign3A_145 : i32 to vector<16xi32>
    %sign3A_147 = arith.ori %sign3A_146, %sign3A_144 : vector<16xi32>
    %sign3A_148 = tpu.bitcast %sign3A_147 : vector<16xi32> -> vector<16xf32>
    %sign3A_149 = math.absf %mul3A_135 : vector<16xf32>
    %sign3A_150 = arith.constant 0.000000e+00 : f32
    %sign3A_151 = vector.broadcast %sign3A_150 : f32 to vector<16xf32>
    %sign3A_152 = arith.cmpf ogt, %sign3A_149, %sign3A_151 : vector<16xf32>
    %sign3A_153 = arith.select %sign3A_152, %sign3A_148, %mul3A_135 : vector<16xi1>, vector<16xf32>
    %sub3A_154 = arith.constant 1.000000e+00 : f32
    %sub3A_155 = vector.broadcast %sub3A_154 : f32 to vector<16xf32>
    %sub3A_156 = arith.subf %sub3A_155, %exp3A_140 : vector<16xf32>
    %mul3A_157 = arith.mulf %sign3A_153, %sub3A_156 : vector<16xf32>
    %add3A_158 = arith.constant 1.000000e+00 : f32
    %add3A_159 = vector.broadcast %add3A_158 : f32 to vector<16xf32>
    %add3A_160 = arith.addf %add3A_159, %exp3A_140 : vector<16xf32>
    %div3A_161 = arith.divf %mul3A_157, %add3A_160 : vector<16xf32>
    %mul3A_162 = vector.broadcast %squeeze3A_14 : f32 to vector<16xf32>
    %mul3A_163 = arith.mulf %mul3A_162, %div3A_161 : vector<16xf32>
    %add3A_164 = arith.addf %add3A_129, %mul3A_163 : vector<16xf32>
    %add3A_165 = arith.addf %add3A_131, %squeeze3A_14 : f32
    %sub3A_166 = vector.broadcast %squeeze3A_30 : f32 to vector<16xf32>
    %sub3A_167 = arith.subf %select_n3A_99, %sub3A_166 : vector<16xf32>
    %mul3A_168 = vector.broadcast %squeeze3A_44 : f32 to vector<16xf32>
    %mul3A_169 = arith.mulf %mul3A_168, %sub3A_167 : vector<16xf32>
    %abs3A_170 = math.absf %mul3A_169 : vector<16xf32>
    %mul3A_171 = arith.constant -2.000000e+00 : f32
    %mul3A_172 = vector.broadcast %mul3A_171 : f32 to vector<16xf32>
    %mul3A_173 = arith.mulf %mul3A_172, %abs3A_170 : vector<16xf32>
    %exp3A_174 = math.exp %mul3A_173 : vector<16xf32>
    %sign3A_175 = tpu.bitcast %mul3A_169 : vector<16xf32> -> vector<16xi32>
    %sign3A_176 = arith.constant -2147483648 : i32
    %sign3A_177 = vector.broadcast %sign3A_176 : i32 to vector<16xi32>
    %sign3A_178 = arith.andi %sign3A_175, %sign3A_177 : vector<16xi32>
    %sign3A_179 = arith.constant 1065353216 : i32
    %sign3A_180 = vector.broadcast %sign3A_179 : i32 to vector<16xi32>
    %sign3A_181 = arith.ori %sign3A_180, %sign3A_178 : vector<16xi32>
    %sign3A_182 = tpu.bitcast %sign3A_181 : vector<16xi32> -> vector<16xf32>
    %sign3A_183 = math.absf %mul3A_169 : vector<16xf32>
    %sign3A_184 = arith.constant 0.000000e+00 : f32
    %sign3A_185 = vector.broadcast %sign3A_184 : f32 to vector<16xf32>
    %sign3A_186 = arith.cmpf ogt, %sign3A_183, %sign3A_185 : vector<16xf32>
    %sign3A_187 = arith.select %sign3A_186, %sign3A_182, %mul3A_169 : vector<16xi1>, vector<16xf32>
    %sub3A_188 = arith.constant 1.000000e+00 : f32
    %sub3A_189 = vector.broadcast %sub3A_188 : f32 to vector<16xf32>
    %sub3A_190 = arith.subf %sub3A_189, %exp3A_174 : vector<16xf32>
    %mul3A_191 = arith.mulf %sign3A_187, %sub3A_190 : vector<16xf32>
    %add3A_192 = arith.constant 1.000000e+00 : f32
    %add3A_193 = vector.broadcast %add3A_192 : f32 to vector<16xf32>
    %add3A_194 = arith.addf %add3A_193, %exp3A_174 : vector<16xf32>
    %div3A_195 = arith.divf %mul3A_191, %add3A_194 : vector<16xf32>
    %mul3A_196 = vector.broadcast %squeeze3A_16 : f32 to vector<16xf32>
    %mul3A_197 = arith.mulf %mul3A_196, %div3A_195 : vector<16xf32>
    %add3A_198 = arith.addf %add3A_164, %mul3A_197 : vector<16xf32>
    %add3A_199 = arith.addf %add3A_165, %squeeze3A_16 : f32
    %sub3A_200 = vector.broadcast %squeeze3A_32 : f32 to vector<16xf32>
    %sub3A_201 = arith.subf %select_n3A_99, %sub3A_200 : vector<16xf32>
    %mul3A_202 = vector.broadcast %squeeze3A_46 : f32 to vector<16xf32>
    %mul3A_203 = arith.mulf %mul3A_202, %sub3A_201 : vector<16xf32>
    %abs3A_204 = math.absf %mul3A_203 : vector<16xf32>
    %mul3A_205 = arith.constant -2.000000e+00 : f32
    %mul3A_206 = vector.broadcast %mul3A_205 : f32 to vector<16xf32>
    %mul3A_207 = arith.mulf %mul3A_206, %abs3A_204 : vector<16xf32>
    %exp3A_208 = math.exp %mul3A_207 : vector<16xf32>
    %sign3A_209 = tpu.bitcast %mul3A_203 : vector<16xf32> -> vector<16xi32>
    %sign3A_210 = arith.constant -2147483648 : i32
    %sign3A_211 = vector.broadcast %sign3A_210 : i32 to vector<16xi32>
    %sign3A_212 = arith.andi %sign3A_209, %sign3A_211 : vector<16xi32>
    %sign3A_213 = arith.constant 1065353216 : i32
    %sign3A_214 = vector.broadcast %sign3A_213 : i32 to vector<16xi32>
    %sign3A_215 = arith.ori %sign3A_214, %sign3A_212 : vector<16xi32>
    %sign3A_216 = tpu.bitcast %sign3A_215 : vector<16xi32> -> vector<16xf32>
    %sign3A_217 = math.absf %mul3A_203 : vector<16xf32>
    %sign3A_218 = arith.constant 0.000000e+00 : f32
    %sign3A_219 = vector.broadcast %sign3A_218 : f32 to vector<16xf32>
    %sign3A_220 = arith.cmpf ogt, %sign3A_217, %sign3A_219 : vector<16xf32>
    %sign3A_221 = arith.select %sign3A_220, %sign3A_216, %mul3A_203 : vector<16xi1>, vector<16xf32>
    %sub3A_222 = arith.constant 1.000000e+00 : f32
    %sub3A_223 = vector.broadcast %sub3A_222 : f32 to vector<16xf32>
    %sub3A_224 = arith.subf %sub3A_223, %exp3A_208 : vector<16xf32>
    %mul3A_225 = arith.mulf %sign3A_221, %sub3A_224 : vector<16xf32>
    %add3A_226 = arith.constant 1.000000e+00 : f32
    %add3A_227 = vector.broadcast %add3A_226 : f32 to vector<16xf32>
    %add3A_228 = arith.addf %add3A_227, %exp3A_208 : vector<16xf32>
    %div3A_229 = arith.divf %mul3A_225, %add3A_228 : vector<16xf32>
    %mul3A_230 = vector.broadcast %squeeze3A_18 : f32 to vector<16xf32>
    %mul3A_231 = arith.mulf %mul3A_230, %div3A_229 : vector<16xf32>
    %add3A_232 = arith.addf %add3A_198, %mul3A_231 : vector<16xf32>
    %add3A_233 = arith.addf %add3A_199, %squeeze3A_18 : f32
    %sub3A_234 = vector.broadcast %squeeze3A_34 : f32 to vector<16xf32>
    %sub3A_235 = arith.subf %select_n3A_99, %sub3A_234 : vector<16xf32>
    %mul3A_236 = vector.broadcast %squeeze3A_48 : f32 to vector<16xf32>
    %mul3A_237 = arith.mulf %mul3A_236, %sub3A_235 : vector<16xf32>
    %abs3A_238 = math.absf %mul3A_237 : vector<16xf32>
    %mul3A_239 = arith.constant -2.000000e+00 : f32
    %mul3A_240 = vector.broadcast %mul3A_239 : f32 to vector<16xf32>
    %mul3A_241 = arith.mulf %mul3A_240, %abs3A_238 : vector<16xf32>
    %exp3A_242 = math.exp %mul3A_241 : vector<16xf32>
    %sign3A_243 = tpu.bitcast %mul3A_237 : vector<16xf32> -> vector<16xi32>
    %sign3A_244 = arith.constant -2147483648 : i32
    %sign3A_245 = vector.broadcast %sign3A_244 : i32 to vector<16xi32>
    %sign3A_246 = arith.andi %sign3A_243, %sign3A_245 : vector<16xi32>
    %sign3A_247 = arith.constant 1065353216 : i32
    %sign3A_248 = vector.broadcast %sign3A_247 : i32 to vector<16xi32>
    %sign3A_249 = arith.ori %sign3A_248, %sign3A_246 : vector<16xi32>
    %sign3A_250 = tpu.bitcast %sign3A_249 : vector<16xi32> -> vector<16xf32>
    %sign3A_251 = math.absf %mul3A_237 : vector<16xf32>
    %sign3A_252 = arith.constant 0.000000e+00 : f32
    %sign3A_253 = vector.broadcast %sign3A_252 : f32 to vector<16xf32>
    %sign3A_254 = arith.cmpf ogt, %sign3A_251, %sign3A_253 : vector<16xf32>
    %sign3A_255 = arith.select %sign3A_254, %sign3A_250, %mul3A_237 : vector<16xi1>, vector<16xf32>
    %sub3A_256 = arith.constant 1.000000e+00 : f32
    %sub3A_257 = vector.broadcast %sub3A_256 : f32 to vector<16xf32>
    %sub3A_258 = arith.subf %sub3A_257, %exp3A_242 : vector<16xf32>
    %mul3A_259 = arith.mulf %sign3A_255, %sub3A_258 : vector<16xf32>
    %add3A_260 = arith.constant 1.000000e+00 : f32
    %add3A_261 = vector.broadcast %add3A_260 : f32 to vector<16xf32>
    %add3A_262 = arith.addf %add3A_261, %exp3A_242 : vector<16xf32>
    %div3A_263 = arith.divf %mul3A_259, %add3A_262 : vector<16xf32>
    %mul3A_264 = vector.broadcast %squeeze3A_20 : f32 to vector<16xf32>
    %mul3A_265 = arith.mulf %mul3A_264, %div3A_263 : vector<16xf32>
    %add3A_266 = arith.addf %add3A_232, %mul3A_265 : vector<16xf32>
    %add3A_267 = arith.addf %add3A_233, %squeeze3A_20 : f32
    %sub3A_268 = vector.broadcast %squeeze3A_36 : f32 to vector<16xf32>
    %sub3A_269 = arith.subf %select_n3A_99, %sub3A_268 : vector<16xf32>
    %mul3A_270 = vector.broadcast %squeeze3A_50 : f32 to vector<16xf32>
    %mul3A_271 = arith.mulf %mul3A_270, %sub3A_269 : vector<16xf32>
    %abs3A_272 = math.absf %mul3A_271 : vector<16xf32>
    %mul3A_273 = arith.constant -2.000000e+00 : f32
    %mul3A_274 = vector.broadcast %mul3A_273 : f32 to vector<16xf32>
    %mul3A_275 = arith.mulf %mul3A_274, %abs3A_272 : vector<16xf32>
    %exp3A_276 = math.exp %mul3A_275 : vector<16xf32>
    %sign3A_277 = tpu.bitcast %mul3A_271 : vector<16xf32> -> vector<16xi32>
    %sign3A_278 = arith.constant -2147483648 : i32
    %sign3A_279 = vector.broadcast %sign3A_278 : i32 to vector<16xi32>
    %sign3A_280 = arith.andi %sign3A_277, %sign3A_279 : vector<16xi32>
    %sign3A_281 = arith.constant 1065353216 : i32
    %sign3A_282 = vector.broadcast %sign3A_281 : i32 to vector<16xi32>
    %sign3A_283 = arith.ori %sign3A_282, %sign3A_280 : vector<16xi32>
    %sign3A_284 = tpu.bitcast %sign3A_283 : vector<16xi32> -> vector<16xf32>
    %sign3A_285 = math.absf %mul3A_271 : vector<16xf32>
    %sign3A_286 = arith.constant 0.000000e+00 : f32
    %sign3A_287 = vector.broadcast %sign3A_286 : f32 to vector<16xf32>
    %sign3A_288 = arith.cmpf ogt, %sign3A_285, %sign3A_287 : vector<16xf32>
    %sign3A_289 = arith.select %sign3A_288, %sign3A_284, %mul3A_271 : vector<16xi1>, vector<16xf32>
    %sub3A_290 = arith.constant 1.000000e+00 : f32
    %sub3A_291 = vector.broadcast %sub3A_290 : f32 to vector<16xf32>
    %sub3A_292 = arith.subf %sub3A_291, %exp3A_276 : vector<16xf32>
    %mul3A_293 = arith.mulf %sign3A_289, %sub3A_292 : vector<16xf32>
    %add3A_294 = arith.constant 1.000000e+00 : f32
    %add3A_295 = vector.broadcast %add3A_294 : f32 to vector<16xf32>
    %add3A_296 = arith.addf %add3A_295, %exp3A_276 : vector<16xf32>
    %div3A_297 = arith.divf %mul3A_293, %add3A_296 : vector<16xf32>
    %mul3A_298 = vector.broadcast %squeeze3A_22 : f32 to vector<16xf32>
    %mul3A_299 = arith.mulf %mul3A_298, %div3A_297 : vector<16xf32>
    %add3A_300 = arith.addf %add3A_266, %mul3A_299 : vector<16xf32>
    %add3A_301 = arith.addf %add3A_267, %squeeze3A_22 : f32
    %sub3A_302 = vector.broadcast %squeeze3A_38 : f32 to vector<16xf32>
    %sub3A_303 = arith.subf %select_n3A_99, %sub3A_302 : vector<16xf32>
    %mul3A_304 = vector.broadcast %squeeze3A_52 : f32 to vector<16xf32>
    %mul3A_305 = arith.mulf %mul3A_304, %sub3A_303 : vector<16xf32>
    %abs3A_306 = math.absf %mul3A_305 : vector<16xf32>
    %mul3A_307 = arith.constant -2.000000e+00 : f32
    %mul3A_308 = vector.broadcast %mul3A_307 : f32 to vector<16xf32>
    %mul3A_309 = arith.mulf %mul3A_308, %abs3A_306 : vector<16xf32>
    %exp3A_310 = math.exp %mul3A_309 : vector<16xf32>
    %sign3A_311 = tpu.bitcast %mul3A_305 : vector<16xf32> -> vector<16xi32>
    %sign3A_312 = arith.constant -2147483648 : i32
    %sign3A_313 = vector.broadcast %sign3A_312 : i32 to vector<16xi32>
    %sign3A_314 = arith.andi %sign3A_311, %sign3A_313 : vector<16xi32>
    %sign3A_315 = arith.constant 1065353216 : i32
    %sign3A_316 = vector.broadcast %sign3A_315 : i32 to vector<16xi32>
    %sign3A_317 = arith.ori %sign3A_316, %sign3A_314 : vector<16xi32>
    %sign3A_318 = tpu.bitcast %sign3A_317 : vector<16xi32> -> vector<16xf32>
    %sign3A_319 = math.absf %mul3A_305 : vector<16xf32>
    %sign3A_320 = arith.constant 0.000000e+00 : f32
    %sign3A_321 = vector.broadcast %sign3A_320 : f32 to vector<16xf32>
    %sign3A_322 = arith.cmpf ogt, %sign3A_319, %sign3A_321 : vector<16xf32>
    %sign3A_323 = arith.select %sign3A_322, %sign3A_318, %mul3A_305 : vector<16xi1>, vector<16xf32>
    %sub3A_324 = arith.constant 1.000000e+00 : f32
    %sub3A_325 = vector.broadcast %sub3A_324 : f32 to vector<16xf32>
    %sub3A_326 = arith.subf %sub3A_325, %exp3A_310 : vector<16xf32>
    %mul3A_327 = arith.mulf %sign3A_323, %sub3A_326 : vector<16xf32>
    %add3A_328 = arith.constant 1.000000e+00 : f32
    %add3A_329 = vector.broadcast %add3A_328 : f32 to vector<16xf32>
    %add3A_330 = arith.addf %add3A_329, %exp3A_310 : vector<16xf32>
    %div3A_331 = arith.divf %mul3A_327, %add3A_330 : vector<16xf32>
    %mul3A_332 = vector.broadcast %squeeze3A_24 : f32 to vector<16xf32>
    %mul3A_333 = arith.mulf %mul3A_332, %div3A_331 : vector<16xf32>
    %add3A_334 = arith.addf %add3A_300, %mul3A_333 : vector<16xf32>
    %add3A_335 = arith.addf %add3A_301, %squeeze3A_24 : f32
    %eq3A_336 = arith.constant 0 : i32
    %eq3A_337 = vector.broadcast %eq3A_336 : i32 to vector<16xi32>
    %eq3A_338 = arith.cmpi eq, %iota3A, %eq3A_337 : vector<16xi32>
    %neg3A = arith.constant 0.000000e+00 : f32
    %neg3A_339 = arith.subf %neg3A, %add3A_335 : f32
    %broadcast_in_dim3A_340 = vector.broadcast %neg3A_339 : f32 to vector<16xf32>
    %select_n3A_341 = arith.select %eq3A_338, %broadcast_in_dim3A_340, %add3A_334 : vector<16xi1>, vector<16xf32>
    %eq3A_342 = arith.constant 7 : i32
    %eq3A_343 = vector.broadcast %eq3A_342 : i32 to vector<16xi32>
    %eq3A_344 = arith.cmpi eq, %iota3A, %eq3A_343 : vector<16xi32>
    %broadcast_in_dim3A_345 = vector.broadcast %add3A_335 : f32 to vector<16xf32>
    %select_n3A_346 = arith.select %eq3A_344, %broadcast_in_dim3A_345, %select_n3A_341 : vector<16xi1>, vector<16xf32>
    %swap3A = arith.constant 0 : index
    %swap3A_347 = tpu.vector_load %arg11[%swap3A] {strides = array<i32>} : memref<16xf32, #tpu.memory_space<vmem>>, vector<16xf32>,
    tpu.vector_store %arg11[%swap3A], %select_n3A_346 {strides = array<i32>} : memref<16xf32, #tpu.memory_space<vmem>>, vector<16xf32>,
    %bitcast3A = vector.bitcast %get3A_10 : vector<16xf32> to vector<16xi32>
    %eq3A_348 = arith.constant 0.000000e+00 : f32
    %eq3A_349 = vector.broadcast %eq3A_348 : f32 to vector<16xf32>
    %eq3A_350 = arith.cmpf oeq, %get3A_10, %eq3A_349 : vector<16xf32>
    %gt3A = arith.constant 0.000000e+00 : f32
    %gt3A_351 = vector.broadcast %gt3A : f32 to vector<16xf32>
    %gt3A_352 = arith.cmpf ogt, %get3A_10, %gt3A_351 : vector<16xf32>
    %add3A_353 = arith.constant 1 : i32
    %add3A_354 = vector.broadcast %add3A_353 : i32 to vector<16xi32>
    %add3A_355 = arith.addi %bitcast3A, %add3A_354 : vector<16xi32>
    %sub3A_356 = arith.constant 1 : i32
    %sub3A_357 = vector.broadcast %sub3A_356 : i32 to vector<16xi32>
    %sub3A_358 = arith.subi %bitcast3A, %sub3A_357 : vector<16xi32>
    %select_n3A_359 = arith.select %gt3A_352, %add3A_355, %sub3A_358 : vector<16xi1>, vector<16xi32>
    %jit3A = arith.constant 1 : i32
    %broadcast_in_dim3A_360 = vector.broadcast %jit3A : i32 to vector<16xi32>
    %select_n3A_361 = arith.select %eq3A_350, %broadcast_in_dim3A_360, %select_n3A_359 : vector<16xi1>, vector<16xi32>
    %bitcast3A_362 = vector.bitcast %select_n3A_361 : vector<16xi32> to vector<16xf32>
    %broadcast_in_dim3A_363 = arith.constant 0.000000e+00 : f32
    %broadcast_in_dim3A_364 = vector.broadcast %broadcast_in_dim3A_363 : f32 to vector<16xf32>
    %eq3A_365 = arith.constant 1 : i32
    %eq3A_366 = vector.broadcast %eq3A_365 : i32 to vector<16xi32>
    %eq3A_367 = arith.cmpi eq, %iota3A, %eq3A_366 : vector<16xi32>
    %slice3A_368 = vector.extract_strided_slice %bitcast3A_362 {offsets = [0], sizes = [1], strides = [1]} : vector<16xf32> to vector<1xf32>
    %squeeze3A_369 = vector.extract %slice3A_368[0] : f32 from vector<1xf32>
    %broadcast_in_dim3A_370 = vector.broadcast %squeeze3A_369 : f32 to vector<16xf32>
    %select_n3A_371 = arith.select %eq3A_367, %broadcast_in_dim3A_370, %broadcast_in_dim3A_364 : vector<16xi1>, vector<16xf32>
    %eq3A_372 = arith.constant 2 : i32
    %eq3A_373 = vector.broadcast %eq3A_372 : i32 to vector<16xi32>
    %eq3A_374 = arith.cmpi eq, %iota3A, %eq3A_373 : vector<16xi32>
    %broadcast_in_dim3A_375 = vector.broadcast %squeeze3A_28 : f32 to vector<16xf32>
    %select_n3A_376 = arith.select %eq3A_374, %broadcast_in_dim3A_375, %select_n3A_371 : vector<16xi1>, vector<16xf32>
    %eq3A_377 = arith.constant 3 : i32
    %eq3A_378 = vector.broadcast %eq3A_377 : i32 to vector<16xi32>
    %eq3A_379 = arith.cmpi eq, %iota3A, %eq3A_378 : vector<16xi32>
    %broadcast_in_dim3A_380 = vector.broadcast %squeeze3A_30 : f32 to vector<16xf32>
    %select_n3A_381 = arith.select %eq3A_379, %broadcast_in_dim3A_380, %select_n3A_376 : vector<16xi1>, vector<16xf32>
    %eq3A_382 = arith.constant 4 : i32
    %eq3A_383 = vector.broadcast %eq3A_382 : i32 to vector<16xi32>
    %eq3A_384 = arith.cmpi eq, %iota3A, %eq3A_383 : vector<16xi32>
    %broadcast_in_dim3A_385 = vector.broadcast %squeeze3A_32 : f32 to vector<16xf32>
    %select_n3A_386 = arith.select %eq3A_384, %broadcast_in_dim3A_385, %select_n3A_381 : vector<16xi1>, vector<16xf32>
    %eq3A_387 = arith.constant 5 : i32
    %eq3A_388 = vector.broadcast %eq3A_387 : i32 to vector<16xi32>
    %eq3A_389 = arith.cmpi eq, %iota3A, %eq3A_388 : vector<16xi32>
    %broadcast_in_dim3A_390 = vector.broadcast %squeeze3A_34 : f32 to vector<16xf32>
    %select_n3A_391 = arith.select %eq3A_389, %broadcast_in_dim3A_390, %select_n3A_386 : vector<16xi1>, vector<16xf32>
    %eq3A_392 = arith.constant 6 : i32
    %eq3A_393 = vector.broadcast %eq3A_392 : i32 to vector<16xi32>
    %eq3A_394 = arith.cmpi eq, %iota3A, %eq3A_393 : vector<16xi32>
    %broadcast_in_dim3A_395 = vector.broadcast %squeeze3A_36 : f32 to vector<16xf32>
    %select_n3A_396 = arith.select %eq3A_394, %broadcast_in_dim3A_395, %select_n3A_391 : vector<16xi1>, vector<16xf32>
    %eq3A_397 = arith.constant 7 : i32
    %eq3A_398 = vector.broadcast %eq3A_397 : i32 to vector<16xi32>
    %eq3A_399 = arith.cmpi eq, %iota3A, %eq3A_398 : vector<16xi32>
    %slice3A_400 = vector.extract_strided_slice %bitcast3A_362 {offsets = [6], sizes = [1], strides = [1]} : vector<16xf32> to vector<1xf32>
    %squeeze3A_401 = vector.extract %slice3A_400[0] : f32 from vector<1xf32>
    %broadcast_in_dim3A_402 = vector.broadcast %squeeze3A_401 : f32 to vector<16xf32>
    %select_n3A_403 = arith.select %eq3A_399, %broadcast_in_dim3A_402, %select_n3A_396 : vector<16xi1>, vector<16xf32>
    %swap3A_404 = arith.constant 0 : index
    %swap3A_405 = tpu.vector_load %arg10[%swap3A_404] {strides = array<i32>} : memref<16xf32, #tpu.memory_space<vmem>>, vector<16xf32>,
    tpu.vector_store %arg10[%swap3A_404], %select_n3A_403 {strides = array<i32>} : memref<16xf32, #tpu.memory_space<vmem>>, vector<16xf32>,
    %slice3A_406 = vector.extract_strided_slice %select_n3A_403 {offsets = [2], sizes = [1], strides = [1]} : vector<16xf32> to vector<1xf32>
    %squeeze3A_407 = vector.extract %slice3A_406[0] : f32 from vector<1xf32>
    %broadcast_in_dim3A_408 = vector.broadcast %squeeze3A_407 : f32 to vector<16xf32>
    %slice3A_409 = vector.extract_strided_slice %select_n3A_403 {offsets = [4], sizes = [1], strides = [1]} : vector<16xf32> to vector<1xf32>
    %squeeze3A_410 = vector.extract %slice3A_409[0] : f32 from vector<1xf32>
    %broadcast_in_dim3A_411 = vector.broadcast %squeeze3A_410 : f32 to vector<16xf32>
    %slice3A_412 = vector.extract_strided_slice %select_n3A_403 {offsets = [6], sizes = [1], strides = [1]} : vector<16xf32> to vector<1xf32>
    %squeeze3A_413 = vector.extract %slice3A_412[0] : f32 from vector<1xf32>
    %broadcast_in_dim3A_414 = vector.broadcast %squeeze3A_413 : f32 to vector<16xf32>
    %broadcast_in_dim3A_415 = arith.constant 0 : i32
    %broadcast_in_dim3A_416 = vector.broadcast %broadcast_in_dim3A_415 : i32 to vector<16xi32>
    %broadcast_in_dim3A_417 = arith.constant 1 : i32
    %broadcast_in_dim3A_418 = vector.broadcast %broadcast_in_dim3A_417 : i32 to vector<16xi32>
    %broadcast_in_dim3A_419 = arith.constant 2 : i32
    %broadcast_in_dim3A_420 = vector.broadcast %broadcast_in_dim3A_419 : i32 to vector<16xi32>
    %broadcast_in_dim3A_421 = arith.constant 4 : i32
    %broadcast_in_dim3A_422 = vector.broadcast %broadcast_in_dim3A_421 : i32 to vector<16xi32>
    %broadcast_in_dim3A_423 = arith.constant 6 : i32
    %broadcast_in_dim3A_424 = vector.broadcast %broadcast_in_dim3A_423 : i32 to vector<16xi32>
    %add3A_425 = arith.constant 0 : i32
    %add3A_426 = arith.addi %mul3A_2, %add3A_425 : i32
    %dma_wait3A = tpu.memref_slice %arg2[%add3A_426] : memref<4194304xf32, #tpu.memory_space<hbm>> -> memref<16384xf32, #tpu.memory_space<hbm>>
    %dma_wait3A_427 = tpu.memref_slice %arg2[%add3A_426] : memref<4194304xf32, #tpu.memory_space<hbm>> -> memref<16384xf32, #tpu.memory_space<hbm>>
    tpu.wait_dma2 semaphore(%arg16 : memref<!tpu.dma_semaphore, #tpu.memory_space<semaphore_mem>>) src(%dma_wait3A_427 : memref<16384xf32, #tpu.memory_space<hbm>>) dst(%arg12 : memref<16384xf32, #tpu.memory_space<vmem>>)
    %parallel_loop3A = arith.constant 0 : i32
    %parallel_loop3A_428 = arith.constant 16384 : i32
    %parallel_loop3A_429 = arith.constant 16 : i32
    scf.for %parallel_loop3A_567 = %parallel_loop3A to %parallel_loop3A_428 step %parallel_loop3A_429  : i32 {
      %parallel_loop3A_568 = arith.index_cast %parallel_loop3A_567 : i32 to index
      %parallel_loop3A_569 = tpu.vector_load %arg12[%parallel_loop3A_568] {strides = array<i32>} : memref<16384xf32, #tpu.memory_space<vmem>>, vector<16xf32>,
      %parallel_loop3A_570 = arith.cmpf oge, %parallel_loop3A_569, %broadcast_in_dim3A_408 : vector<16xf32>
      %parallel_loop3A_571 = arith.cmpf oge, %parallel_loop3A_569, %broadcast_in_dim3A_411 : vector<16xf32>
      %parallel_loop3A_572 = arith.cmpf oge, %parallel_loop3A_569, %broadcast_in_dim3A_414 : vector<16xf32>
      %parallel_loop3A_573 = arith.select %parallel_loop3A_572, %broadcast_in_dim3A_424, %broadcast_in_dim3A_422 : vector<16xi1>, vector<16xi32>
      %parallel_loop3A_574 = arith.select %parallel_loop3A_570, %broadcast_in_dim3A_420, %broadcast_in_dim3A_416 : vector<16xi1>, vector<16xi32>
      %parallel_loop3A_575 = arith.select %parallel_loop3A_571, %parallel_loop3A_573, %parallel_loop3A_574 : vector<16xi1>, vector<16xi32>
      %parallel_loop3A_576 = arith.addi %parallel_loop3A_575, %broadcast_in_dim3A_418 : vector<16xi32>
      %parallel_loop3A_577 = tpu.vector_load_idx %arg10[%parallel_loop3A_576] : memref<16xf32, #tpu.memory_space<vmem>>[vector<16xi32>], vector<16xf32>,
      %parallel_loop3A_578 = arith.cmpf oge, %parallel_loop3A_569, %parallel_loop3A_577 : vector<16xf32>
      %parallel_loop3A_579 = arith.select %parallel_loop3A_578, %parallel_loop3A_576, %parallel_loop3A_575 : vector<16xi1>, vector<16xi32>
      %parallel_loop3A_580 = tpu.vector_load_idx %arg11[%parallel_loop3A_579] : memref<16xf32, #tpu.memory_space<vmem>>[vector<16xi32>], vector<16xf32>,
      %parallel_loop3A_581 = arith.index_cast %parallel_loop3A_567 : i32 to index
      %parallel_loop3A_582 = tpu.vector_load %arg14[%parallel_loop3A_581] {strides = array<i32>} : memref<16384xf32, #tpu.memory_space<vmem>>, vector<16xf32>,
      tpu.vector_store %arg14[%parallel_loop3A_581], %parallel_loop3A_580 {strides = array<i32>} : memref<16384xf32, #tpu.memory_space<vmem>>, vector<16xf32>,
    } {sc.loop_unroll_factor = 8 : i64, sc.parallel_access}
    %add3A_430 = arith.constant 0 : i32
    %add3A_431 = arith.addi %mul3A_2, %add3A_430 : i32
    %dma_start3A_432 = tpu.memref_slice %arg6[%add3A_431] : memref<4194304xf32, #tpu.memory_space<hbm>> -> memref<16384xf32, #tpu.memory_space<hbm>>
    %dma_start3A_433 = tpu.memref_slice %arg6[%add3A_431] : memref<4194304xf32, #tpu.memory_space<hbm>> -> memref<16384xf32, #tpu.memory_space<hbm>>
    tpu.enqueue_dma source(%arg14 : memref<16384xf32, #tpu.memory_space<vmem>>) target(%dma_start3A_433 : memref<16384xf32, #tpu.memory_space<hbm>>) target_semaphore(%arg18 : memref<!tpu.dma_semaphore, #tpu.memory_space<semaphore_mem>>)
    %add3A_434 = arith.constant 32768 : i32
    %add3A_435 = arith.addi %mul3A_2, %add3A_434 : i32
    %dma_start3A_436 = tpu.memref_slice %arg2[%add3A_435] : memref<4194304xf32, #tpu.memory_space<hbm>> -> memref<16384xf32, #tpu.memory_space<hbm>>
    %dma_start3A_437 = tpu.memref_slice %arg2[%add3A_435] : memref<4194304xf32, #tpu.memory_space<hbm>> -> memref<16384xf32, #tpu.memory_space<hbm>>
    tpu.enqueue_dma source(%dma_start3A_437 : memref<16384xf32, #tpu.memory_space<hbm>>) target(%arg12 : memref<16384xf32, #tpu.memory_space<vmem>>) target_semaphore(%arg16 : memref<!tpu.dma_semaphore, #tpu.memory_space<semaphore_mem>>)
    %add3A_438 = arith.constant 16384 : i32
    %add3A_439 = arith.addi %mul3A_2, %add3A_438 : i32
    %dma_wait3A_440 = tpu.memref_slice %arg2[%add3A_439] : memref<4194304xf32, #tpu.memory_space<hbm>> -> memref<16384xf32, #tpu.memory_space<hbm>>
    %dma_wait3A_441 = tpu.memref_slice %arg2[%add3A_439] : memref<4194304xf32, #tpu.memory_space<hbm>> -> memref<16384xf32, #tpu.memory_space<hbm>>
    tpu.wait_dma2 semaphore(%arg17 : memref<!tpu.dma_semaphore, #tpu.memory_space<semaphore_mem>>) src(%dma_wait3A_441 : memref<16384xf32, #tpu.memory_space<hbm>>) dst(%arg13 : memref<16384xf32, #tpu.memory_space<vmem>>)
    %parallel_loop3A_442 = arith.constant 0 : i32
    %parallel_loop3A_443 = arith.constant 16384 : i32
    %parallel_loop3A_444 = arith.constant 16 : i32
    scf.for %parallel_loop3A_567 = %parallel_loop3A_442 to %parallel_loop3A_443 step %parallel_loop3A_444  : i32 {
      %parallel_loop3A_568 = arith.index_cast %parallel_loop3A_567 : i32 to index
      %parallel_loop3A_569 = tpu.vector_load %arg13[%parallel_loop3A_568] {strides = array<i32>} : memref<16384xf32, #tpu.memory_space<vmem>>, vector<16xf32>,
      %parallel_loop3A_570 = arith.cmpf oge, %parallel_loop3A_569, %broadcast_in_dim3A_408 : vector<16xf32>
      %parallel_loop3A_571 = arith.cmpf oge, %parallel_loop3A_569, %broadcast_in_dim3A_411 : vector<16xf32>
      %parallel_loop3A_572 = arith.cmpf oge, %parallel_loop3A_569, %broadcast_in_dim3A_414 : vector<16xf32>
      %parallel_loop3A_573 = arith.select %parallel_loop3A_572, %broadcast_in_dim3A_424, %broadcast_in_dim3A_422 : vector<16xi1>, vector<16xi32>
      %parallel_loop3A_574 = arith.select %parallel_loop3A_570, %broadcast_in_dim3A_420, %broadcast_in_dim3A_416 : vector<16xi1>, vector<16xi32>
      %parallel_loop3A_575 = arith.select %parallel_loop3A_571, %parallel_loop3A_573, %parallel_loop3A_574 : vector<16xi1>, vector<16xi32>
      %parallel_loop3A_576 = arith.addi %parallel_loop3A_575, %broadcast_in_dim3A_418 : vector<16xi32>
      %parallel_loop3A_577 = tpu.vector_load_idx %arg10[%parallel_loop3A_576] : memref<16xf32, #tpu.memory_space<vmem>>[vector<16xi32>], vector<16xf32>,
      %parallel_loop3A_578 = arith.cmpf oge, %parallel_loop3A_569, %parallel_loop3A_577 : vector<16xf32>
      %parallel_loop3A_579 = arith.select %parallel_loop3A_578, %parallel_loop3A_576, %parallel_loop3A_575 : vector<16xi1>, vector<16xi32>
      %parallel_loop3A_580 = tpu.vector_load_idx %arg11[%parallel_loop3A_579] : memref<16xf32, #tpu.memory_space<vmem>>[vector<16xi32>], vector<16xf32>,
      %parallel_loop3A_581 = arith.index_cast %parallel_loop3A_567 : i32 to index
      %parallel_loop3A_582 = tpu.vector_load %arg15[%parallel_loop3A_581] {strides = array<i32>} : memref<16384xf32, #tpu.memory_space<vmem>>, vector<16xf32>,
      tpu.vector_store %arg15[%parallel_loop3A_581], %parallel_loop3A_580 {strides = array<i32>} : memref<16384xf32, #tpu.memory_space<vmem>>, vector<16xf32>,
    } {sc.loop_unroll_factor = 8 : i64, sc.parallel_access}
    %add3A_445 = arith.constant 16384 : i32
    %add3A_446 = arith.addi %mul3A_2, %add3A_445 : i32
    %dma_start3A_447 = tpu.memref_slice %arg6[%add3A_446] : memref<4194304xf32, #tpu.memory_space<hbm>> -> memref<16384xf32, #tpu.memory_space<hbm>>
    %dma_start3A_448 = tpu.memref_slice %arg6[%add3A_446] : memref<4194304xf32, #tpu.memory_space<hbm>> -> memref<16384xf32, #tpu.memory_space<hbm>>
    tpu.enqueue_dma source(%arg15 : memref<16384xf32, #tpu.memory_space<vmem>>) target(%dma_start3A_448 : memref<16384xf32, #tpu.memory_space<hbm>>) target_semaphore(%arg19 : memref<!tpu.dma_semaphore, #tpu.memory_space<semaphore_mem>>)
    %add3A_449 = arith.constant 49152 : i32
    %add3A_450 = arith.addi %mul3A_2, %add3A_449 : i32
    %dma_start3A_451 = tpu.memref_slice %arg2[%add3A_450] : memref<4194304xf32, #tpu.memory_space<hbm>> -> memref<16384xf32, #tpu.memory_space<hbm>>
    %dma_start3A_452 = tpu.memref_slice %arg2[%add3A_450] : memref<4194304xf32, #tpu.memory_space<hbm>> -> memref<16384xf32, #tpu.memory_space<hbm>>
    tpu.enqueue_dma source(%dma_start3A_452 : memref<16384xf32, #tpu.memory_space<hbm>>) target(%arg13 : memref<16384xf32, #tpu.memory_space<vmem>>) target_semaphore(%arg17 : memref<!tpu.dma_semaphore, #tpu.memory_space<semaphore_mem>>)
    %add3A_453 = arith.constant 32768 : i32
    %add3A_454 = arith.addi %mul3A_2, %add3A_453 : i32
    %dma_wait3A_455 = tpu.memref_slice %arg2[%add3A_454] : memref<4194304xf32, #tpu.memory_space<hbm>> -> memref<16384xf32, #tpu.memory_space<hbm>>
    %dma_wait3A_456 = tpu.memref_slice %arg2[%add3A_454] : memref<4194304xf32, #tpu.memory_space<hbm>> -> memref<16384xf32, #tpu.memory_space<hbm>>
    tpu.wait_dma2 semaphore(%arg16 : memref<!tpu.dma_semaphore, #tpu.memory_space<semaphore_mem>>) src(%dma_wait3A_456 : memref<16384xf32, #tpu.memory_space<hbm>>) dst(%arg12 : memref<16384xf32, #tpu.memory_space<vmem>>)
    %add3A_457 = arith.constant 0 : i32
    %add3A_458 = arith.addi %mul3A_2, %add3A_457 : i32
    %dma_wait3A_459 = tpu.memref_slice %arg6[%add3A_458] : memref<4194304xf32, #tpu.memory_space<hbm>> -> memref<16384xf32, #tpu.memory_space<hbm>>
    %dma_wait3A_460 = tpu.memref_slice %arg6[%add3A_458] : memref<4194304xf32, #tpu.memory_space<hbm>> -> memref<16384xf32, #tpu.memory_space<hbm>>
    tpu.wait_dma2 semaphore(%arg18 : memref<!tpu.dma_semaphore, #tpu.memory_space<semaphore_mem>>) src(%arg14 : memref<16384xf32, #tpu.memory_space<vmem>>) dst(%dma_wait3A_460 : memref<16384xf32, #tpu.memory_space<hbm>>)
    %parallel_loop3A_461 = arith.constant 0 : i32
    %parallel_loop3A_462 = arith.constant 16384 : i32
    %parallel_loop3A_463 = arith.constant 16 : i32
    scf.for %parallel_loop3A_567 = %parallel_loop3A_461 to %parallel_loop3A_462 step %parallel_loop3A_463  : i32 {
      %parallel_loop3A_568 = arith.index_cast %parallel_loop3A_567 : i32 to index
      %parallel_loop3A_569 = tpu.vector_load %arg12[%parallel_loop3A_568] {strides = array<i32>} : memref<16384xf32, #tpu.memory_space<vmem>>, vector<16xf32>,
      %parallel_loop3A_570 = arith.cmpf oge, %parallel_loop3A_569, %broadcast_in_dim3A_408 : vector<16xf32>
      %parallel_loop3A_571 = arith.cmpf oge, %parallel_loop3A_569, %broadcast_in_dim3A_411 : vector<16xf32>
      %parallel_loop3A_572 = arith.cmpf oge, %parallel_loop3A_569, %broadcast_in_dim3A_414 : vector<16xf32>
      %parallel_loop3A_573 = arith.select %parallel_loop3A_572, %broadcast_in_dim3A_424, %broadcast_in_dim3A_422 : vector<16xi1>, vector<16xi32>
      %parallel_loop3A_574 = arith.select %parallel_loop3A_570, %broadcast_in_dim3A_420, %broadcast_in_dim3A_416 : vector<16xi1>, vector<16xi32>
      %parallel_loop3A_575 = arith.select %parallel_loop3A_571, %parallel_loop3A_573, %parallel_loop3A_574 : vector<16xi1>, vector<16xi32>
      %parallel_loop3A_576 = arith.addi %parallel_loop3A_575, %broadcast_in_dim3A_418 : vector<16xi32>
      %parallel_loop3A_577 = tpu.vector_load_idx %arg10[%parallel_loop3A_576] : memref<16xf32, #tpu.memory_space<vmem>>[vector<16xi32>], vector<16xf32>,
      %parallel_loop3A_578 = arith.cmpf oge, %parallel_loop3A_569, %parallel_loop3A_577 : vector<16xf32>
      %parallel_loop3A_579 = arith.select %parallel_loop3A_578, %parallel_loop3A_576, %parallel_loop3A_575 : vector<16xi1>, vector<16xi32>
      %parallel_loop3A_580 = tpu.vector_load_idx %arg11[%parallel_loop3A_579] : memref<16xf32, #tpu.memory_space<vmem>>[vector<16xi32>], vector<16xf32>,
      %parallel_loop3A_581 = arith.index_cast %parallel_loop3A_567 : i32 to index
      %parallel_loop3A_582 = tpu.vector_load %arg14[%parallel_loop3A_581] {strides = array<i32>} : memref<16384xf32, #tpu.memory_space<vmem>>, vector<16xf32>,
      tpu.vector_store %arg14[%parallel_loop3A_581], %parallel_loop3A_580 {strides = array<i32>} : memref<16384xf32, #tpu.memory_space<vmem>>, vector<16xf32>,
    } {sc.loop_unroll_factor = 8 : i64, sc.parallel_access}
    %add3A_464 = arith.constant 32768 : i32
    %add3A_465 = arith.addi %mul3A_2, %add3A_464 : i32
    %dma_start3A_466 = tpu.memref_slice %arg6[%add3A_465] : memref<4194304xf32, #tpu.memory_space<hbm>> -> memref<16384xf32, #tpu.memory_space<hbm>>
    %dma_start3A_467 = tpu.memref_slice %arg6[%add3A_465] : memref<4194304xf32, #tpu.memory_space<hbm>> -> memref<16384xf32, #tpu.memory_space<hbm>>
    tpu.enqueue_dma source(%arg14 : memref<16384xf32, #tpu.memory_space<vmem>>) target(%dma_start3A_467 : memref<16384xf32, #tpu.memory_space<hbm>>) target_semaphore(%arg18 : memref<!tpu.dma_semaphore, #tpu.memory_space<semaphore_mem>>)
    %add3A_468 = arith.constant 65536 : i32
    %add3A_469 = arith.addi %mul3A_2, %add3A_468 : i32
    %dma_start3A_470 = tpu.memref_slice %arg2[%add3A_469] : memref<4194304xf32, #tpu.memory_space<hbm>> -> memref<16384xf32, #tpu.memory_space<hbm>>
    %dma_start3A_471 = tpu.memref_slice %arg2[%add3A_469] : memref<4194304xf32, #tpu.memory_space<hbm>> -> memref<16384xf32, #tpu.memory_space<hbm>>
    tpu.enqueue_dma source(%dma_start3A_471 : memref<16384xf32, #tpu.memory_space<hbm>>) target(%arg12 : memref<16384xf32, #tpu.memory_space<vmem>>) target_semaphore(%arg16 : memref<!tpu.dma_semaphore, #tpu.memory_space<semaphore_mem>>)
    %add3A_472 = arith.constant 49152 : i32
    %add3A_473 = arith.addi %mul3A_2, %add3A_472 : i32
    %dma_wait3A_474 = tpu.memref_slice %arg2[%add3A_473] : memref<4194304xf32, #tpu.memory_space<hbm>> -> memref<16384xf32, #tpu.memory_space<hbm>>
    %dma_wait3A_475 = tpu.memref_slice %arg2[%add3A_473] : memref<4194304xf32, #tpu.memory_space<hbm>> -> memref<16384xf32, #tpu.memory_space<hbm>>
    tpu.wait_dma2 semaphore(%arg17 : memref<!tpu.dma_semaphore, #tpu.memory_space<semaphore_mem>>) src(%dma_wait3A_475 : memref<16384xf32, #tpu.memory_space<hbm>>) dst(%arg13 : memref<16384xf32, #tpu.memory_space<vmem>>)
    %add3A_476 = arith.constant 16384 : i32
    %add3A_477 = arith.addi %mul3A_2, %add3A_476 : i32
    %dma_wait3A_478 = tpu.memref_slice %arg6[%add3A_477] : memref<4194304xf32, #tpu.memory_space<hbm>> -> memref<16384xf32, #tpu.memory_space<hbm>>
    %dma_wait3A_479 = tpu.memref_slice %arg6[%add3A_477] : memref<4194304xf32, #tpu.memory_space<hbm>> -> memref<16384xf32, #tpu.memory_space<hbm>>
    tpu.wait_dma2 semaphore(%arg19 : memref<!tpu.dma_semaphore, #tpu.memory_space<semaphore_mem>>) src(%arg15 : memref<16384xf32, #tpu.memory_space<vmem>>) dst(%dma_wait3A_479 : memref<16384xf32, #tpu.memory_space<hbm>>)
    %parallel_loop3A_480 = arith.constant 0 : i32
    %parallel_loop3A_481 = arith.constant 16384 : i32
    %parallel_loop3A_482 = arith.constant 16 : i32
    scf.for %parallel_loop3A_567 = %parallel_loop3A_480 to %parallel_loop3A_481 step %parallel_loop3A_482  : i32 {
      %parallel_loop3A_568 = arith.index_cast %parallel_loop3A_567 : i32 to index
      %parallel_loop3A_569 = tpu.vector_load %arg13[%parallel_loop3A_568] {strides = array<i32>} : memref<16384xf32, #tpu.memory_space<vmem>>, vector<16xf32>,
      %parallel_loop3A_570 = arith.cmpf oge, %parallel_loop3A_569, %broadcast_in_dim3A_408 : vector<16xf32>
      %parallel_loop3A_571 = arith.cmpf oge, %parallel_loop3A_569, %broadcast_in_dim3A_411 : vector<16xf32>
      %parallel_loop3A_572 = arith.cmpf oge, %parallel_loop3A_569, %broadcast_in_dim3A_414 : vector<16xf32>
      %parallel_loop3A_573 = arith.select %parallel_loop3A_572, %broadcast_in_dim3A_424, %broadcast_in_dim3A_422 : vector<16xi1>, vector<16xi32>
      %parallel_loop3A_574 = arith.select %parallel_loop3A_570, %broadcast_in_dim3A_420, %broadcast_in_dim3A_416 : vector<16xi1>, vector<16xi32>
      %parallel_loop3A_575 = arith.select %parallel_loop3A_571, %parallel_loop3A_573, %parallel_loop3A_574 : vector<16xi1>, vector<16xi32>
      %parallel_loop3A_576 = arith.addi %parallel_loop3A_575, %broadcast_in_dim3A_418 : vector<16xi32>
      %parallel_loop3A_577 = tpu.vector_load_idx %arg10[%parallel_loop3A_576] : memref<16xf32, #tpu.memory_space<vmem>>[vector<16xi32>], vector<16xf32>,
      %parallel_loop3A_578 = arith.cmpf oge, %parallel_loop3A_569, %parallel_loop3A_577 : vector<16xf32>
      %parallel_loop3A_579 = arith.select %parallel_loop3A_578, %parallel_loop3A_576, %parallel_loop3A_575 : vector<16xi1>, vector<16xi32>
      %parallel_loop3A_580 = tpu.vector_load_idx %arg11[%parallel_loop3A_579] : memref<16xf32, #tpu.memory_space<vmem>>[vector<16xi32>], vector<16xf32>,
      %parallel_loop3A_581 = arith.index_cast %parallel_loop3A_567 : i32 to index
      %parallel_loop3A_582 = tpu.vector_load %arg15[%parallel_loop3A_581] {strides = array<i32>} : memref<16384xf32, #tpu.memory_space<vmem>>, vector<16xf32>,
      tpu.vector_store %arg15[%parallel_loop3A_581], %parallel_loop3A_580 {strides = array<i32>} : memref<16384xf32, #tpu.memory_space<vmem>>, vector<16xf32>,
    } {sc.loop_unroll_factor = 8 : i64, sc.parallel_access}
    %add3A_483 = arith.constant 49152 : i32
    %add3A_484 = arith.addi %mul3A_2, %add3A_483 : i32
    %dma_start3A_485 = tpu.memref_slice %arg6[%add3A_484] : memref<4194304xf32, #tpu.memory_space<hbm>> -> memref<16384xf32, #tpu.memory_space<hbm>>
    %dma_start3A_486 = tpu.memref_slice %arg6[%add3A_484] : memref<4194304xf32, #tpu.memory_space<hbm>> -> memref<16384xf32, #tpu.memory_space<hbm>>
    tpu.enqueue_dma source(%arg15 : memref<16384xf32, #tpu.memory_space<vmem>>) target(%dma_start3A_486 : memref<16384xf32, #tpu.memory_space<hbm>>) target_semaphore(%arg19 : memref<!tpu.dma_semaphore, #tpu.memory_space<semaphore_mem>>)
    %add3A_487 = arith.constant 81920 : i32
    %add3A_488 = arith.addi %mul3A_2, %add3A_487 : i32
    %dma_start3A_489 = tpu.memref_slice %arg2[%add3A_488] : memref<4194304xf32, #tpu.memory_space<hbm>> -> memref<16384xf32, #tpu.memory_space<hbm>>
    %dma_start3A_490 = tpu.memref_slice %arg2[%add3A_488] : memref<4194304xf32, #tpu.memory_space<hbm>> -> memref<16384xf32, #tpu.memory_space<hbm>>
    tpu.enqueue_dma source(%dma_start3A_490 : memref<16384xf32, #tpu.memory_space<hbm>>) target(%arg13 : memref<16384xf32, #tpu.memory_space<vmem>>) target_semaphore(%arg17 : memref<!tpu.dma_semaphore, #tpu.memory_space<semaphore_mem>>)
    %add3A_491 = arith.constant 65536 : i32
    %add3A_492 = arith.addi %mul3A_2, %add3A_491 : i32
    %dma_wait3A_493 = tpu.memref_slice %arg2[%add3A_492] : memref<4194304xf32, #tpu.memory_space<hbm>> -> memref<16384xf32, #tpu.memory_space<hbm>>
    %dma_wait3A_494 = tpu.memref_slice %arg2[%add3A_492] : memref<4194304xf32, #tpu.memory_space<hbm>> -> memref<16384xf32, #tpu.memory_space<hbm>>
    tpu.wait_dma2 semaphore(%arg16 : memref<!tpu.dma_semaphore, #tpu.memory_space<semaphore_mem>>) src(%dma_wait3A_494 : memref<16384xf32, #tpu.memory_space<hbm>>) dst(%arg12 : memref<16384xf32, #tpu.memory_space<vmem>>)
    %add3A_495 = arith.constant 32768 : i32
    %add3A_496 = arith.addi %mul3A_2, %add3A_495 : i32
    %dma_wait3A_497 = tpu.memref_slice %arg6[%add3A_496] : memref<4194304xf32, #tpu.memory_space<hbm>> -> memref<16384xf32, #tpu.memory_space<hbm>>
    %dma_wait3A_498 = tpu.memref_slice %arg6[%add3A_496] : memref<4194304xf32, #tpu.memory_space<hbm>> -> memref<16384xf32, #tpu.memory_space<hbm>>
    tpu.wait_dma2 semaphore(%arg18 : memref<!tpu.dma_semaphore, #tpu.memory_space<semaphore_mem>>) src(%arg14 : memref<16384xf32, #tpu.memory_space<vmem>>) dst(%dma_wait3A_498 : memref<16384xf32, #tpu.memory_space<hbm>>)
    %parallel_loop3A_499 = arith.constant 0 : i32
    %parallel_loop3A_500 = arith.constant 16384 : i32
    %parallel_loop3A_501 = arith.constant 16 : i32
    scf.for %parallel_loop3A_567 = %parallel_loop3A_499 to %parallel_loop3A_500 step %parallel_loop3A_501  : i32 {
      %parallel_loop3A_568 = arith.index_cast %parallel_loop3A_567 : i32 to index
      %parallel_loop3A_569 = tpu.vector_load %arg12[%parallel_loop3A_568] {strides = array<i32>} : memref<16384xf32, #tpu.memory_space<vmem>>, vector<16xf32>,
      %parallel_loop3A_570 = arith.cmpf oge, %parallel_loop3A_569, %broadcast_in_dim3A_408 : vector<16xf32>
      %parallel_loop3A_571 = arith.cmpf oge, %parallel_loop3A_569, %broadcast_in_dim3A_411 : vector<16xf32>
      %parallel_loop3A_572 = arith.cmpf oge, %parallel_loop3A_569, %broadcast_in_dim3A_414 : vector<16xf32>
      %parallel_loop3A_573 = arith.select %parallel_loop3A_572, %broadcast_in_dim3A_424, %broadcast_in_dim3A_422 : vector<16xi1>, vector<16xi32>
      %parallel_loop3A_574 = arith.select %parallel_loop3A_570, %broadcast_in_dim3A_420, %broadcast_in_dim3A_416 : vector<16xi1>, vector<16xi32>
      %parallel_loop3A_575 = arith.select %parallel_loop3A_571, %parallel_loop3A_573, %parallel_loop3A_574 : vector<16xi1>, vector<16xi32>
      %parallel_loop3A_576 = arith.addi %parallel_loop3A_575, %broadcast_in_dim3A_418 : vector<16xi32>
      %parallel_loop3A_577 = tpu.vector_load_idx %arg10[%parallel_loop3A_576] : memref<16xf32, #tpu.memory_space<vmem>>[vector<16xi32>], vector<16xf32>,
      %parallel_loop3A_578 = arith.cmpf oge, %parallel_loop3A_569, %parallel_loop3A_577 : vector<16xf32>
      %parallel_loop3A_579 = arith.select %parallel_loop3A_578, %parallel_loop3A_576, %parallel_loop3A_575 : vector<16xi1>, vector<16xi32>
      %parallel_loop3A_580 = tpu.vector_load_idx %arg11[%parallel_loop3A_579] : memref<16xf32, #tpu.memory_space<vmem>>[vector<16xi32>], vector<16xf32>,
      %parallel_loop3A_581 = arith.index_cast %parallel_loop3A_567 : i32 to index
      %parallel_loop3A_582 = tpu.vector_load %arg14[%parallel_loop3A_581] {strides = array<i32>} : memref<16384xf32, #tpu.memory_space<vmem>>, vector<16xf32>,
      tpu.vector_store %arg14[%parallel_loop3A_581], %parallel_loop3A_580 {strides = array<i32>} : memref<16384xf32, #tpu.memory_space<vmem>>, vector<16xf32>,
    } {sc.loop_unroll_factor = 8 : i64, sc.parallel_access}
    %add3A_502 = arith.constant 65536 : i32
    %add3A_503 = arith.addi %mul3A_2, %add3A_502 : i32
    %dma_start3A_504 = tpu.memref_slice %arg6[%add3A_503] : memref<4194304xf32, #tpu.memory_space<hbm>> -> memref<16384xf32, #tpu.memory_space<hbm>>
    %dma_start3A_505 = tpu.memref_slice %arg6[%add3A_503] : memref<4194304xf32, #tpu.memory_space<hbm>> -> memref<16384xf32, #tpu.memory_space<hbm>>
    tpu.enqueue_dma source(%arg14 : memref<16384xf32, #tpu.memory_space<vmem>>) target(%dma_start3A_505 : memref<16384xf32, #tpu.memory_space<hbm>>) target_semaphore(%arg18 : memref<!tpu.dma_semaphore, #tpu.memory_space<semaphore_mem>>)
    %add3A_506 = arith.constant 98304 : i32
    %add3A_507 = arith.addi %mul3A_2, %add3A_506 : i32
    %dma_start3A_508 = tpu.memref_slice %arg2[%add3A_507] : memref<4194304xf32, #tpu.memory_space<hbm>> -> memref<16384xf32, #tpu.memory_space<hbm>>
    %dma_start3A_509 = tpu.memref_slice %arg2[%add3A_507] : memref<4194304xf32, #tpu.memory_space<hbm>> -> memref<16384xf32, #tpu.memory_space<hbm>>
    tpu.enqueue_dma source(%dma_start3A_509 : memref<16384xf32, #tpu.memory_space<hbm>>) target(%arg12 : memref<16384xf32, #tpu.memory_space<vmem>>) target_semaphore(%arg16 : memref<!tpu.dma_semaphore, #tpu.memory_space<semaphore_mem>>)
    %add3A_510 = arith.constant 81920 : i32
    %add3A_511 = arith.addi %mul3A_2, %add3A_510 : i32
    %dma_wait3A_512 = tpu.memref_slice %arg2[%add3A_511] : memref<4194304xf32, #tpu.memory_space<hbm>> -> memref<16384xf32, #tpu.memory_space<hbm>>
    %dma_wait3A_513 = tpu.memref_slice %arg2[%add3A_511] : memref<4194304xf32, #tpu.memory_space<hbm>> -> memref<16384xf32, #tpu.memory_space<hbm>>
    tpu.wait_dma2 semaphore(%arg17 : memref<!tpu.dma_semaphore, #tpu.memory_space<semaphore_mem>>) src(%dma_wait3A_513 : memref<16384xf32, #tpu.memory_space<hbm>>) dst(%arg13 : memref<16384xf32, #tpu.memory_space<vmem>>)
    %add3A_514 = arith.constant 49152 : i32
    %add3A_515 = arith.addi %mul3A_2, %add3A_514 : i32
    %dma_wait3A_516 = tpu.memref_slice %arg6[%add3A_515] : memref<4194304xf32, #tpu.memory_space<hbm>> -> memref<16384xf32, #tpu.memory_space<hbm>>
    %dma_wait3A_517 = tpu.memref_slice %arg6[%add3A_515] : memref<4194304xf32, #tpu.memory_space<hbm>> -> memref<16384xf32, #tpu.memory_space<hbm>>
    tpu.wait_dma2 semaphore(%arg19 : memref<!tpu.dma_semaphore, #tpu.memory_space<semaphore_mem>>) src(%arg15 : memref<16384xf32, #tpu.memory_space<vmem>>) dst(%dma_wait3A_517 : memref<16384xf32, #tpu.memory_space<hbm>>)
    %parallel_loop3A_518 = arith.constant 0 : i32
    %parallel_loop3A_519 = arith.constant 16384 : i32
    %parallel_loop3A_520 = arith.constant 16 : i32
    scf.for %parallel_loop3A_567 = %parallel_loop3A_518 to %parallel_loop3A_519 step %parallel_loop3A_520  : i32 {
      %parallel_loop3A_568 = arith.index_cast %parallel_loop3A_567 : i32 to index
      %parallel_loop3A_569 = tpu.vector_load %arg13[%parallel_loop3A_568] {strides = array<i32>} : memref<16384xf32, #tpu.memory_space<vmem>>, vector<16xf32>,
      %parallel_loop3A_570 = arith.cmpf oge, %parallel_loop3A_569, %broadcast_in_dim3A_408 : vector<16xf32>
      %parallel_loop3A_571 = arith.cmpf oge, %parallel_loop3A_569, %broadcast_in_dim3A_411 : vector<16xf32>
      %parallel_loop3A_572 = arith.cmpf oge, %parallel_loop3A_569, %broadcast_in_dim3A_414 : vector<16xf32>
      %parallel_loop3A_573 = arith.select %parallel_loop3A_572, %broadcast_in_dim3A_424, %broadcast_in_dim3A_422 : vector<16xi1>, vector<16xi32>
      %parallel_loop3A_574 = arith.select %parallel_loop3A_570, %broadcast_in_dim3A_420, %broadcast_in_dim3A_416 : vector<16xi1>, vector<16xi32>
      %parallel_loop3A_575 = arith.select %parallel_loop3A_571, %parallel_loop3A_573, %parallel_loop3A_574 : vector<16xi1>, vector<16xi32>
      %parallel_loop3A_576 = arith.addi %parallel_loop3A_575, %broadcast_in_dim3A_418 : vector<16xi32>
      %parallel_loop3A_577 = tpu.vector_load_idx %arg10[%parallel_loop3A_576] : memref<16xf32, #tpu.memory_space<vmem>>[vector<16xi32>], vector<16xf32>,
      %parallel_loop3A_578 = arith.cmpf oge, %parallel_loop3A_569, %parallel_loop3A_577 : vector<16xf32>
      %parallel_loop3A_579 = arith.select %parallel_loop3A_578, %parallel_loop3A_576, %parallel_loop3A_575 : vector<16xi1>, vector<16xi32>
      %parallel_loop3A_580 = tpu.vector_load_idx %arg11[%parallel_loop3A_579] : memref<16xf32, #tpu.memory_space<vmem>>[vector<16xi32>], vector<16xf32>,
      %parallel_loop3A_581 = arith.index_cast %parallel_loop3A_567 : i32 to index
      %parallel_loop3A_582 = tpu.vector_load %arg15[%parallel_loop3A_581] {strides = array<i32>} : memref<16384xf32, #tpu.memory_space<vmem>>, vector<16xf32>,
      tpu.vector_store %arg15[%parallel_loop3A_581], %parallel_loop3A_580 {strides = array<i32>} : memref<16384xf32, #tpu.memory_space<vmem>>, vector<16xf32>,
    } {sc.loop_unroll_factor = 8 : i64, sc.parallel_access}
    %add3A_521 = arith.constant 81920 : i32
    %add3A_522 = arith.addi %mul3A_2, %add3A_521 : i32
    %dma_start3A_523 = tpu.memref_slice %arg6[%add3A_522] : memref<4194304xf32, #tpu.memory_space<hbm>> -> memref<16384xf32, #tpu.memory_space<hbm>>
    %dma_start3A_524 = tpu.memref_slice %arg6[%add3A_522] : memref<4194304xf32, #tpu.memory_space<hbm>> -> memref<16384xf32, #tpu.memory_space<hbm>>
    tpu.enqueue_dma source(%arg15 : memref<16384xf32, #tpu.memory_space<vmem>>) target(%dma_start3A_524 : memref<16384xf32, #tpu.memory_space<hbm>>) target_semaphore(%arg19 : memref<!tpu.dma_semaphore, #tpu.memory_space<semaphore_mem>>)
    %add3A_525 = arith.constant 114688 : i32
    %add3A_526 = arith.addi %mul3A_2, %add3A_525 : i32
    %dma_start3A_527 = tpu.memref_slice %arg2[%add3A_526] : memref<4194304xf32, #tpu.memory_space<hbm>> -> memref<16384xf32, #tpu.memory_space<hbm>>
    %dma_start3A_528 = tpu.memref_slice %arg2[%add3A_526] : memref<4194304xf32, #tpu.memory_space<hbm>> -> memref<16384xf32, #tpu.memory_space<hbm>>
    tpu.enqueue_dma source(%dma_start3A_528 : memref<16384xf32, #tpu.memory_space<hbm>>) target(%arg13 : memref<16384xf32, #tpu.memory_space<vmem>>) target_semaphore(%arg17 : memref<!tpu.dma_semaphore, #tpu.memory_space<semaphore_mem>>)
    %add3A_529 = arith.constant 98304 : i32
    %add3A_530 = arith.addi %mul3A_2, %add3A_529 : i32
    %dma_wait3A_531 = tpu.memref_slice %arg2[%add3A_530] : memref<4194304xf32, #tpu.memory_space<hbm>> -> memref<16384xf32, #tpu.memory_space<hbm>>
    %dma_wait3A_532 = tpu.memref_slice %arg2[%add3A_530] : memref<4194304xf32, #tpu.memory_space<hbm>> -> memref<16384xf32, #tpu.memory_space<hbm>>
    tpu.wait_dma2 semaphore(%arg16 : memref<!tpu.dma_semaphore, #tpu.memory_space<semaphore_mem>>) src(%dma_wait3A_532 : memref<16384xf32, #tpu.memory_space<hbm>>) dst(%arg12 : memref<16384xf32, #tpu.memory_space<vmem>>)
    %add3A_533 = arith.constant 65536 : i32
    %add3A_534 = arith.addi %mul3A_2, %add3A_533 : i32
    %dma_wait3A_535 = tpu.memref_slice %arg6[%add3A_534] : memref<4194304xf32, #tpu.memory_space<hbm>> -> memref<16384xf32, #tpu.memory_space<hbm>>
    %dma_wait3A_536 = tpu.memref_slice %arg6[%add3A_534] : memref<4194304xf32, #tpu.memory_space<hbm>> -> memref<16384xf32, #tpu.memory_space<hbm>>
    tpu.wait_dma2 semaphore(%arg18 : memref<!tpu.dma_semaphore, #tpu.memory_space<semaphore_mem>>) src(%arg14 : memref<16384xf32, #tpu.memory_space<vmem>>) dst(%dma_wait3A_536 : memref<16384xf32, #tpu.memory_space<hbm>>)
    %parallel_loop3A_537 = arith.constant 0 : i32
    %parallel_loop3A_538 = arith.constant 16384 : i32
    %parallel_loop3A_539 = arith.constant 16 : i32
    scf.for %parallel_loop3A_567 = %parallel_loop3A_537 to %parallel_loop3A_538 step %parallel_loop3A_539  : i32 {
      %parallel_loop3A_568 = arith.index_cast %parallel_loop3A_567 : i32 to index
      %parallel_loop3A_569 = tpu.vector_load %arg12[%parallel_loop3A_568] {strides = array<i32>} : memref<16384xf32, #tpu.memory_space<vmem>>, vector<16xf32>,
      %parallel_loop3A_570 = arith.cmpf oge, %parallel_loop3A_569, %broadcast_in_dim3A_408 : vector<16xf32>
      %parallel_loop3A_571 = arith.cmpf oge, %parallel_loop3A_569, %broadcast_in_dim3A_411 : vector<16xf32>
      %parallel_loop3A_572 = arith.cmpf oge, %parallel_loop3A_569, %broadcast_in_dim3A_414 : vector<16xf32>
      %parallel_loop3A_573 = arith.select %parallel_loop3A_572, %broadcast_in_dim3A_424, %broadcast_in_dim3A_422 : vector<16xi1>, vector<16xi32>
      %parallel_loop3A_574 = arith.select %parallel_loop3A_570, %broadcast_in_dim3A_420, %broadcast_in_dim3A_416 : vector<16xi1>, vector<16xi32>
      %parallel_loop3A_575 = arith.select %parallel_loop3A_571, %parallel_loop3A_573, %parallel_loop3A_574 : vector<16xi1>, vector<16xi32>
      %parallel_loop3A_576 = arith.addi %parallel_loop3A_575, %broadcast_in_dim3A_418 : vector<16xi32>
      %parallel_loop3A_577 = tpu.vector_load_idx %arg10[%parallel_loop3A_576] : memref<16xf32, #tpu.memory_space<vmem>>[vector<16xi32>], vector<16xf32>,
      %parallel_loop3A_578 = arith.cmpf oge, %parallel_loop3A_569, %parallel_loop3A_577 : vector<16xf32>
      %parallel_loop3A_579 = arith.select %parallel_loop3A_578, %parallel_loop3A_576, %parallel_loop3A_575 : vector<16xi1>, vector<16xi32>
      %parallel_loop3A_580 = tpu.vector_load_idx %arg11[%parallel_loop3A_579] : memref<16xf32, #tpu.memory_space<vmem>>[vector<16xi32>], vector<16xf32>,
      %parallel_loop3A_581 = arith.index_cast %parallel_loop3A_567 : i32 to index
      %parallel_loop3A_582 = tpu.vector_load %arg14[%parallel_loop3A_581] {strides = array<i32>} : memref<16384xf32, #tpu.memory_space<vmem>>, vector<16xf32>,
      tpu.vector_store %arg14[%parallel_loop3A_581], %parallel_loop3A_580 {strides = array<i32>} : memref<16384xf32, #tpu.memory_space<vmem>>, vector<16xf32>,
    } {sc.loop_unroll_factor = 8 : i64, sc.parallel_access}
    %add3A_540 = arith.constant 98304 : i32
    %add3A_541 = arith.addi %mul3A_2, %add3A_540 : i32
    %dma_start3A_542 = tpu.memref_slice %arg6[%add3A_541] : memref<4194304xf32, #tpu.memory_space<hbm>> -> memref<16384xf32, #tpu.memory_space<hbm>>
    %dma_start3A_543 = tpu.memref_slice %arg6[%add3A_541] : memref<4194304xf32, #tpu.memory_space<hbm>> -> memref<16384xf32, #tpu.memory_space<hbm>>
    tpu.enqueue_dma source(%arg14 : memref<16384xf32, #tpu.memory_space<vmem>>) target(%dma_start3A_543 : memref<16384xf32, #tpu.memory_space<hbm>>) target_semaphore(%arg18 : memref<!tpu.dma_semaphore, #tpu.memory_space<semaphore_mem>>)
    %add3A_544 = arith.constant 114688 : i32
    %add3A_545 = arith.addi %mul3A_2, %add3A_544 : i32
    %dma_wait3A_546 = tpu.memref_slice %arg2[%add3A_545] : memref<4194304xf32, #tpu.memory_space<hbm>> -> memref<16384xf32, #tpu.memory_space<hbm>>
    %dma_wait3A_547 = tpu.memref_slice %arg2[%add3A_545] : memref<4194304xf32, #tpu.memory_space<hbm>> -> memref<16384xf32, #tpu.memory_space<hbm>>
    tpu.wait_dma2 semaphore(%arg17 : memref<!tpu.dma_semaphore, #tpu.memory_space<semaphore_mem>>) src(%dma_wait3A_547 : memref<16384xf32, #tpu.memory_space<hbm>>) dst(%arg13 : memref<16384xf32, #tpu.memory_space<vmem>>)
    %add3A_548 = arith.constant 81920 : i32
    %add3A_549 = arith.addi %mul3A_2, %add3A_548 : i32
    %dma_wait3A_550 = tpu.memref_slice %arg6[%add3A_549] : memref<4194304xf32, #tpu.memory_space<hbm>> -> memref<16384xf32, #tpu.memory_space<hbm>>
    %dma_wait3A_551 = tpu.memref_slice %arg6[%add3A_549] : memref<4194304xf32, #tpu.memory_space<hbm>> -> memref<16384xf32, #tpu.memory_space<hbm>>
    tpu.wait_dma2 semaphore(%arg19 : memref<!tpu.dma_semaphore, #tpu.memory_space<semaphore_mem>>) src(%arg15 : memref<16384xf32, #tpu.memory_space<vmem>>) dst(%dma_wait3A_551 : memref<16384xf32, #tpu.memory_space<hbm>>)
    %parallel_loop3A_552 = arith.constant 0 : i32
    %parallel_loop3A_553 = arith.constant 16384 : i32
    %parallel_loop3A_554 = arith.constant 16 : i32
    scf.for %parallel_loop3A_567 = %parallel_loop3A_552 to %parallel_loop3A_553 step %parallel_loop3A_554  : i32 {
      %parallel_loop3A_568 = arith.index_cast %parallel_loop3A_567 : i32 to index
      %parallel_loop3A_569 = tpu.vector_load %arg13[%parallel_loop3A_568] {strides = array<i32>} : memref<16384xf32, #tpu.memory_space<vmem>>, vector<16xf32>,
      %parallel_loop3A_570 = arith.cmpf oge, %parallel_loop3A_569, %broadcast_in_dim3A_408 : vector<16xf32>
      %parallel_loop3A_571 = arith.cmpf oge, %parallel_loop3A_569, %broadcast_in_dim3A_411 : vector<16xf32>
      %parallel_loop3A_572 = arith.cmpf oge, %parallel_loop3A_569, %broadcast_in_dim3A_414 : vector<16xf32>
      %parallel_loop3A_573 = arith.select %parallel_loop3A_572, %broadcast_in_dim3A_424, %broadcast_in_dim3A_422 : vector<16xi1>, vector<16xi32>
      %parallel_loop3A_574 = arith.select %parallel_loop3A_570, %broadcast_in_dim3A_420, %broadcast_in_dim3A_416 : vector<16xi1>, vector<16xi32>
      %parallel_loop3A_575 = arith.select %parallel_loop3A_571, %parallel_loop3A_573, %parallel_loop3A_574 : vector<16xi1>, vector<16xi32>
      %parallel_loop3A_576 = arith.addi %parallel_loop3A_575, %broadcast_in_dim3A_418 : vector<16xi32>
      %parallel_loop3A_577 = tpu.vector_load_idx %arg10[%parallel_loop3A_576] : memref<16xf32, #tpu.memory_space<vmem>>[vector<16xi32>], vector<16xf32>,
      %parallel_loop3A_578 = arith.cmpf oge, %parallel_loop3A_569, %parallel_loop3A_577 : vector<16xf32>
      %parallel_loop3A_579 = arith.select %parallel_loop3A_578, %parallel_loop3A_576, %parallel_loop3A_575 : vector<16xi1>, vector<16xi32>
      %parallel_loop3A_580 = tpu.vector_load_idx %arg11[%parallel_loop3A_579] : memref<16xf32, #tpu.memory_space<vmem>>[vector<16xi32>], vector<16xf32>,
      %parallel_loop3A_581 = arith.index_cast %parallel_loop3A_567 : i32 to index
      %parallel_loop3A_582 = tpu.vector_load %arg15[%parallel_loop3A_581] {strides = array<i32>} : memref<16384xf32, #tpu.memory_space<vmem>>, vector<16xf32>,
      tpu.vector_store %arg15[%parallel_loop3A_581], %parallel_loop3A_580 {strides = array<i32>} : memref<16384xf32, #tpu.memory_space<vmem>>, vector<16xf32>,
    } {sc.loop_unroll_factor = 8 : i64, sc.parallel_access}
    %add3A_555 = arith.constant 114688 : i32
    %add3A_556 = arith.addi %mul3A_2, %add3A_555 : i32
    %dma_start3A_557 = tpu.memref_slice %arg6[%add3A_556] : memref<4194304xf32, #tpu.memory_space<hbm>> -> memref<16384xf32, #tpu.memory_space<hbm>>
    %dma_start3A_558 = tpu.memref_slice %arg6[%add3A_556] : memref<4194304xf32, #tpu.memory_space<hbm>> -> memref<16384xf32, #tpu.memory_space<hbm>>
    tpu.enqueue_dma source(%arg15 : memref<16384xf32, #tpu.memory_space<vmem>>) target(%dma_start3A_558 : memref<16384xf32, #tpu.memory_space<hbm>>) target_semaphore(%arg19 : memref<!tpu.dma_semaphore, #tpu.memory_space<semaphore_mem>>)
    %add3A_559 = arith.constant 98304 : i32
    %add3A_560 = arith.addi %mul3A_2, %add3A_559 : i32
    %dma_wait3A_561 = tpu.memref_slice %arg6[%add3A_560] : memref<4194304xf32, #tpu.memory_space<hbm>> -> memref<16384xf32, #tpu.memory_space<hbm>>
    %dma_wait3A_562 = tpu.memref_slice %arg6[%add3A_560] : memref<4194304xf32, #tpu.memory_space<hbm>> -> memref<16384xf32, #tpu.memory_space<hbm>>
    tpu.wait_dma2 semaphore(%arg18 : memref<!tpu.dma_semaphore, #tpu.memory_space<semaphore_mem>>) src(%arg14 : memref<16384xf32, #tpu.memory_space<vmem>>) dst(%dma_wait3A_562 : memref<16384xf32, #tpu.memory_space<hbm>>)
    %add3A_563 = arith.constant 114688 : i32
    %add3A_564 = arith.addi %mul3A_2, %add3A_563 : i32
    %dma_wait3A_565 = tpu.memref_slice %arg6[%add3A_564] : memref<4194304xf32, #tpu.memory_space<hbm>> -> memref<16384xf32, #tpu.memory_space<hbm>>
    %dma_wait3A_566 = tpu.memref_slice %arg6[%add3A_564] : memref<4194304xf32, #tpu.memory_space<hbm>> -> memref<16384xf32, #tpu.memory_space<hbm>>
    tpu.wait_dma2 semaphore(%arg19 : memref<!tpu.dma_semaphore, #tpu.memory_space<semaphore_mem>>) src(%arg15 : memref<16384xf32, #tpu.memory_space<vmem>>) dst(%dma_wait3A_566 : memref<16384xf32, #tpu.memory_space<hbm>>)
    return
  }
}

</mosaic_0001>

<sc_bundles>
// kernel: kernel.3.cloned.1.call-start
scs
__scs_entry_jumppad:
0x0: {  	(pc) =	sbr.rel $0x88, $3  }
0x1: {  	(tag) =	ssettag $0x0;
	lr =	simm.s32 $0x1  }
0x2: {  	[smem:$0x3F9D] =	sst lr;
	_ =	strace $0xD0000000  }
0x3: {  	_ = 	snop  }
0x4: {  	_ = 	snop  }
0x5: {  	_ = 	snop  }
0x6: {  	_ = 	snop  }
0x7: {  	_ = 	snop  }
__scs_overlays_trampoline_lowered:
0x8: {  	[smem:$0x3FAC] =	sst s0  }
0x9: {  	[smem:$0x3FAD] =	sst s1  }
0xa: {  	[smem:$0x3FAE] =	sst s2  }
0xb: {  	[smem:$0x3FAF] =	sst s3  }
0xc: {  	[smem:$0x3FB0] =	sst s4  }
0xd: {  	[smem:$0x3FB1] =	sst s5  }
0xe: {  	[smem:$0x3FB2] =	sst s6  }
0xf: {  	[smem:$0x3FB3] =	sst s7  }
0x10: {  	[smem:$0x3FB4] =	sst s8  }
0x11: {  	[smem:$0x3FB5] =	sst s9;
	s0 =	simm.s32 @!p0 $0x0  }
0x12: {  	s1 =	sld [smem:$0x3F9B];
	s0 =	simm.s32 @p0 $0x1  }
0x13: {  	[smem:$0x3FB6] =	sst s0;
	s0 =	simm.s32 @!p1 $0x0  }
0x14: {  	s2 =	sld [smem:$0x3F9A];
	s0 =	simm.s32 @p1 $0x1  }
0x15: {  	[smem:$0x3FB7] =	sst s0;
	s0 =	simm.s32 @!p2 $0x0  }
0x16: {  	s3 =	sld [smem:$0x3FDB];
	s0 =	simm.s32 @p2 $0x1  }
0x17: {  	s4 =	simm.s32 $0x1BF5;
	[smem:$0x3FB9] =	sst s0  }
0x18: {  	s0 =	sld [smem:$0x3F9C];
	_ =	swait.ge [sflag:s4], $0x0  }
0x19: {  	s7 =	sld [smem:$0x3F9D]  }
0x1a: {  	s8 =	sadd.s32 $0xFFFFE003, lr  }
0x1b: {  	s9 =	sadd.s32 $0xFFFFFEF7, lr;
	s5 =	simm.s32 $0xFFFFFFFF;
	p2 =	slt.u32 s8, $0xFFFFF086  }
0x1c: {  	p1 =	slt.u32 s9, $0xF7A;
	s5 =	simm.s32 @!p2 $0x0  }
0x1d: {  	s5 =	simm.s32 @p1 $0x1;
	p0 =	seq.s32 s7, s2  }
0x1e: {  	s7 =	smul.u32 @!p0 $0xF7A, s2;
	p2 =	seq.s32 @!p0 s5, $0x0  }
0x1f: {  	s9 =	smul.u32 $0xF7A, s1;
	s8 =	simm.s32 @!p0 $0x1BF5;
	p2 =	por !p2, p0  }
0x20: {  	[sflag:s8] =	ssyncset.s32 @!p0 $0xFFFFF086;
	s6 =	sadd.s32 @!p0 s3, s7;
	s7 =	simm.s32 @!p0 $0x108  }
0x21: {  	s3 =	sadd.s32 s3, s9;
	s6 =	sadd.s32 @!p0 $0x88, s6;
	s7 =	simm.s32 @p2 $0x1082  }
0x22: {  	[simem:s7], [sflag:s8] =	dma.local @!p0 [hbm:s6], $0xF7A  }
0x23: {  	s9 =	sor.u32 $0xD0000000, s2;
	s6 =	simm.s32 $0x108;
	_ =	swait.ge @!p0 [sflag:s8], $0x0  }
0x24: {  	s3 =	sadd.s32 $0x88, s3;
	s6 =	simm.s32 @!p1 $0x1082;
	[sflag:s4] =	ssyncset.s32 $0xFFFFF086  }
0x25: {  	[simem:s6], [sflag:s4] =	dma.local [hbm:s3], $0xF7A  }
0x26: {  	[smem:$0x3F9D] =	sst s1;
	(tag) =	ssettag s2;
	_ =	strace s9  }
0x27: {  	s1 =	sld [smem:$0x3FAD]  }
0x28: {  	s2 =	sld [smem:$0x3FAE]  }
0x29: {  	s4 =	sld [smem:$0x3FB0]  }
0x2a: {  	p0 =	seq.s32 s5, $0x0;
	s5 =	sld [smem:$0x3FB1]  }
0x2b: {  	s6 =	sld [smem:$0x3FB2]  }
0x2c: {  	s7 =	sld [smem:$0x3FB3]  }
0x2d: {  	s3 =	simm.s32 $0x108;
	s8 =	sld [smem:$0x3FB4]  }
0x2e: {  	s3 =	simm.s32 @!p0 $0x1082;
	s9 =	sld [smem:$0x3FB5]  }
0x2f: {  	lr =	sadd.s32 s0, s3;
	s0 =	sld [smem:$0x3FAC]  }
0x30: {  	s3 =	sld [smem:$0x3FAF]  }
0x31: {  	[smem:$0x3FB8] =	sst s10  }
0x32: {  	s10 =	sld [smem:$0x3FB6];
	_ =	sdelay $0x3  }
0x33: {  	p0 =	seq.s32 s10, $0x1;
	s10 =	sld [smem:$0x3FB8];
	_ =	sdelay $0x3  }
0x34: {  	[smem:$0x3FB8] =	sst s10  }
0x35: {  	s10 =	sld [smem:$0x3FB7];
	_ =	sdelay $0x3  }
0x36: {  	p1 =	seq.s32 s10, $0x1;
	s10 =	sld [smem:$0x3FB8];
	_ =	sdelay $0x3  }
0x37: {  	[smem:$0x3FB8] =	sst s10  }
0x38: {  	s10 =	sld [smem:$0x3FB9]  }
0x39: {  	_ = 	snop;
	(pc) =	sbr.ind lr, $3  }
0x3a: {  	_ = 	snop  }
0x3b: {  	_ = 	snop  }
0x3c: {  	p2 =	seq.s32 s10, $0x1;
	s10 =	sld [smem:$0x3FB8]  }
0x3d: {  	_ =	shalt  }
0x3e: {  	_ =	shalt  }
0x3f: {  	_ =	shalt  }
0x40: {  	_ =	shalt  }
0x41: {  	_ =	shalt  }
0x42: {  	_ =	shalt  }
0x43: {  	_ =	shalt  }
0x44: {  	_ =	shalt  }
0x45: {  	_ =	shalt  }
0x46: {  	_ =	shalt  }
0x47: {  	_ =	shalt  }
0x48: {  	_ =	shalt  }
0x49: {  	_ =	shalt  }
0x4a: {  	_ =	shalt  }
0x4b: {  	_ =	shalt  }
0x4c: {  	_ =	shalt  }
0x4d: {  	_ =	shalt  }
0x4e: {  	_ =	shalt  }
0x4f: {  	_ =	shalt  }
0x50: {  	_ =	shalt  }
0x51: {  	_ =	shalt  }
0x52: {  	_ =	shalt  }
0x53: {  	_ =	shalt  }
0x54: {  	_ =	shalt  }
0x55: {  	_ =	shalt  }
0x56: {  	_ =	shalt  }
0x57: {  	_ =	shalt  }
0x58: {  	_ =	shalt  }
0x59: {  	_ =	shalt  }
0x5a: {  	_ =	shalt  }
0x5b: {  	_ =	shalt  }
0x5c: {  	_ =	shalt  }
0x5d: {  	_ =	shalt  }
0x5e: {  	_ =	shalt  }
0x5f: {  	_ =	shalt  }
0x60: {  	_ =	shalt  }
0x61: {  	_ =	shalt  }
0x62: {  	_ =	shalt  }
0x63: {  	_ =	shalt  }
0x64: {  	_ =	shalt  }
0x65: {  	_ =	shalt  }
0x66: {  	_ =	shalt  }
0x67: {  	_ =	shalt  }
0x68: {  	_ =	shalt  }
0x69: {  	_ =	shalt  }
0x6a: {  	_ =	shalt  }
0x6b: {  	_ =	shalt  }
0x6c: {  	_ =	shalt  }
0x6d: {  	_ =	shalt  }
0x6e: {  	_ =	shalt  }
0x6f: {  	_ =	shalt  }
0x70: {  	_ =	shalt  }
0x71: {  	_ =	shalt  }
0x72: {  	_ =	shalt  }
0x73: {  	_ =	shalt  }
0x74: {  	_ =	shalt  }
0x75: {  	_ =	shalt  }
0x76: {  	_ =	shalt  }
0x77: {  	_ =	shalt  }
0x78: {  	_ =	shalt  }
0x79: {  	_ =	shalt  }
0x7a: {  	_ =	shalt  }
0x7b: {  	_ =	shalt  }
0x7c: {  	_ =	shalt  }
0x7d: {  	_ =	shalt  }
0x7e: {  	_ =	shalt  }
0x7f: {  	_ =	shalt  }
0x80: {  	_ =	shalt  }
0x81: {  	_ =	shalt  }
0x82: {  	_ =	shalt  }
0x83: {  	_ =	shalt  }
0x84: {  	_ =	shalt  }
0x85: {  	_ =	shalt  }
0x86: {  	_ =	shalt  }
0x87: {  	_ =	shalt  }
.Lfunc_end0:
.L_simem_size_0:
called_computation_lowered:
.L_overlay_start_0:
0x88: {  	s2 =	sld [smem:$0x3FD9]  }
0x89: {  	s3 =	sld [smem:$0x3FFE];
	_ =	sdelay $0x1  }
0x8a: {  	s1 =	srdreg.scid  }
0x8b: {  	s0 =	sand.u32 $0x1, s1  }
0x8c: {  	s18 =	sshll.u32 s0, $0xA;
	s2 =	sadd.s32 s3, s2  }
0x8d: {  	s2 =	sadd.s32 s2, s18  }
0x8e: {  	[smem:$0x3FC4] =	sst s2  }
0x8f: {  	_ = 	snop  }
0x90: {  	s2 =	sld [smem:$0x3FC9]  }
0x91: {  	s19 =	sld [smem:$0x3FC8]  }
0x92: {  	s4 =	sld [smem:$0x3FC7]  }
0x93: {  	s5 =	sld [smem:$0x3FC6]  }
0x94: {  	s6 =	sld [smem:$0x3FD0];
	(tm) =	ssettm $0x1  }
0x95: {  	s7 =	sld [smem:$0x3FFB];
	_ =	sdelay $0x3  }
0x96: {  	_ =	strace s7  }
0x97: {  	s7 =	sld [smem:$0x3FFC];
	_ =	sdelay $0x3  }
0x98: {  	_ =	strace s7  }
0x99: {  	s7 =	sld [smem:$0x3FFD];
	_ =	sdelay $0x3  }
0x9a: {  	_ =	strace s7  }
0x9b: {  	_ =	strace $0x8FFFFFFF  }
0x9c: {  	s20 =	sld [smem:$0x3FDB];
	_ =	sdelay $0x1  }
0x9d: {  	s8 =	simm.s32 $_scs_section_size  }
0x9e: {  	s9 =	simm.s32 $_size__tile_overlayer_lowered;
	s10 =	simm.s32 $_tile_overlayer_lowered  }
0x9f: {  	s23 =	simm.s32 $0x1BFF;
	s22 =	sshll.u32 s10, $0x1;
	s7 =	sadd.s32 s8, s20  }
0xa0: {  	s11 =	simm.s32 $0x0;
	s21 =	sshll.u32 s9, $0x1;
	s9 =	sadd.s32 s22, s7  }
0xa1: {  	[timem:s11], [sflag:s23] =	dma.local [hbm:s9], s21  }
0xa2: {  	_ =	swait.ge [sflag:s23], s21  }
0xa3: {  	s8 =	ssub.s32 $0x0, s21;
	[sflag:s23] =	ssyncset.done $0x0  }
0xa4: {  	[sflag:s23] =	ssyncadd.s32 s8;
	_ =	sdelay $0x1  }
0xa5: {  	s24 =	simm.s32 $0x1B8B  }
0xa6: {  	_ =	swait.ge [sflag:s24], $0x1  }
0xa7: {  	[sflag:s24] =	ssyncset.done $0x0  }
0xa8: {  	s25 =	simm.s32 $0x1B8E;
	[sflag:s24] =	ssyncadd.s32 $0xFFFFFFFF  }
0xa9: {  	s26 =	simm.s32 $execute0_lowered;
	[smem:$0x3FD2] =	sst s25  }
0xaa: {  	s8 =	sshll.u32 s26, $0x1;
	_ =	strace $0x80000046;
	[dreg:$0x1] =	wrdreg $0xFFFFFFFF  }
0xab: {  	s28 =	simm.s32 $_size_execute0_lowered;
	s7 =	sadd.s32 s7, s8;
	[dreg:$0x0] =	wrdreg $0x0  }
0xac: {  	s8 =	sshll.u32 s28, $0x1;
	[dreg:$0x2] =	wrdreg s7  }
0xad: {  	[dreg:$0x3] =	wrdreg s8  }
0xae: {  	[dreg:$0x4] =	wrdreg $0xC0  }
0xaf: {  	_ =	task [dreg:s11], $0x5FFFF  }
0xb0: {  	[dreg:$0x1] =	wrdreg $0xFFFFFFFF  }
0xb1: {  	[dreg:$0x0] =	wrdreg $0x60  }
0xb2: {  	[dreg:$0x2] =	wrdreg s2  }
0xb3: {  	[dreg:$0x3] =	wrdreg s19  }
0xb4: {  	[dreg:$0x4] =	wrdreg s4  }
0xb5: {  	[dreg:$0x5] =	wrdreg s5  }
0xb6: {  	[dreg:$0x6] =	wrdreg s6  }
0xb7: {  	[dreg:$0x7] =	wrdreg $0x9  }
0xb8: {  	_ =	task.clear_ibuf [dreg:s11], $0x8FFFF;
	_ =	strace $0x90000046  }
0xb9: {  	s29 =	simm.s32 $0x9;
	_ =	strace $0x80000048  }
0xba: {  	_ =	swait.ge [sflag:s29], $0x1  }
0xbb: {  	[sflag:s29] =	ssyncadd.s32 $0xFFFFFFFF  }
0xbc: {  	_ =	strace $0x90000048  }
0xbd: {  	_ =	sfence  }
0xbe: {  	s30 =	sld [smem:$0x0];
	_ =	sdelay $0x2  }
0xbf: {  	s31 =	sshll.u32 s1, $0xD;
	s1 =	sshrl.u32 s1, $0x2  }
0xc0: {  	s3 =	sand.u32 $0x4000, s31;
	s1 =	sadd.s32 s1, s30  }
0xc1: {  	s0 =	sor.u32 s3, s0;
	s1 =	sshll.u32 s1, $0x11  }
0xc2: {  	s0 =	sor.u32 s1, s0  }
0xc3: {  	s0 =	sadd.s32 $0x8F2B, s0  }
0xc4: {  	[sflag:s0] =	ssyncadd.remote.s32 $0x1  }
0xc5: {  	_ =	sfence.sel $0xFFFF  }
0xc6: {  	[dreg:$0x0] =	wrdreg $0xFFFFFFFF;
	(pc) =	sbr.abs _section_cstart, $3  }
0xc7: {  	[dreg:$0x1] =	wrdreg $0xFFFFFFFF  }
0xc8: {  	_ =	task.clear_ibuf [dreg:s11], $0x2FFFF;
	_ =	strace $0x9FFFFFFF  }
0xc9: {  	(tm) =	ssettm $0x7FFFFFFF  }
tec
execute0_lowered:
.L_overlay_start_1:
0x0: {  	(tag) =	ssettag $0x1  }
0x1: {  	s0 =	rddreg [dreg:$0x0]  }
0x2: {  	s1 =	rddreg [dreg:$0x4];
	s5 =	simm.s32 $0x0  }
0x3: {  	s2 =	srdreg.scid;
	s4 =	stileid.u32;
	s29 =	simm.s32 $0x1  }
0x4: {  	s30 =	simm.s32 $0x180;
	s31 =	simm.s32 $0x200;
	s2 =	sand.u32 $0x1, s2  }
0x5: {  	s4 =	sshll.u32 s4, $0xF;
	s3 =	ssub.s32 $0x2, s2;
	s2 =	sshll.u32 s2, $0xE  }
0x6: {  	[smem:$0x7FF] =	sst s5;
	s6 =	sshrl.u32 s3, $0x1;
	s2 =	sor.u32 s2, s4  }
0x7: {  	_ =	strace $0x80000047;
	s3 =	ssub.s32 s3, s6;
	s4 =	sadd.s32 s0, s2  }
0x8: {  	s16 =	sor.u32 $0x800, s2;
	s18 =	sadd.s32 s1, s2;
	[dreg:$0x6] =	wrdreg s4  }
0x9: {  	s19 =	sor.u32 $0x1000, s2;
	s17 =	sadd.s32 s0, s16;
	[dreg:$0x8] =	wrdreg s18  }
0xa: {  	s20 =	sor.u32 $0x1800, s2;
	s7 =	sadd.s32 s0, s19;
	[dreg:$0x7] =	wrdreg s17  }
0xb: {  	s22 =	sor.u32 $0x2000, s2;
	s4 =	sadd.s32 s1, s16;
	[dreg:$0x9] =	wrdreg s7  }
0xc: {  	s24 =	sor.u32 $0x2800, s2;
	s21 =	sadd.s32 s0, s20;
	[dreg:$0xa] =	wrdreg s4  }
0xd: {  	s26 =	sor.u32 $0x3000, s2;
	s6 =	sadd.s32 s1, s19;
	[dreg:$0xb] =	wrdreg s21  }
0xe: {  	s2 =	sor.u32 $0x3800, s2;
	s23 =	sadd.s32 s0, s22;
	[dreg:$0xc] =	wrdreg s6  }
0xf: {  	s25 =	sadd.s32 s0, s24;
	s28 =	sadd.s32 s0, s26;
	[dreg:$0xd] =	wrdreg s23  }
0x10: {  	s19 =	sadd.s32 s0, s2;
	s0 =	simm.s32 $0x8280;
	[dreg:$0xf] =	wrdreg s25  }
0x11: {  	s4 =	sadd.s32 s1, s20;
	s6 =	sadd.s32 s1, s22;
	[dreg:$0x11] =	wrdreg s28  }
0x12: {  	s20 =	sadd.s32 s1, s26;
	s21 =	sadd.s32 s1, s2;
	s22 =	smax.u32 s3, $0x1  }
0x13: {  	vm0 =	vcmask $0x704;
	v0 =	vimm.f32 $1.000000000e+00;
	v1 =	vlaneseq.u32;
	s23 =	simm.s32 $0x280;
	s25 =	simm.s32 $0x5;
	s2 =	simm.s32 $0x3  }
0x14: {  	v2 =	vimm.s32 $0xFFFFFFFF;
	vm7 =	vcmask $0xB20;
	vm8 =	vcmask $0xF20;
	s3 =	simm.s32 $0x4;
	s26 =	simm.s32 $0x0;
	[dreg:$0xe] =	wrdreg s4  }
0x15: {  	vm9 =	vcmask $0x1320;
	vm10 =	vcmask $0x1720;
	vm11 =	vcmask $0x1B20;
	[dreg:$0x10] =	wrdreg s6;
	s4 =	sadd.s32 s1, s24;
	s24 =	simm.s32 $0x4280  }
0x16: {  	v3 =	vimm.s32 $0x4;
	v4 =	vimm.s32 $0x0;
	v0 =	vand.u32 $0x7FFFFFFF, v0;
	s1 =	simm.s32 $0xC280;
	[dreg:$0x12] =	wrdreg s4;
	s4 =	simm.s32 $0x2  }
.LBB2_1:
0x17: {  	s6 =	rddreg [dreg:$0x6]  }
0x18: {  	[tilespmem:s23], [sflag:$0x1] =	stream.linear.gather [hbm4b:s6+s5], $0x4000, $0x38;
	[tilespmem:$0x10280] =	vst v63  }
0x19: {  	s8 =	rddreg [dreg:$0x7]  }
0x1a: {  	[tilespmem:s24], [sflag:$0x2] =	stream.linear.gather [hbm4b:s8+s5], $0x4000, $0x38;
	[tilespmem:$0x10280] =	vst v63  }
0x1b: {  	s9 =	rddreg [dreg:$0x1]  }
0x1c: {  	[tilespmem:s5], [sflag:$0x5] =	stream.linear.gather [hbm4b:s9+s5], $0x7, $0x38;
	[tilespmem:$0x10280] =	vst v63  }
0x1d: {  	_ =	swait.ge [sflag:s25], $0x7  }
0x1e: {  	[sflag:s25] =	ssyncset.done $0x0  }
0x1f: {  	[sflag:s25] =	ssyncadd.s32 $0xFFFFFFF9  }
0x20: {  	s7 =	simm.s32 $0x80;
	s10 =	rddreg [dreg:$0x2]  }
0x21: {  	[tilespmem:s7], [sflag:$0x5] =	stream.linear.gather [hbm4b:s10+s5], $0x7, $0x38;
	[tilespmem:$0x10280] =	vst v63  }
0x22: {  	_ =	swait.ge [sflag:s25], $0x7  }
0x23: {  	[sflag:s25] =	ssyncset.done $0x0  }
0x24: {  	[sflag:s25] =	ssyncadd.s32 $0xFFFFFFF9  }
0x25: {  	s12 =	simm.s32 $0x100;
	s11 =	rddreg [dreg:$0x3]  }
0x26: {  	[tilespmem:s12], [sflag:$0x5] =	stream.linear.gather [hbm4b:s11+s5], $0x7, $0x38;
	[tilespmem:$0x10280] =	vst v63  }
0x27: {  	_ =	swait.ge [sflag:s25], $0x7  }
0x28: {  	[sflag:s25] =	ssyncset.done $0x0  }
0x29: {  	[sflag:s25] =	ssyncadd.s32 $0xFFFFFFF9  }
0x2a: {  	v8 =	vld [tilespmem:$0x0];
	_ =	sdelay $0x4  }
0x2b: {  	(v2sf) =	vpush v8, $0x0  }
0x2c: {  	(v2sf) =	vpush v8, $0x1  }
0x2d: {  	v9 =	vld [tilespmem:$0x80];
	(v2sf) =	vpush v8, $0x2  }
0x2e: {  	(v2sf) =	vpush v8, $0x3  }
0x2f: {  	(v2sf) =	vpush v8, $0x4  }
0x30: {  	(v2sf) =	vpush v8, $0x5  }
0x31: {  	(v2sf) =	vpush v8, $0x6  }
0x32: {  	(v2sf) =	vpush v9, $0x0  }
0x33: {  	(v2sf) =	vpush v9, $0x1  }
0x34: {  	(v2sf) =	vpush v9, $0x2  }
0x35: {  	(v2sf) =	vpush v9, $0x3  }
0x36: {  	(v2sf) =	vpush v9, $0x4;
	_ =	sdelay $0x1  }
0x37: {  	(v2sf) =	vpush v9, $0x5  }
0x38: {  	(v2sf) =	vpush v9, $0x6  }
0x39: {  	s11 =	spop (v2sf)  }
0x3a: {  	s10 =	spop (v2sf)  }
0x3b: {  	s9 =	spop (v2sf)  }
0x3c: {  	s28 =	spop (v2sf)  }
0x3d: {  	s8 =	spop (v2sf)  }
0x3e: {  	s7 =	spop (v2sf)  }
0x3f: {  	s6 =	spop (v2sf)  }
0x40: {  	s12 =	spop (v2sf)  }
0x41: {  	s13 =	spop (v2sf)  }
0x42: {  	s14 =	spop (v2sf)  }
0x43: {  	s12 =	sadd.f32 s13, s12;
	s15 =	spop (v2sf)  }
0x44: {  	s13 =	sadd.f32 s14, s13;
	s16 =	spop (v2sf)  }
0x45: {  	s12 =	smul.f32 $5.000000000e-01, s12;
	s14 =	sadd.f32 s15, s14  }
0x46: {  	s17 =	spop (v2sf);
	s13 =	smul.f32 $5.000000000e-01, s13  }
0x47: {  	s15 =	sadd.f32 s16, s15;
	s18 =	spop (v2sf);
	v5 =	vmov s12  }
0x48: {  	vm1 =	vcmask $0xB08;
	s14 =	smul.f32 $5.000000000e-01, s14;
	s16 =	sadd.f32 s17, s16;
	v5 =	vnsel vm0, $0x0, v5  }
0x49: {  	v12 =	vld [tilespmem:$0x100];
	s18 =	sadd.f32 s18, s17;
	v5 =	vsel vm1, s13, v5;
	s13 =	smul.f32 $5.000000000e-01, s15;
	vm1 =	vcmask $0xF0C  }
0x4a: {  	s15 =	smul.f32 $5.000000000e-01, s16;
	v5 =	vsel vm1, s14, v5;
	vm1 =	vcmask $0x1310  }
0x4b: {  	s16 =	smul.f32 $5.000000000e-01, s18;
	v5 =	vsel vm1, s13, v5;
	vm1 =	vcmask $0x1714  }
0x4c: {  	v6 =	vbroadcast v9, $0x0;
	v5 =	vsel vm1, s15, v5;
	vm1 =	vcmask $0x1B18  }
0x4d: {  	v13 =	vsel vm1, s16, v5  }
0x4e: {  	v5 =	vsub.f32 v13, v6;
	v6 =	vbroadcast v12, $0x0;
	_ =	sdelay $0x1  }
0x4f: {  	v14 =	vmul.f32 v5, v6;
	_ =	sdelay $0x1  }
0x50: {  	v5 =	vand.u32 $0x7FFFFFFF, v14  }
0x51: {  	v5 =	vmul.f32 $-2.000000000e+00, v5;
	_ =	sdelay $0x1  }
0x52: {  	v5 =	vmul.f32 $1.442695020e+00, v5;
	_ =	sdelay $0x1  }
0x53: {  	(erf) = vpow2.f32 v5;
	_ =	sdelay $0x1  }
0x54: {  	v5 =	vbroadcast v9, $0x1;
	_ =	sdelay $0x1  }
0x55: {  	v7 =	vbroadcast v12, $0x1;
	v6 =	vsub.f32 v13, v5;
	_ =	sdelay $0x1  }
0x56: {  	v15 =	vmul.f32 v6, v7;
	_ =	sdelay $0x1  }
0x57: {  	v6 =	vand.u32 $0x7FFFFFFF, v15  }
0x58: {  	v6 =	vmul.f32 $-2.000000000e+00, v6;
	v16 =	vpop (erf)  }
0x59: {  	v7 =	vadd.f32 $1.000000000e+00, v16  }
0x5a: {  	v6 =	vmul.f32 $1.442695020e+00, v6  }
0x5b: {  	(erf) = vrcp.f32 v7  }
0x5c: {  	(erf) = vpow2.f32 v6;
	_ =	sdelay $0x1  }
0x5d: {  	v10 =	vbroadcast v9, $0x2;
	_ =	sdelay $0x1  }
0x5e: {  	v7 =	vbroadcast v12, $0x2;
	v6 =	vsub.f32 v13, v10;
	_ =	sdelay $0x1  }
0x5f: {  	v17 =	vmul.f32 v6, v7;
	_ =	sdelay $0x1  }
0x60: {  	v6 =	vand.u32 $0x7FFFFFFF, v17;
	v18 =	vpop (erf)  }
0x61: {  	v6 =	vmul.f32 $-2.000000000e+00, v6;
	v19 =	vpop (erf)  }
0x62: {  	v7 =	vadd.f32 $1.000000000e+00, v19  }
0x63: {  	v6 =	vmul.f32 $1.442695020e+00, v6  }
0x64: {  	(erf) = vrcp.f32 v7  }
0x65: {  	(erf) = vpow2.f32 v6;
	_ =	sdelay $0x1  }
0x66: {  	v6 =	vbroadcast v9, $0x3;
	_ =	sdelay $0x1  }
0x67: {  	v11 =	vbroadcast v12, $0x3;
	v7 =	vsub.f32 v13, v6;
	_ =	sdelay $0x1  }
0x68: {  	v20 =	vmul.f32 v7, v11;
	_ =	sdelay $0x1  }
0x69: {  	v7 =	vand.u32 $0x7FFFFFFF, v20;
	v21 =	vpop (erf)  }
0x6a: {  	v7 =	vmul.f32 $-2.000000000e+00, v7;
	v22 =	vpop (erf)  }
0x6b: {  	v11 =	vadd.f32 $1.000000000e+00, v22  }
0x6c: {  	v7 =	vmul.f32 $1.442695020e+00, v7  }
0x6d: {  	(erf) = vrcp.f32 v11  }
0x6e: {  	(erf) = vpow2.f32 v7;
	_ =	sdelay $0x1  }
0x6f: {  	v11 =	vbroadcast v9, $0x4;
	_ =	sdelay $0x1  }
0x70: {  	v23 =	vbroadcast v12, $0x4;
	v7 =	vsub.f32 v13, v11;
	_ =	sdelay $0x1  }
0x71: {  	v23 =	vmul.f32 v7, v23;
	_ =	sdelay $0x1  }
0x72: {  	v7 =	vand.u32 $0x7FFFFFFF, v23;
	v24 =	vpop (erf)  }
0x73: {  	v7 =	vmul.f32 $-2.000000000e+00, v7;
	v25 =	vpop (erf)  }
0x74: {  	v26 =	vadd.f32 $1.000000000e+00, v25  }
0x75: {  	v7 =	vmul.f32 $1.442695020e+00, v7  }
0x76: {  	(erf) = vrcp.f32 v26  }
0x77: {  	(erf) = vpow2.f32 v7;
	_ =	sdelay $0x1  }
0x78: {  	v7 =	vbroadcast v9, $0x5;
	_ =	sdelay $0x1  }
0x79: {  	v27 =	vbroadcast v12, $0x5;
	v26 =	vsub.f32 v13, v7;
	_ =	sdelay $0x1  }
0x7a: {  	v26 =	vmul.f32 v26, v27;
	_ =	sdelay $0x1  }
0x7b: {  	v28 =	vand.u32 $0x7FFFFFFF, v26;
	v27 =	vpop (erf)  }
0x7c: {  	v28 =	vmul.f32 $-2.000000000e+00, v28;
	v29 =	vpop (erf)  }
0x7d: {  	v30 =	vadd.f32 $1.000000000e+00, v29  }
0x7e: {  	v31 =	vand.u32 $0x80000000, v14;
	v28 =	vmul.f32 $1.442695020e+00, v28  }
0x7f: {  	vm1 =	vlt.f32 v14, $0.0e+00;
	vm2 =	vgt.f32 v14, $0.0e+00;
	(erf) = vrcp.f32 v30  }
0x80: {  	vm1 =	vmor vm2, vm1;
	(erf) = vpow2.f32 v28;
	v28 =	vor.u32 v31, v0  }
0x81: {  	v14 =	vsel vm1, v28, v14;
	v28 =	vbroadcast v9, $0x6  }
0x82: {  	v16 =	vsub.f32 $1.000000000e+00, v16  }
0x83: {  	v12 =	vbroadcast v12, $0x6;
	v13 =	vsub.f32 v13, v28  }
0x84: {  	vm2 =	vgt.f32 v15, $0.0e+00;
	v14 =	vmul.f32 v16, v14  }
0x85: {  	vm1 =	vlt.f32 v15, $0.0e+00;
	v16 =	vand.u32 $0x80000000, v15;
	v12 =	vmul.f32 v13, v12  }
0x86: {  	v16 =	vor.u32 v16, v0;
	v13 =	vmul.f32 v18, v14;
	v14 =	vbroadcast v8, $0x0  }
0x87: {  	v19 =	vsub.f32 $1.000000000e+00, v19;
	vm1 =	vmor vm2, vm1  }
0x88: {  	v15 =	vsel vm1, v16, v15  }
0x89: {  	v15 =	vmul.f32 v19, v15;
	v18 =	vand.u32 $0x7FFFFFFF, v12;
	v16 =	vpop (erf)  }
0x8a: {  	v13 =	vmul.f32 v13, v14;
	v18 =	vmul.f32 $-2.000000000e+00, v18;
	v14 =	vpop (erf)  }
0x8b: {  	v15 =	vmul.f32 v21, v15;
	v21 =	vadd.f32 $1.000000000e+00, v14  }
0x8c: {  	vm2 =	vgt.f32 v17, $0.0e+00;
	vm1 =	vlt.f32 v17, $0.0e+00;
	v18 =	vmul.f32 $1.442695020e+00, v18  }
0x8d: {  	v19 =	vand.u32 $0x80000000, v17;
	vm1 =	vmor vm2, vm1;
	(erf) = vrcp.f32 v21  }
0x8e: {  	v19 =	vor.u32 v19, v0;
	v21 =	vsub.f32 $1.000000000e+00, v22;
	(erf) = vpow2.f32 v18  }
0x8f: {  	v17 =	vsel vm1, v19, v17  }
0x90: {  	vm2 =	vgt.f32 v20, $0.0e+00;
	vm1 =	vlt.f32 v20, $0.0e+00;
	v17 =	vmul.f32 v21, v17  }
0x91: {  	v28 =	vbroadcast v8, $0x1;
	v19 =	vsub.f32 $1.000000000e+00, v25;
	vm1 =	vmor vm2, vm1  }
0x92: {  	v13 =	vadd.f32 $0.0e+00, v13;
	v18 =	vand.u32 $0x80000000, v20;
	v17 =	vmul.f32 v24, v17  }
0x93: {  	v15 =	vmul.f32 v15, v28;
	v18 =	vor.u32 v18, v0;
	v21 =	vbroadcast v8, $0x2  }
0x94: {  	vm2 =	vgt.f32 v23, $0.0e+00;
	v18 =	vsel vm1, v18, v20  }
0x95: {  	v14 =	vsub.f32 $1.000000000e+00, v14;
	v13 =	vadd.f32 v13, v15;
	v18 =	vmul.f32 v19, v18  }
0x96: {  	v22 =	vsub.f32 $1.000000000e+00, v29;
	v20 =	vand.u32 $0x80000000, v23;
	v15 =	vmul.f32 v17, v21;
	v17 =	vpop (erf)  }
0x97: {  	vm1 =	vlt.f32 v23, $0.0e+00;
	v19 =	vbroadcast v8, $0x3;
	v18 =	vmul.f32 v27, v18;
	v21 =	vpop (erf)  }
0x98: {  	v20 =	vor.u32 v20, v0;
	vm1 =	vmor vm2, vm1;
	v24 =	vadd.f32 $1.000000000e+00, v21  }
0x99: {  	vm2 =	vgt.f32 v26, $0.0e+00;
	v18 =	vmul.f32 v18, v19;
	v19 =	vsel vm1, v20, v23  }
0x9a: {  	s11 =	sadd.f32 $0.0e+00, s11;
	v13 =	vadd.f32 v13, v15;
	vm1 =	vlt.f32 v26, $0.0e+00;
	(erf) = vrcp.f32 v24  }
0x9b: {  	v15 =	vmul.f32 v22, v19;
	v19 =	vand.u32 $0x80000000, v26;
	vm1 =	vmor vm2, vm1  }
0x9c: {  	s10 =	sadd.f32 s11, s10;
	vm2 =	vgt.f32 v12, $0.0e+00;
	v19 =	vor.u32 v19, v0;
	v13 =	vadd.f32 v13, v18  }
0x9d: {  	v18 =	vbroadcast v8, $0x4;
	v15 =	vmul.f32 v16, v15;
	v16 =	vsel vm1, v19, v26  }
0x9e: {  	s9 =	sadd.f32 s10, s9;
	vm1 =	vlt.f32 v12, $0.0e+00;
	v14 =	vmul.f32 v14, v16;
	v16 =	vand.u32 $0x80000000, v12  }
0x9f: {  	v19 =	vsub.f32 $1.000000000e+00, v21;
	vm1 =	vmor vm2, vm1;
	v16 =	vor.u32 v16, v0  }
0xa0: {  	s9 =	sadd.f32 s9, s28;
	v15 =	vmul.f32 v15, v18;
	v12 =	vsel vm1, v16, v12;
	vm1 =	vgt.f32 v9, $0.0e+00  }
0xa1: {  	v14 =	vmul.f32 v17, v14;
	v16 =	vbroadcast v8, $0x5;
	v17 =	vsel vm1, $0x1, v2  }
0xa2: {  	s8 =	sadd.f32 s9, s8;
	v12 =	vmul.f32 v19, v12;
	vm1 =	veq.f32 v9, $0.0e+00;
	v9 =	vadd.s32 v9, v17  }
0xa3: {  	v8 =	vbroadcast v8, $0x6;
	v14 =	vmul.f32 v14, v16;
	v9 =	vsel vm1, $0x1, v9;
	v18 =	vpop (erf)  }
0xa4: {  	s7 =	sadd.f32 s8, s7;
	v13 =	vadd.f32 v13, v15;
	v15 =	vbroadcast v9, $0x0;
	v12 =	vmul.f32 v18, v12  }
0xa5: {  	vm1 =	vcmask $0x720  }
0xa6: {  	s6 =	sadd.f32 s7, s6;
	v13 =	vadd.f32 v13, v14;
	v8 =	vmul.f32 v12, v8;
	v12 =	vnsel vm0, $0x0, v15  }
0xa7: {  	v12 =	vsel vm1, v12, v5  }
0xa8: {  	s7 =	ssub.f32 $0.0e+00, s6;
	v8 =	vadd.f32 v13, v8;
	v10 =	vsel vm7, v12, v10  }
0xa9: {  	v9 =	vbroadcast v9, $0x6;
	vm1 =	veq.s32 v1, $0x0;
	v10 =	vsel vm8, v10, v6  }
0xaa: {  	v8 =	vsel vm1, s7, v8;
	vm1 =	veq.s32 v1, $0x7;
	v10 =	vsel vm9, v10, v11  }
0xab: {  	v8 =	vsel vm1, s6, v8;
	v10 =	vsel vm10, v10, v7  }
0xac: {  	[tilespmem:$0x200] =	vst v8;
	v8 =	vsel vm11, v10, v9  }
0xad: {  	[tilespmem:$0x180] =	vst v8  }
0xae: {  	_ =	swait.ge [sflag:s29], $0x4000  }
0xaf: {  	[sflag:s29] =	ssyncset.done $0x0  }
0xb0: {  	s17 =	simm.s32 $0x2C0;
	[sflag:s29] =	ssyncadd.s32 $0xFFFFC000  }
0xb1: {  	v25 =	vld [tilespmem:s17+$0xFFFFFFC0]  }
0xb2: {  	v17 =	vld [tilespmem:s17+$0x30]  }
0xb3: {  	v12 =	vld [tilespmem:s17+$0xFFFFFFD0]  }
0xb4: {  	v11 =	vld [tilespmem:s17+$0x20];
	_ =	sdelay $0x1  }
0xb5: {  	v18 =	vld [tilespmem:s17+$0xFFFFFFE0];
	vm1 =	vge.f32 v25, v7  }
0xb6: {  	v16 =	vld [tilespmem:s17+$0x10];
	vm2 =	vge.f32 v25, v5;
	vm12 =	vge.f32 v17, v5;
	vm13 =	vge.f32 v17, v6  }
0xb7: {  	vm14 =	vge.f32 v12, v6;
	v8 =	vsel vm1, $0x6, v3;
	vm1 =	vge.f32 v17, v7  }
0xb8: {  	v10 =	vsel vm2, $0x2, v4;
	v13 =	vsel vm12, $0x2, v4;
	vm2 =	vge.f32 v11, v6  }
0xb9: {  	vm12 =	vge.f32 v11, v7;
	v9 =	vsel vm1, $0x6, v3;
	vm1 =	vge.f32 v25, v6  }
0xba: {  	v19 =	vsel vm12, $0x6, v3;
	vm12 =	vge.f32 v18, v5;
	v32 =	vsel vm1, v8, v10  }
0xbb: {  	v27 =	vsel vm13, v9, v13;
	vm1 =	vge.f32 v11, v5;
	vm13 =	vge.f32 v16, v7  }
0xbc: {  	v33 =	vld [tilespmem:s17+$0xFFFFFFF0];
	v9 =	vsel vm13, $0x6, v3;
	vm13 =	vge.f32 v16, v5;
	v8 =	vsel vm1, $0x2, v4  }
0xbd: {  	v29 =	vld [tilespmem:s17+$0x0];
	vm1 =	vge.f32 v18, v7;
	v36 =	vor.u32 $0x1, v32;
	v44 =	vor.u32 $0x1, v27  }
0xbe: {  	v13 =	vsel vm13, $0x2, v4;
	vm13 =	vge.f32 v12, v7;
	v10 =	vsel vm1, $0x6, v3  }
0xbf: {  	s18 =	simm.s32 $0x340;
	vm1 =	vge.f32 v12, v5;
	v19 =	vsel vm2, v19, v8;
	vm2 =	vge.f32 v18, v6  }
0xc0: {  	v42 =	vld [tilespmem:s18+$0xFFFFFFD0];
	v14 =	vsel vm13, $0x6, v3;
	vm13 =	vge.f32 v16, v6;
	v15 =	vsel vm1, $0x2, v4  }
0xc1: {  	vm1 =	vge.f32 v33, v6;
	v14 =	vsel vm14, v14, v15;
	v15 =	vsel vm12, $0x2, v4  }
0xc2: {  	v8 =	vld [tilespmem:s18+$0xFFFFFFC0];
	vm12 =	vge.f32 v33, v7;
	vm14 =	vge.f32 v29, v5;
	v20 =	vor.u32 $0x1, v14  }
0xc3: {  	v28 =	vsel vm13, v9, v13;
	v13 =	vld [tilespmem:s18+$0x10];
	v21 =	vsel vm12, $0x6, v3;
	vm12 =	vge.f32 v33, v5  }
0xc4: {  	v34 =	vsel vm2, v10, v15;
	vm2 =	vge.f32 v29, v6;
	v10 =	vld [tilespmem:s18+$0x30];
	v22 =	vsel vm14, $0x2, v4  }
0xc5: {  	v40 =	vor.u32 $0x1, v28;
	vm14 =	vge.f32 v42, v6;
	v15 =	vsel vm12, $0x2, v4  }
0xc6: {  	v38 =	vor.u32 $0x1, v34;
	v37 =	vsel vm1, v21, v15;
	vm1 =	vge.f32 v29, v7  }
0xc7: {  	v21 =	vor.u32 $0x1, v19;
	v39 =	vor.u32 $0x1, v37;
	v9 =	vsel vm1, $0x6, v3;
	v15 =	vld.idx.msk [tilespmem:v20+s30+$0x0], $0xffff  }
0xc8: {  	v35 =	vld [tilespmem:s18+$0x20];
	vm1 =	vge.f32 v8, v7;
	v41 =	vsel vm2, v9, v22;
	vm2 =	vge.f32 v8, v5  }
0xc9: {  	v22 =	vsel vm1, $0x6, v3;
	vm15 =	vge.f32 v13, v6;
	vm1 =	vge.f32 v10, v7  }
0xca: {  	vm12 =	vge.f32 v10, v5;
	vm13 =	vge.f32 v10, v6;
	v24 =	vsel vm2, $0x2, v4  }
0xcb: {  	v9 =	vld [tilespmem:s18+$0xFFFFFFE0];
	v43 =	vor.u32 $0x1, v41;
	v23 =	vsel vm1, $0x6, v3;
	vm1 =	vge.f32 v8, v6  }
0xcc: {  	v30 =	vsel vm12, $0x2, v4;
	vm12 =	vge.f32 v13, v7;
	v26 =	vld.idx.msk [tilespmem:v21+s30+$0x0], $0xffff;
	vm2 =	vge.f32 v12, v15  }
0xcd: {  	v45 =	vld.idx.msk [tilespmem:v36+s30+$0x0], $0xffff;
	v12 =	vsel vm1, v22, v24;
	v15 =	vsel vm13, v23, v30;
	vm1 =	vge.f32 v35, v5  }
0xce: {  	v46 =	vld.idx.msk [tilespmem:v40+s30+$0x0], $0xffff;
	vm13 =	vge.f32 v35, v7;
	v22 =	vsel vm12, $0x6, v3;
	vm12 =	vge.f32 v13, v5  }
0xcf: {  	v24 =	vld [tilespmem:s18+$0xFFFFFFF0];
	v20 =	vsel vm2, v20, v14;
	vm2 =	vge.f32 v35, v6;
	v30 =	vsel vm1, $0x2, v4  }
0xd0: {  	v52 =	vld.idx.msk [tilespmem:v39+s30+$0x0], $0xffff;
	vm1 =	vge.f32 v9, v7;
	v31 =	vsel vm12, $0x2, v4;
	v48 =	vsel vm13, $0x6, v3  }
0xd1: {  	v23 =	vld.idx.msk [tilespmem:v38+s30+$0x0], $0xffff;
	vm12 =	vge.f32 v11, v26;
	v26 =	vsel vm1, $0x6, v3;
	vm1 =	vge.f32 v42, v7  }
0xd2: {  	v47 =	vld.idx.msk [tilespmem:v43+s30+$0x0], $0xffff;
	v51 =	vsel vm2, v48, v30;
	vm2 =	vge.f32 v9, v6;
	v19 =	vsel vm12, v21, v19  }
0xd3: {  	v14 =	vld [tilespmem:s18+$0x0];
	vm12 =	vge.f32 v42, v5;
	v11 =	vsel vm1, $0x6, v3;
	vm1 =	vge.f32 v9, v5  }
0xd4: {  	s28 =	simm.s32 $0x3C0;
	v30 =	vld.idx.msk [tilespmem:v44+s30+$0x0], $0xffff;
	v55 =	vor.u32 $0x1, v51;
	v21 =	vsel vm12, $0x2, v4;
	vm12 =	vge.f32 v24, v6  }
0xd5: {  	v50 =	vsel vm14, v11, v21;
	vm13 =	vge.f32 v24, v7;
	v11 =	vld [tilespmem:s28+$0xFFFFFFE0];
	vm14 =	vge.f32 v16, v46  }
0xd6: {  	v49 =	vld.idx.msk [tilespmem:v20+s31+$0x0], $0xffff;
	v20 =	vsel vm1, $0x2, v4;
	v48 =	vor.u32 $0x1, v50;
	vm1 =	vge.f32 v18, v23  }
0xd7: {  	v16 =	vld [tilespmem:s28+$0xFFFFFFC0];
	v53 =	vsel vm13, $0x6, v3;
	vm13 =	vge.f32 v24, v5;
	v23 =	vsel vm15, v22, v31  }
0xd8: {  	v21 =	vld [tilespmem:s28+$0x30];
	v40 =	vsel vm14, v40, v28;
	v18 =	vsel vm2, v26, v20;
	vm2 =	vge.f32 v14, v5  }
0xd9: {  	v26 =	vor.u32 $0x1, v12;
	v28 =	vor.u32 $0x1, v23;
	v54 =	vld.idx.msk [tilespmem:v19+s31+$0x0], $0xffff;
	v19 =	vsel vm13, $0x2, v4  }
0xda: {  	vm13 =	vge.f32 v14, v6;
	v60 =	vld.idx.msk [tilespmem:v55+s30+$0x0], $0xffff;
	v22 =	vsel vm12, v53, v19;
	vm12 =	vge.f32 v14, v7  }
0xdb: {  	v20 =	vor.u32 $0x1, v18;
	v19 =	vld [tilespmem:s28+$0x10];
	v63 =	vsel vm12, $0x6, v3;
	vm12 =	vge.f32 v17, v30  }
0xdc: {  	v31 =	vor.u32 $0x1, v22;
	v30 =	vld [tilespmem:s28+$0xFFFFFFD0];
	v17 =	vsel vm2, $0x2, v4;
	vm2 =	vge.f32 v25, v45  }
0xdd: {  	vm14 =	vge.f32 v16, v7;
	v46 =	vld.idx.msk [tilespmem:v48+s30+$0x0], $0xffff;
	v44 =	vsel vm12, v44, v27;
	v27 =	vsel vm13, v63, v17  }
0xde: {  	v17 =	vld [tilespmem:s28+$0xFFFFFFF0];
	vm12 =	vge.f32 v29, v47;
	vm13 =	vge.f32 v16, v5;
	v45 =	vsel vm2, v36, v32  }
0xdf: {  	v29 =	vld [tilespmem:s28+$0x20];
	v57 =	vsel vm14, $0x6, v3;
	vm2 =	vge.f32 v21, v7;
	vm14 =	vge.f32 v33, v52  }
0xe0: {  	v52 =	vld.idx.msk [tilespmem:v40+s31+$0x0], $0xffff;
	v36 =	vor.u32 $0x1, v15;
	v58 =	vsel vm2, $0x6, v3;
	vm2 =	vge.f32 v21, v5  }
0xe1: {  	v32 =	vld.idx.msk [tilespmem:v26+s30+$0x0], $0xffff;
	v37 =	vsel vm14, v39, v37;
	vm14 =	vge.f32 v16, v6;
	v59 =	vsel vm13, $0x2, v4  }
0xe2: {  	s6 =	simm.s32 $0x82C0;
	v25 =	vor.u32 $0x1, v27;
	v61 =	vsel vm12, v43, v41;
	v39 =	vld.idx.msk [tilespmem:v44+s31+$0x0], $0xffff;
	v44 =	vsel vm1, v38, v34  }
0xe3: {  	[tilespmem:s6+$0xFFFFFFD0] =	vst v49;
	v62 =	vsel vm2, $0x2, v4;
	vm12 =	vge.f32 v19, v6;
	vm15 =	vge.f32 v30, v6;
	v63 =	vld.idx.msk [tilespmem:v45+s31+$0x0], $0xffff  }
0xe4: {  	vm1 =	vge.f32 v21, v6;
	vm2 =	vge.f32 v42, v46;
	v34 =	vsel vm14, v57, v59;
	v38 =	vld.idx.msk [tilespmem:v20+s30+$0x0], $0xffff  }
0xe5: {  	vm14 =	vge.f32 v29, v6;
	vm3 =	vge.f32 v29, v7;
	v46 =	vld.idx.msk [tilespmem:v28+s30+$0x0], $0xffff;
	vm13 =	vge.f32 v17, v6  }
0xe6: {  	v33 =	vsel vm1, v58, v62;
	v56 =	vsel vm2, v48, v50;
	vm1 =	vge.f32 v29, v5;
	v57 =	vld.idx.msk [tilespmem:v37+s31+$0x0], $0xffff  }
0xe7: {  	[tilespmem:s6+$0x20] =	vst v54;
	vm2 =	vge.f32 v19, v7;
	v48 =	vsel vm1, $0x2, v4;
	vm1 =	vge.f32 v11, v7;
	v41 =	vld.idx.msk [tilespmem:v44+s31+$0x0], $0xffff  }
0xe8: {  	[tilespmem:s6+$0x10] =	vst v52;
	v40 =	vld.idx.msk [tilespmem:v61+s31+$0x0], $0xffff;
	v42 =	vsel vm2, $0x6, v3;
	vm2 =	vge.f32 v19, v5;
	v45 =	vsel vm1, $0x6, v3  }
0xe9: {  	vm1 =	vge.f32 v30, v7;
	[tilespmem:s6+$0x30] =	vst v39;
	v44 =	vsel vm2, $0x2, v4;
	vm2 =	vge.f32 v35, v60;
	v35 =	vld [tilespmem:s28+$0x0]  }
0xea: {  	v50 =	vsel vm3, $0x6, v3;
	[tilespmem:s6+$0xFFFFFFC0] =	vst v63;
	v39 =	vld.idx.msk [tilespmem:v25+s30+$0x0], $0xffff;
	v47 =	vsel vm2, v55, v51;
	vm2 =	vge.f32 v30, v5  }
0xeb: {  	s9 =	simm.s32 $0x100;
	s8 =	simm.s32 $0x8340;
	s7 =	simm.s32 $0x8340;
	v37 =	vsel vm1, $0x6, v3;
	v43 =	vld.idx.msk [tilespmem:v56+s31+$0x0], $0xffff;
	[tilespmem:s6+$0xFFFFFFF0] =	vst v57;
	v49 =	vsel vm2, $0x2, v4;
	vm2 =	vge.f32 v11, v5  }
.LBB2_2:
0xec: {  	s9 =	sadd.s32 $0x80, s9;
	v49 =	vsel vm15, v37, v49;
	v51 =	vsel vm2, $0x2, v4;
	v37 =	vsel vm14, v50, v48;
	v48 =	vld.idx.msk [tilespmem:v36+s30+$0x0], $0xffff;
	s7 =	sadd.s32 $0x80, s7;
	[tilespmem:s6+$0xFFFFFFE0] =	vst v41  }
0xed: {  	vm3 =	vge.f32 v11, v6;
	s28 =	sadd.s32 $0x80, s28;
	vm14 =	vge.f32 v9, v38;
	p0 =	slt.u32 s9, $0x3F80;
	v41 =	vor.u32 $0x1, v49;
	v38 =	vld.idx.msk [tilespmem:v31+s30+$0x0], $0xffff;
	[tilespmem:s6+$0x0] =	vst v40;
	s6 =	smov.u32 s8  }
0xee: {  	vm2 =	vge.f32 v17, v7;
	v9 =	vmovc v11;
	s8 =	smov.u32 s7;
	vm1 =	vge.f32 v35, v5;
	vm15 =	vge.f32 v35, v6;
	v11 =	vld [tilespmem:s28+$0xFFFFFFE0]  }
0xef: {  	vm4 =	vge.f32 v17, v5;
	v40 =	vsel vm2, $0x6, v3;
	vm2 =	vge.f32 v13, v46;
	v13 =	vmovc v19;
	v46 =	vld.idx.msk [tilespmem:v47+s31+$0x0], $0xffff  }
0xf0: {  	v42 =	vsel vm12, v42, v44;
	v44 =	vmovc v27;
	v50 =	vmovc v29;
	v45 =	vsel vm3, v45, v51;
	v19 =	vsel vm4, $0x2, v4;
	v47 =	vld [tilespmem:s28+$0xFFFFFFC0]  }
0xf1: {  	v52 =	vor.u32 $0x1, v34;
	v53 =	vor.u32 $0x1, v45;
	v40 =	vsel vm13, v40, v19;
	v51 =	vld [tilespmem:s28+$0x30];
	[tilespmem:s6+$0xFFFFFFD0] =	vst v43;
	v43 =	vmovc v12;
	v12 =	vmovc v34  }
0xf2: {  	vm3 =	vge.f32 v35, v7;
	v54 =	vor.u32 $0x1, v40;
	vm4 =	vge.f32 v10, v48;
	v10 =	vmovc v21;
	v34 =	vld.idx.msk [tilespmem:v41+s30+$0x0], $0xffff  }
0xf3: {  	v29 =	vmovc v14;
	v55 =	vor.u32 $0x1, v37;
	v21 =	vsel vm3, $0x6, v3;
	v36 =	vsel vm4, v36, v15;
	v15 =	vmovc v33;
	v19 =	vld [tilespmem:s28+$0x10]  }
0xf4: {  	v14 =	vmovc v35;
	v27 =	vsel vm1, $0x2, v4;
	v33 =	vsel vm2, v28, v23;
	v28 =	vor.u32 $0x1, v42;
	v23 =	vmovc v42;
	v56 =	vld [tilespmem:s28+$0xFFFFFFD0]  }
0xf5: {  	vm1 =	vge.f32 v8, v32;
	v27 =	vsel vm15, v21, v27;
	vm2 =	vge.f32 v29, v39;
	v57 =	vld [tilespmem:s28+$0xFFFFFFF0];
	[tilespmem:s6+$0x20] =	vst v46  }
0xf6: {  	v8 =	vmovc v16;
	v35 =	vsel vm1, v26, v43;
	vm3 =	vge.f32 v47, v5;
	vm4 =	vge.f32 v47, v7;
	v29 =	vld [tilespmem:s28+$0x20]  }
0xf7: {  	v16 =	vmovc v47;
	v39 =	vsel vm4, $0x6, v3;
	vm1 =	vge.f32 v51, v7;
	vm4 =	vge.f32 v24, v38;
	v32 =	vld.idx.msk [tilespmem:v52+s30+$0x0], $0xffff  }
0xf8: {  	vm12 =	vge.f32 v51, v5;
	v21 =	vmovc v51;
	v24 =	vsel vm1, $0x6, v3;
	v31 =	vsel vm4, v31, v22;
	v43 =	vld.idx.msk [tilespmem:v36+s31+$0x0], $0xffff  }
0xf9: {  	v42 =	vsel vm14, v20, v18;
	vm1 =	vge.f32 v16, v6;
	vm4 =	vge.f32 v21, v6;
	v47 =	vld.idx.msk [tilespmem:v33+s31+$0x0], $0xffff  }
0xfa: {  	v18 =	vmovc v45;
	v26 =	vmovc v52;
	v44 =	vsel vm2, v25, v44;
	v25 =	vor.u32 $0x1, v27;
	v33 =	vsel vm3, $0x2, v4;
	v51 =	vld.idx.msk [tilespmem:v55+s30+$0x0], $0xffff  }
0xfb: {  	v20 =	vmovc v53;
	v38 =	vsel vm12, $0x2, v4;
	vm2 =	vge.f32 v30, v34;
	v22 =	vmovc v40;
	v36 =	vor.u32 $0x1, v15;
	v30 =	vld.idx.msk [tilespmem:v35+s31+$0x0], $0xffff  }
0xfc: {  	v34 =	vsel vm1, v39, v33;
	v33 =	vsel vm4, v24, v38;
	v24 =	vsel vm2, v41, v49;
	v38 =	vld.idx.msk [tilespmem:v53+s30+$0x0], $0xffff  }
0xfd: {  	vm2 =	vge.f32 v29, v5;
	vm14 =	vge.f32 v29, v6;
	vm1 =	vge.f32 v29, v7;
	v52 =	vld.idx.msk [tilespmem:v31+s31+$0x0], $0xffff  }
0xfe: {  	vm15 =	vge.f32 v56, v6;
	vm3 =	vge.f32 v19, v5;
	vm4 =	vge.f32 v19, v7;
	v41 =	vld.idx.msk [tilespmem:v42+s31+$0x0], $0xffff  }
.Ltmp0:
0xff: {  	vm12 =	vge.f32 v19, v6;
	v48 =	vsel vm2, $0x2, v4;
	v31 =	vmovc v54;
	v42 =	vsel vm4, $0x6, v3;
	v40 =	vld.idx.msk [tilespmem:v44+s31+$0x0], $0xffff;
	[tilespmem:s6+$0x30] =	vst v43;
	(pc) =	sbr.rel @p0 .LBB2_2-.Ltmp0, $4  }
0x100: {  	vm13 =	vge.f32 v57, v6;
	vm4 =	vge.f32 v56, v7;
	v44 =	vsel vm3, $0x2, v4;
	v46 =	vld.idx.msk [tilespmem:v28+s30+$0x0], $0xffff;
	[tilespmem:s6+$0x10] =	vst v47  }
0x101: {  	vm2 =	vge.f32 v11, v5;
	vm3 =	vge.f32 v11, v7;
	vm5 =	vge.f32 v50, v51;
	v35 =	vld [tilespmem:s28+$0x0];
	[tilespmem:s6+$0xFFFFFFC0] =	vst v30  }
0x102: {  	vm6 =	vge.f32 v56, v5;
	v45 =	vsel vm3, $0x6, v3;
	v47 =	vsel vm5, v55, v37;
	v30 =	vmovc v56;
	v39 =	vld.idx.msk [tilespmem:v25+s30+$0x0], $0xffff  }
0x103: {  	v49 =	vsel vm6, $0x2, v4;
	v50 =	vsel vm1, $0x6, v3;
	v37 =	vsel vm4, $0x6, v3;
	v43 =	vld.idx.msk [tilespmem:v24+s31+$0x0], $0xffff;
	[tilespmem:s6+$0xFFFFFFF0] =	vst v52;
	v24 =	vmovc v17;
	v17 =	vmovc v57  }
0x104: {  	_ =	sdelay $0x3  }
0x105: {  	v51 =	vld.idx.msk [tilespmem:v36+s30+$0x0], $0xffff;
	v37 =	vsel vm15, v37, v49;
	v56 =	vsel vm2, $0x2, v4;
	v52 =	vor.u32 $0x1, v34  }
0x106: {  	v48 =	vsel vm14, v50, v48;
	vm1 =	vge.f32 v11, v6;
	vm3 =	vge.f32 v17, v7  }
0x107: {  	v42 =	vsel vm12, v42, v44;
	v60 =	vor.u32 $0x1, v33;
	v57 =	vor.u32 $0x1, v37  }
0x108: {  	vm4 =	vge.f32 v13, v46;
	v13 =	vld.idx.msk [tilespmem:v31+s30+$0x0], $0xffff;
	v58 =	vor.u32 $0x1, v48;
	v45 =	vsel vm1, v45, v56  }
0x109: {  	v62 =	vor.u32 $0x1, v42;
	vm1 =	vge.f32 v8, v32;
	vm5 =	vge.f32 v35, v6  }
0x10a: {  	v12 =	vsel vm1, v26, v12;
	v55 =	vor.u32 $0x1, v45;
	vm2 =	vge.f32 v10, v51;
	v8 =	vld.idx.msk [tilespmem:v52+s30+$0x0], $0xffff  }
0x10b: {  	v10 =	vsel vm2, v36, v15;
	v15 =	vsel vm4, v28, v23;
	vm4 =	vge.f32 v17, v5;
	v28 =	vld.idx.msk [tilespmem:v47+s31+$0x0], $0xffff  }
0x10c: {  	vm2 =	vge.f32 v35, v5;
	v23 =	vsel vm3, $0x6, v3;
	v59 =	vld.idx.msk [tilespmem:v57+s30+$0x0], $0xffff;
	v61 =	vsel vm4, $0x2, v4  }
0x10d: {  	vm3 =	vge.f32 v35, v7;
	v56 =	vld.idx.msk [tilespmem:v58+s30+$0x0], $0xffff;
	vm1 =	vge.f32 v24, v13;
	v23 =	vsel vm13, v23, v61  }
0x10e: {  	v24 =	vld.idx.msk [tilespmem:v60+s30+$0x0], $0xffff;
	v63 =	vsel vm3, $0x6, v3;
	v54 =	vsel vm2, $0x2, v4;
	v26 =	vor.u32 $0x1, v23  }
0x10f: {  	vm2 =	vge.f32 v9, v38;
	v9 =	vsel vm1, v31, v22;
	v22 =	vld.idx.msk [tilespmem:v62+s30+$0x0], $0xffff;
	v32 =	vsel vm5, v63, v54  }
0x110: {  	vm1 =	vge.f32 v14, v39;
	v12 =	vld.idx.msk [tilespmem:v12+s31+$0x0], $0xffff;
	v13 =	vor.u32 $0x1, v32  }
0x111: {  	v14 =	vsel vm2, v20, v18;
	v18 =	vsel vm1, v25, v27;
	v27 =	vld.idx.msk [tilespmem:v55+s30+$0x0], $0xffff  }
0x112: {  	v10 =	vld.idx.msk [tilespmem:v10+s31+$0x0], $0xffff  }
0x113: {  	vm1 =	vge.f32 v30, v59;
	v20 =	vld.idx.msk [tilespmem:v26+s30+$0x0], $0xffff  }
0x114: {  	[tilespmem:s6+$0xFFFFFFE0] =	vst v41;
	v15 =	vld.idx.msk [tilespmem:v15+s31+$0x0], $0xffff;
	v25 =	vsel vm1, v57, v37;
	vm1 =	vge.f32 v29, v56  }
0x115: {  	[tilespmem:s6+$0x0] =	vst v40;
	vm2 =	vge.f32 v19, v22;
	v30 =	vsel vm1, v58, v48;
	v29 =	vld.idx.msk [tilespmem:v13+s30+$0x0], $0xffff  }
0x116: {  	[tilespmem:s8+$0xFFFFFFD0] =	vst v43;
	vm1 =	vge.f32 v21, v24;
	v14 =	vld.idx.msk [tilespmem:v14+s31+$0x0], $0xffff;
	v21 =	vsel vm2, v62, v42  }
0x117: {  	[tilespmem:s8+$0x20] =	vst v28;
	v9 =	vld.idx.msk [tilespmem:v9+s31+$0x0], $0xffff;
	v19 =	vsel vm1, v60, v33;
	vm1 =	vge.f32 v16, v8  }
0x118: {  	v8 =	vld.idx.msk [tilespmem:v18+s31+$0x0], $0xffff;
	[tilespmem:s8+$0x30] =	vst v10;
	v10 =	vsel vm1, v52, v34;
	vm1 =	vge.f32 v17, v20  }
0x119: {  	vm2 =	vge.f32 v11, v27;
	[tilespmem:s8+$0x10] =	vst v15;
	v15 =	vld.idx.msk [tilespmem:v25+s31+$0x0], $0xffff;
	v11 =	vsel vm1, v26, v23  }
0x11a: {  	[tilespmem:s8+$0xFFFFFFC0] =	vst v12;
	v16 =	vsel vm2, v55, v45;
	v12 =	vld.idx.msk [tilespmem:v30+s31+$0x0], $0xffff;
	vm1 =	vge.f32 v35, v29  }
0x11b: {  	[tilespmem:s8+$0xFFFFFFE0] =	vst v14;
	v14 =	vld.idx.msk [tilespmem:v21+s31+$0x0], $0xffff;
	v13 =	vsel vm1, v13, v32  }
0x11c: {  	[tilespmem:s8+$0xFFFFFFF0] =	vst v9;
	v9 =	vld.idx.msk [tilespmem:v19+s31+$0x0], $0xffff  }
0x11d: {  	s15 =	sadd.s32 $0x80, s7;
	[tilespmem:s8+$0x0] =	vst v8;
	v8 =	vld.idx.msk [tilespmem:v10+s31+$0x0], $0xffff  }
0x11e: {  	[tilespmem:s15+$0xFFFFFFD0] =	vst v15;
	v10 =	vld.idx.msk [tilespmem:v11+s31+$0x0], $0xffff  }
0x11f: {  	[tilespmem:s15+$0x20] =	vst v12;
	v11 =	vld.idx.msk [tilespmem:v16+s31+$0x0], $0xffff  }
0x120: {  	[tilespmem:s15+$0x10] =	vst v14;
	v12 =	vld.idx.msk [tilespmem:v13+s31+$0x0], $0xffff  }
0x121: {  	[tilespmem:s15+$0x30] =	vst v9  }
0x122: {  	[tilespmem:s15+$0xFFFFFFC0] =	vst v8  }
0x123: {  	[tilespmem:s15+$0xFFFFFFF0] =	vst v10  }
0x124: {  	[tilespmem:s15+$0xFFFFFFE0] =	vst v11  }
0x125: {  	[tilespmem:s15+$0x0] =	vst v12  }
0x126: {  	s6 =	rddreg [dreg:$0x8]  }
0x127: {  	[hbm4b:s6+s5] =	stream.linear.scatter [tilespmem:s0], [sflag:$0x3], $0x4000, $0x38;
	[tilespmem:$0x10280] =	vst v63  }
0x128: {  	s16 =	rddreg [dreg:$0x9]  }
0x129: {  	[tilespmem:s23], [sflag:$0x1] =	stream.linear.gather [hbm4b:s16+s5], $0x4000, $0x38;
	[tilespmem:$0x10280] =	vst v63  }
0x12a: {  	_ =	swait.ge [sflag:s4], $0x4000  }
0x12b: {  	[sflag:s4] =	ssyncset.done $0x0  }
0x12c: {  	s17 =	simm.s32 $0x42C0;
	[sflag:s4] =	ssyncadd.s32 $0xFFFFC000  }
0x12d: {  	v25 =	vld [tilespmem:s17+$0xFFFFFFC0]  }
0x12e: {  	v17 =	vld [tilespmem:s17+$0x30]  }
0x12f: {  	v13 =	vld [tilespmem:s17+$0xFFFFFFD0]  }
0x130: {  	v15 =	vld [tilespmem:s17+$0x10]  }
0x131: {  	s18 =	simm.s32 $0x4340;
	v18 =	vld [tilespmem:s17+$0xFFFFFFE0]  }
0x132: {  	v42 =	vld [tilespmem:s18+$0xFFFFFFD0];
	_ =	sdelay $0x1  }
0x133: {  	v11 =	vld [tilespmem:s17+$0x20];
	vm1 =	vge.f32 v25, v7  }
0x134: {  	vm2 =	vge.f32 v25, v5;
	vm3 =	vge.f32 v17, v5;
	vm4 =	vge.f32 v17, v6  }
0x135: {  	v30 =	vld [tilespmem:s17+$0x0];
	vm5 =	vge.f32 v15, v5;
	vm6 =	vge.f32 v15, v7;
	vm12 =	vge.f32 v15, v6  }
0x136: {  	vm13 =	vge.f32 v18, v5;
	vm14 =	vge.f32 v13, v5;
	vm15 =	vge.f32 v42, v5  }
0x137: {  	v33 =	vld [tilespmem:s17+$0xFFFFFFF0];
	v8 =	vsel vm1, $0x6, v3;
	vm1 =	vge.f32 v17, v7;
	v10 =	vsel vm2, $0x2, v4  }
0x138: {  	v12 =	vsel vm3, $0x2, v4;
	vm2 =	vge.f32 v11, v6;
	vm3 =	vge.f32 v11, v7  }
0x139: {  	v16 =	vsel vm14, $0x2, v4;
	v9 =	vsel vm1, $0x6, v3;
	vm1 =	vge.f32 v25, v6  }
0x13a: {  	v19 =	vsel vm3, $0x6, v3;
	vm3 =	vge.f32 v30, v5;
	v32 =	vsel vm1, v8, v10  }
0x13b: {  	v27 =	vsel vm4, v9, v12;
	vm1 =	vge.f32 v11, v5;
	vm4 =	vge.f32 v13, v6  }
0x13c: {  	v9 =	vsel vm6, $0x6, v3;
	vm6 =	vge.f32 v33, v6;
	v12 =	vsel vm5, $0x2, v4  }
0x13d: {  	vm5 =	vge.f32 v18, v7;
	v8 =	vsel vm1, $0x2, v4;
	vm1 =	vge.f32 v13, v7  }
0x13e: {  	v10 =	vsel vm5, $0x6, v3;
	vm5 =	vge.f32 v33, v5;
	v28 =	vsel vm12, v9, v12  }
0x13f: {  	v35 =	vor.u32 $0x1, v32;
	v31 =	vor.u32 $0x1, v27;
	v14 =	vsel vm1, $0x6, v3  }
0x140: {  	v19 =	vsel vm2, v19, v8;
	vm1 =	vge.f32 v18, v6;
	vm2 =	vge.f32 v33, v7  }
0x141: {  	v12 =	vld [tilespmem:s18+$0x10];
	v14 =	vsel vm4, v14, v16;
	v16 =	vsel vm13, $0x2, v4;
	v22 =	vor.u32 $0x1, v19  }
0x142: {  	v8 =	vld [tilespmem:s18+$0xFFFFFFC0];
	vm4 =	vge.f32 v30, v6;
	v21 =	vsel vm2, $0x6, v3;
	v20 =	vor.u32 $0x1, v14  }
0x143: {  	v37 =	vld [tilespmem:s18+$0x20];
	v34 =	vsel vm1, v10, v16;
	v16 =	vsel vm5, $0x2, v4;
	vm1 =	vge.f32 v30, v7  }
0x144: {  	v10 =	vld [tilespmem:s18+$0x30];
	v36 =	vsel vm6, v21, v16;
	v9 =	vsel vm1, $0x6, v3;
	v21 =	vsel vm3, $0x2, v4  }
0x145: {  	v40 =	vor.u32 $0x1, v28;
	vm5 =	vge.f32 v42, v6;
	v41 =	vsel vm4, v9, v21;
	v21 =	vld [tilespmem:s18+$0xFFFFFFF0]  }
0x146: {  	v38 =	vor.u32 $0x1, v34;
	v39 =	vor.u32 $0x1, v36;
	vm6 =	vge.f32 v12, v5;
	v57 =	vld.idx.msk [tilespmem:v22+s30+$0x0], $0xffff  }
0x147: {  	vm12 =	vge.f32 v12, v7;
	vm1 =	vge.f32 v8, v7;
	vm2 =	vge.f32 v8, v5;
	v16 =	vld.idx.msk [tilespmem:v20+s30+$0x0], $0xffff  }
0x148: {  	v43 =	vor.u32 $0x1, v41;
	v23 =	vsel vm1, $0x6, v3;
	v26 =	vsel vm2, $0x2, v4  }
0x149: {  	v9 =	vld [tilespmem:s18+$0xFFFFFFE0];
	vm1 =	vge.f32 v10, v7;
	vm3 =	vge.f32 v10, v5;
	vm4 =	vge.f32 v10, v6  }
0x14a: {  	v24 =	vsel vm1, $0x6, v3;
	vm1 =	vge.f32 v8, v6;
	v29 =	vsel vm3, $0x2, v4  }
0x14b: {  	vm3 =	vge.f32 v37, v6;
	vm13 =	vge.f32 v21, v6;
	vm14 =	vge.f32 v11, v57  }
0x14c: {  	v58 =	vld.idx.msk [tilespmem:v35+s30+$0x0], $0xffff;
	vm2 =	vge.f32 v13, v16;
	v13 =	vsel vm1, v23, v26;
	v16 =	vsel vm4, v24, v29  }
0x14d: {  	v56 =	vld.idx.msk [tilespmem:v31+s30+$0x0], $0xffff;
	vm4 =	vge.f32 v37, v7;
	vm1 =	vge.f32 v12, v6;
	v24 =	vsel vm12, $0x6, v3  }
0x14e: {  	v59 =	vld.idx.msk [tilespmem:v40+s30+$0x0], $0xffff;
	v29 =	vsel vm6, $0x2, v4;
	vm6 =	vge.f32 v9, v5;
	vm12 =	vge.f32 v9, v7  }
0x14f: {  	v23 =	vld.idx.msk [tilespmem:v38+s30+$0x0], $0xffff;
	v19 =	vsel vm14, v22, v19;
	v22 =	vsel vm15, $0x2, v4;
	v20 =	vsel vm2, v20, v14  }
0x150: {  	v53 =	vld.idx.msk [tilespmem:v39+s30+$0x0], $0xffff;
	vm2 =	vge.f32 v37, v5;
	v60 =	vsel vm12, $0x6, v3;
	v62 =	vsel vm4, $0x6, v3  }
0x151: {  	v14 =	vld [tilespmem:s18+$0x0];
	v24 =	vsel vm1, v24, v29;
	v26 =	vsel vm2, $0x2, v4;
	vm2 =	vge.f32 v42, v7  }
0x152: {  	s6 =	simm.s32 $0x43C0;
	v61 =	vld.idx.msk [tilespmem:v43+s30+$0x0], $0xffff;
	v11 =	vsel vm2, $0x6, v3;
	v51 =	vsel vm3, v62, v26;
	vm2 =	vge.f32 v9, v6  }
0x153: {  	vm3 =	vge.f32 v21, v7;
	v26 =	vor.u32 $0x1, v13;
	v50 =	vsel vm5, v11, v22;
	v11 =	vld [tilespmem:s6+$0xFFFFFFE0]  }
0x154: {  	v22 =	vld [tilespmem:s6+$0x30];
	v54 =	vor.u32 $0x1, v51;
	v52 =	vor.u32 $0x1, v50;
	vm12 =	vge.f32 v18, v23  }
0x155: {  	v23 =	vsel vm3, $0x6, v3;
	vm3 =	vge.f32 v15, v59;
	v63 =	vld.idx.msk [tilespmem:v20+s31+$0x0], $0xffff;
	v20 =	vsel vm6, $0x2, v4  }
0x156: {  	v46 =	vld.idx.msk [tilespmem:v19+s31+$0x0], $0xffff;
	vm4 =	vge.f32 v14, v5;
	vm5 =	vge.f32 v14, v6;
	vm6 =	vge.f32 v21, v5  }
0x157: {  	v15 =	vld [tilespmem:s6+$0xFFFFFFC0];
	vm1 =	vge.f32 v14, v7;
	v18 =	vsel vm2, v60, v20;
	v20 =	vsel vm6, $0x2, v4  }
0x158: {  	v40 =	vsel vm3, v40, v28;
	vm2 =	vge.f32 v17, v56;
	v23 =	vsel vm13, v23, v20;
	v20 =	vld [tilespmem:s6+$0x10]  }
0x159: {  	v28 =	vor.u32 $0x1, v24;
	v17 =	vsel vm1, $0x6, v3;
	v48 =	vsel vm2, v31, v27;
	v31 =	vld [tilespmem:s6+$0xFFFFFFD0]  }
0x15a: {  	vm1 =	vge.f32 v25, v58;
	v19 =	vor.u32 $0x1, v18;
	vm2 =	vge.f32 v30, v61;
	v30 =	vld [tilespmem:s6+$0x20]  }
0x15b: {  	v27 =	vsel vm4, $0x2, v4;
	v35 =	vsel vm1, v35, v32;
	v32 =	vld.idx.msk [tilespmem:v26+s30+$0x0], $0xffff;
	v29 =	vor.u32 $0x1, v23  }
0x15c: {  	v27 =	vsel vm5, v17, v27;
	v17 =	vld [tilespmem:s6+$0xFFFFFFF0];
	vm1 =	vge.f32 v22, v7;
	vm5 =	vge.f32 v22, v5  }
0x15d: {  	v55 =	vld.idx.msk [tilespmem:v54+s30+$0x0], $0xffff;
	v61 =	vsel vm2, v43, v41;
	vm3 =	vge.f32 v15, v5;
	vm4 =	vge.f32 v15, v7  }
0x15e: {  	v57 =	vld.idx.msk [tilespmem:v52+s30+$0x0], $0xffff;
	v59 =	vsel vm1, $0x6, v3;
	v58 =	vsel vm4, $0x6, v3;
	vm4 =	vge.f32 v33, v53  }
0x15f: {  	vm1 =	vge.f32 v15, v6;
	v25 =	vor.u32 $0x1, v27;
	v53 =	vld.idx.msk [tilespmem:v40+s31+$0x0], $0xffff;
	v39 =	vsel vm4, v39, v36  }
0x160: {  	s28 =	simm.s32 $0xC2C0;
	v62 =	vsel vm5, $0x2, v4;
	v60 =	vsel vm3, $0x2, v4;
	v47 =	vld.idx.msk [tilespmem:v48+s31+$0x0], $0xffff;
	v48 =	vsel vm12, v38, v34  }
0x161: {  	[tilespmem:s28+$0xFFFFFFD0] =	vst v63;
	v45 =	vld.idx.msk [tilespmem:v28+s30+$0x0], $0xffff;
	vm4 =	vge.f32 v22, v6;
	v36 =	vor.u32 $0x1, v16;
	v34 =	vsel vm1, v58, v60  }
0x162: {  	v63 =	vld.idx.msk [tilespmem:v35+s31+$0x0], $0xffff;
	v33 =	vsel vm4, v59, v62;
	vm1 =	vge.f32 v30, v5;
	vm14 =	vge.f32 v30, v6  }
0x163: {  	v38 =	vld.idx.msk [tilespmem:v19+s30+$0x0], $0xffff;
	vm15 =	vge.f32 v31, v6;
	vm3 =	vge.f32 v20, v5;
	vm2 =	vge.f32 v42, v57  }
0x164: {  	vm4 =	vge.f32 v20, v7;
	vm12 =	vge.f32 v20, v6;
	v52 =	vsel vm2, v52, v50;
	v56 =	vld.idx.msk [tilespmem:v39+s31+$0x0], $0xffff  }
0x165: {  	[tilespmem:s28+$0x20] =	vst v46;
	vm6 =	vge.f32 v31, v5;
	vm13 =	vge.f32 v17, v6;
	v44 =	vsel vm3, $0x2, v4;
	v41 =	vld.idx.msk [tilespmem:v48+s31+$0x0], $0xffff  }
0x166: {  	v40 =	vld.idx.msk [tilespmem:v61+s31+$0x0], $0xffff;
	vm3 =	vge.f32 v11, v7;
	vm5 =	vge.f32 v37, v55;
	v42 =	vsel vm4, $0x6, v3;
	[tilespmem:s28+$0x10] =	vst v53  }
0x167: {  	v35 =	vld [tilespmem:s6+$0x0];
	vm4 =	vge.f32 v31, v7;
	v46 =	vsel vm3, $0x6, v3;
	vm2 =	vge.f32 v30, v7;
	[tilespmem:s28+$0x30] =	vst v47  }
0x168: {  	v37 =	vsel vm4, $0x6, v3;
	v50 =	vsel vm6, $0x2, v4;
	v39 =	vld.idx.msk [tilespmem:v25+s30+$0x0], $0xffff;
	[tilespmem:s28+$0xFFFFFFC0] =	vst v63;
	v47 =	vsel vm5, v54, v51  }
0x169: {  	s9 =	simm.s32 $0x100;
	s7 =	simm.s32 $0xC340;
	s8 =	simm.s32 $0xC340;
	v49 =	vsel vm2, $0x6, v3;
	v48 =	vsel vm1, $0x2, v4;
	vm1 =	vge.f32 v11, v5;
	v43 =	vld.idx.msk [tilespmem:v52+s31+$0x0], $0xffff;
	[tilespmem:s28+$0xFFFFFFF0] =	vst v56  }
.LBB2_4:
0x16a: {  	s9 =	sadd.s32 $0x80, s9;
	v50 =	vsel vm15, v37, v50;
	v51 =	vsel vm1, $0x2, v4;
	v37 =	vsel vm14, v49, v48;
	v48 =	vld.idx.msk [tilespmem:v36+s30+$0x0], $0xffff;
	s7 =	sadd.s32 $0x80, s7;
	[tilespmem:s28+$0xFFFFFFE0] =	vst v41  }
0x16b: {  	vm3 =	vge.f32 v11, v6;
	s6 =	sadd.s32 $0x80, s6;
	vm14 =	vge.f32 v9, v38;
	p0 =	slt.u32 s9, $0x3F80;
	v41 =	vor.u32 $0x1, v50;
	v38 =	vld.idx.msk [tilespmem:v29+s30+$0x0], $0xffff;
	[tilespmem:s28+$0x0] =	vst v40;
	s28 =	smov.u32 s8  }
0x16c: {  	vm2 =	vge.f32 v17, v7;
	v9 =	vmovc v11;
	s8 =	smov.u32 s7;
	vm1 =	vge.f32 v35, v5;
	vm15 =	vge.f32 v35, v6;
	v11 =	vld [tilespmem:s6+$0xFFFFFFE0]  }
0x16d: {  	vm4 =	vge.f32 v17, v5;
	v40 =	vsel vm2, $0x6, v3;
	vm2 =	vge.f32 v12, v45;
	v12 =	vmovc v20;
	v45 =	vld.idx.msk [tilespmem:v47+s31+$0x0], $0xffff  }
0x16e: {  	v42 =	vsel vm12, v42, v44;
	v44 =	vmovc v27;
	v49 =	vmovc v30;
	v46 =	vsel vm3, v46, v51;
	v20 =	vsel vm4, $0x2, v4;
	v47 =	vld [tilespmem:s6+$0xFFFFFFC0]  }
0x16f: {  	v52 =	vor.u32 $0x1, v34;
	v53 =	vor.u32 $0x1, v46;
	v40 =	vsel vm13, v40, v20;
	v51 =	vld [tilespmem:s6+$0x30];
	[tilespmem:s28+$0xFFFFFFD0] =	vst v43;
	v43 =	vmovc v13;
	v13 =	vmovc v34  }
0x170: {  	vm3 =	vge.f32 v35, v7;
	v54 =	vor.u32 $0x1, v40;
	vm4 =	vge.f32 v10, v48;
	v10 =	vmovc v22;
	v34 =	vld.idx.msk [tilespmem:v41+s30+$0x0], $0xffff  }
0x171: {  	v30 =	vmovc v14;
	v55 =	vor.u32 $0x1, v37;
	v22 =	vsel vm3, $0x6, v3;
	v36 =	vsel vm4, v36, v16;
	v16 =	vmovc v33;
	v20 =	vld [tilespmem:s6+$0x10]  }
0x172: {  	v14 =	vmovc v35;
	v27 =	vsel vm1, $0x2, v4;
	v33 =	vsel vm2, v28, v24;
	v28 =	vor.u32 $0x1, v42;
	v24 =	vmovc v42;
	v56 =	vld [tilespmem:s6+$0xFFFFFFD0]  }
0x173: {  	vm1 =	vge.f32 v8, v32;
	v27 =	vsel vm15, v22, v27;
	vm2 =	vge.f32 v30, v39;
	v57 =	vld [tilespmem:s6+$0xFFFFFFF0];
	[tilespmem:s28+$0x20] =	vst v45  }
0x174: {  	v8 =	vmovc v15;
	v35 =	vsel vm1, v26, v43;
	vm3 =	vge.f32 v47, v5;
	vm4 =	vge.f32 v47, v7;
	v30 =	vld [tilespmem:s6+$0x20]  }
0x175: {  	v15 =	vmovc v47;
	v39 =	vsel vm4, $0x6, v3;
	vm1 =	vge.f32 v51, v7;
	vm4 =	vge.f32 v21, v38;
	v32 =	vld.idx.msk [tilespmem:v52+s30+$0x0], $0xffff  }
0x176: {  	vm5 =	vge.f32 v51, v5;
	v22 =	vmovc v51;
	v21 =	vsel vm1, $0x6, v3;
	v29 =	vsel vm4, v29, v23;
	v43 =	vld.idx.msk [tilespmem:v36+s31+$0x0], $0xffff  }
0x177: {  	v42 =	vsel vm14, v19, v18;
	vm1 =	vge.f32 v15, v6;
	vm4 =	vge.f32 v22, v6;
	v47 =	vld.idx.msk [tilespmem:v33+s31+$0x0], $0xffff  }
0x178: {  	v18 =	vmovc v46;
	v26 =	vmovc v52;
	v44 =	vsel vm2, v25, v44;
	v25 =	vor.u32 $0x1, v27;
	v33 =	vsel vm3, $0x2, v4;
	v51 =	vld.idx.msk [tilespmem:v55+s30+$0x0], $0xffff  }
0x179: {  	v19 =	vmovc v53;
	v38 =	vsel vm5, $0x2, v4;
	vm2 =	vge.f32 v31, v34;
	v23 =	vmovc v40;
	v36 =	vor.u32 $0x1, v16;
	v31 =	vld.idx.msk [tilespmem:v35+s31+$0x0], $0xffff  }
0x17a: {  	v34 =	vsel vm1, v39, v33;
	v33 =	vsel vm4, v21, v38;
	v21 =	vsel vm2, v41, v50;
	v38 =	vld.idx.msk [tilespmem:v53+s30+$0x0], $0xffff  }
0x17b: {  	vm1 =	vge.f32 v30, v5;
	vm14 =	vge.f32 v30, v6;
	vm2 =	vge.f32 v30, v7;
	v52 =	vld.idx.msk [tilespmem:v29+s31+$0x0], $0xffff  }
0x17c: {  	vm15 =	vge.f32 v56, v6;
	vm3 =	vge.f32 v20, v5;
	vm4 =	vge.f32 v20, v7;
	v41 =	vld.idx.msk [tilespmem:v42+s31+$0x0], $0xffff  }
.Ltmp1:
0x17d: {  	vm12 =	vge.f32 v20, v6;
	v48 =	vsel vm1, $0x2, v4;
	v29 =	vmovc v54;
	v42 =	vsel vm4, $0x6, v3;
	v40 =	vld.idx.msk [tilespmem:v44+s31+$0x0], $0xffff;
	[tilespmem:s28+$0x30] =	vst v43;
	(pc) =	sbr.rel @p0 .LBB2_4-.Ltmp1, $4  }
0x17e: {  	vm13 =	vge.f32 v57, v6;
	vm4 =	vge.f32 v56, v7;
	v44 =	vsel vm3, $0x2, v4;
	v45 =	vld.idx.msk [tilespmem:v28+s30+$0x0], $0xffff;
	[tilespmem:s28+$0x10] =	vst v47  }
0x17f: {  	vm1 =	vge.f32 v11, v5;
	vm3 =	vge.f32 v11, v7;
	vm5 =	vge.f32 v49, v51;
	v35 =	vld [tilespmem:s6+$0x0];
	[tilespmem:s28+$0xFFFFFFC0] =	vst v31  }
0x180: {  	vm6 =	vge.f32 v56, v5;
	v46 =	vsel vm3, $0x6, v3;
	v47 =	vsel vm5, v55, v37;
	v31 =	vmovc v56;
	v39 =	vld.idx.msk [tilespmem:v25+s30+$0x0], $0xffff  }
0x181: {  	v50 =	vsel vm6, $0x2, v4;
	v49 =	vsel vm2, $0x6, v3;
	v37 =	vsel vm4, $0x6, v3;
	v43 =	vld.idx.msk [tilespmem:v21+s31+$0x0], $0xffff;
	[tilespmem:s28+$0xFFFFFFF0] =	vst v52;
	v21 =	vmovc v17;
	v17 =	vmovc v57  }
0x182: {  	_ =	sdelay $0x3  }
0x183: {  	v51 =	vld.idx.msk [tilespmem:v36+s30+$0x0], $0xffff;
	v37 =	vsel vm15, v37, v50;
	v56 =	vsel vm1, $0x2, v4;
	v52 =	vor.u32 $0x1, v34  }
0x184: {  	v48 =	vsel vm14, v49, v48;
	vm1 =	vge.f32 v11, v6;
	vm3 =	vge.f32 v17, v7  }
0x185: {  	v42 =	vsel vm12, v42, v44;
	v60 =	vor.u32 $0x1, v33;
	v49 =	vor.u32 $0x1, v37  }
0x186: {  	vm4 =	vge.f32 v12, v45;
	v12 =	vld.idx.msk [tilespmem:v29+s30+$0x0], $0xffff;
	v57 =	vor.u32 $0x1, v48;
	v58 =	vsel vm1, v46, v56  }
0x187: {  	v62 =	vor.u32 $0x1, v42;
	vm1 =	vge.f32 v8, v32;
	vm5 =	vge.f32 v35, v6  }
0x188: {  	v13 =	vsel vm1, v26, v13;
	v55 =	vor.u32 $0x1, v58;
	vm2 =	vge.f32 v10, v51;
	v8 =	vld.idx.msk [tilespmem:v52+s30+$0x0], $0xffff  }
0x189: {  	v10 =	vsel vm2, v36, v16;
	v16 =	vsel vm4, v28, v24;
	vm4 =	vge.f32 v17, v5;
	v28 =	vld.idx.msk [tilespmem:v47+s31+$0x0], $0xffff  }
0x18a: {  	vm2 =	vge.f32 v35, v5;
	v24 =	vsel vm3, $0x6, v3;
	v59 =	vld.idx.msk [tilespmem:v49+s30+$0x0], $0xffff;
	v61 =	vsel vm4, $0x2, v4  }
0x18b: {  	vm3 =	vge.f32 v35, v7;
	v56 =	vld.idx.msk [tilespmem:v57+s30+$0x0], $0xffff;
	vm1 =	vge.f32 v21, v12;
	v24 =	vsel vm13, v24, v61  }
0x18c: {  	v21 =	vld.idx.msk [tilespmem:v60+s30+$0x0], $0xffff;
	v63 =	vsel vm3, $0x6, v3;
	v54 =	vsel vm2, $0x2, v4;
	v26 =	vor.u32 $0x1, v24  }
0x18d: {  	vm2 =	vge.f32 v9, v38;
	v9 =	vsel vm1, v29, v23;
	v23 =	vld.idx.msk [tilespmem:v62+s30+$0x0], $0xffff;
	v32 =	vsel vm5, v63, v54  }
0x18e: {  	vm1 =	vge.f32 v14, v39;
	v13 =	vld.idx.msk [tilespmem:v13+s31+$0x0], $0xffff;
	v12 =	vor.u32 $0x1, v32  }
0x18f: {  	v14 =	vsel vm2, v19, v18;
	v18 =	vsel vm1, v25, v27;
	v27 =	vld.idx.msk [tilespmem:v55+s30+$0x0], $0xffff  }
0x190: {  	v10 =	vld.idx.msk [tilespmem:v10+s31+$0x0], $0xffff  }
0x191: {  	vm1 =	vge.f32 v31, v59;
	v19 =	vld.idx.msk [tilespmem:v26+s30+$0x0], $0xffff  }
0x192: {  	[tilespmem:s28+$0xFFFFFFE0] =	vst v41;
	v16 =	vld.idx.msk [tilespmem:v16+s31+$0x0], $0xffff;
	v25 =	vsel vm1, v49, v37;
	vm1 =	vge.f32 v30, v56  }
0x193: {  	[tilespmem:s28+$0x0] =	vst v40;
	vm2 =	vge.f32 v20, v23;
	v30 =	vsel vm1, v57, v48;
	v29 =	vld.idx.msk [tilespmem:v12+s30+$0x0], $0xffff  }
0x194: {  	[tilespmem:s8+$0xFFFFFFD0] =	vst v43;
	vm1 =	vge.f32 v22, v21;
	v14 =	vld.idx.msk [tilespmem:v14+s31+$0x0], $0xffff;
	v21 =	vsel vm2, v62, v42  }
0x195: {  	[tilespmem:s8+$0x20] =	vst v28;
	v9 =	vld.idx.msk [tilespmem:v9+s31+$0x0], $0xffff;
	v20 =	vsel vm1, v60, v33;
	vm1 =	vge.f32 v15, v8  }
0x196: {  	v8 =	vld.idx.msk [tilespmem:v18+s31+$0x0], $0xffff;
	[tilespmem:s8+$0x30] =	vst v10;
	v10 =	vsel vm1, v52, v34;
	vm1 =	vge.f32 v17, v19  }
0x197: {  	[tilespmem:s8+$0xFFFFFFC0] =	vst v13;
	vm2 =	vge.f32 v11, v27;
	v15 =	vld.idx.msk [tilespmem:v25+s31+$0x0], $0xffff;
	v11 =	vsel vm1, v26, v24  }
0x198: {  	[tilespmem:s8+$0x10] =	vst v16;
	v16 =	vsel vm2, v55, v58;
	v13 =	vld.idx.msk [tilespmem:v30+s31+$0x0], $0xffff;
	vm1 =	vge.f32 v35, v29  }
0x199: {  	[tilespmem:s8+$0xFFFFFFE0] =	vst v14;
	v14 =	vld.idx.msk [tilespmem:v21+s31+$0x0], $0xffff;
	v12 =	vsel vm1, v12, v32  }
0x19a: {  	[tilespmem:s8+$0xFFFFFFF0] =	vst v9;
	v9 =	vld.idx.msk [tilespmem:v20+s31+$0x0], $0xffff  }
0x19b: {  	s6 =	sadd.s32 $0x80, s7;
	[tilespmem:s8+$0x0] =	vst v8;
	v8 =	vld.idx.msk [tilespmem:v10+s31+$0x0], $0xffff  }
0x19c: {  	[tilespmem:s6+$0xFFFFFFD0] =	vst v15;
	v10 =	vld.idx.msk [tilespmem:v11+s31+$0x0], $0xffff  }
0x19d: {  	[tilespmem:s6+$0x20] =	vst v13;
	v11 =	vld.idx.msk [tilespmem:v16+s31+$0x0], $0xffff  }
0x19e: {  	[tilespmem:s6+$0x10] =	vst v14;
	v12 =	vld.idx.msk [tilespmem:v12+s31+$0x0], $0xffff  }
0x19f: {  	[tilespmem:s6+$0x30] =	vst v9  }
0x1a0: {  	[tilespmem:s6+$0xFFFFFFC0] =	vst v8  }
0x1a1: {  	[tilespmem:s6+$0xFFFFFFF0] =	vst v10  }
0x1a2: {  	[tilespmem:s6+$0xFFFFFFE0] =	vst v11  }
0x1a3: {  	[tilespmem:s6+$0x0] =	vst v12  }
0x1a4: {  	s6 =	rddreg [dreg:$0xa]  }
0x1a5: {  	[hbm4b:s6+s5] =	stream.linear.scatter [tilespmem:s1], [sflag:$0x4], $0x4000, $0x38;
	[tilespmem:$0x10280] =	vst v63  }
0x1a6: {  	s16 =	rddreg [dreg:$0xb]  }
0x1a7: {  	[tilespmem:s24], [sflag:$0x2] =	stream.linear.gather [hbm4b:s16+s5], $0x4000, $0x38;
	[tilespmem:$0x10280] =	vst v63  }
0x1a8: {  	_ =	swait.ge [sflag:s29], $0x4000  }
0x1a9: {  	[sflag:s29] =	ssyncset.done $0x0  }
0x1aa: {  	[sflag:s29] =	ssyncadd.s32 $0xFFFFC000  }
0x1ab: {  	_ =	swait.ge [sflag:s2], $0x4000  }
0x1ac: {  	[sflag:s2] =	ssyncset.done $0x0  }
0x1ad: {  	s17 =	simm.s32 $0x2C0;
	[sflag:s2] =	ssyncadd.s32 $0xFFFFC000  }
0x1ae: {  	v25 =	vld [tilespmem:s17+$0xFFFFFFC0]  }
0x1af: {  	v17 =	vld [tilespmem:s17+$0x30]  }
0x1b0: {  	v13 =	vld [tilespmem:s17+$0xFFFFFFD0]  }
0x1b1: {  	v15 =	vld [tilespmem:s17+$0x10]  }
0x1b2: {  	s18 =	simm.s32 $0x340;
	v18 =	vld [tilespmem:s17+$0xFFFFFFE0]  }
0x1b3: {  	v42 =	vld [tilespmem:s18+$0xFFFFFFD0];
	_ =	sdelay $0x1  }
0x1b4: {  	v11 =	vld [tilespmem:s17+$0x20];
	vm1 =	vge.f32 v25, v7  }
0x1b5: {  	vm2 =	vge.f32 v25, v5;
	vm3 =	vge.f32 v17, v5;
	vm4 =	vge.f32 v17, v6  }
0x1b6: {  	v30 =	vld [tilespmem:s17+$0x0];
	vm5 =	vge.f32 v15, v5;
	vm6 =	vge.f32 v15, v7;
	vm12 =	vge.f32 v15, v6  }
0x1b7: {  	vm13 =	vge.f32 v18, v5;
	vm14 =	vge.f32 v13, v5;
	vm15 =	vge.f32 v42, v5  }
0x1b8: {  	v33 =	vld [tilespmem:s17+$0xFFFFFFF0];
	v8 =	vsel vm1, $0x6, v3;
	vm1 =	vge.f32 v17, v7;
	v10 =	vsel vm2, $0x2, v4  }
0x1b9: {  	v12 =	vsel vm3, $0x2, v4;
	vm2 =	vge.f32 v11, v6;
	vm3 =	vge.f32 v11, v7  }
0x1ba: {  	v16 =	vsel vm14, $0x2, v4;
	v9 =	vsel vm1, $0x6, v3;
	vm1 =	vge.f32 v25, v6  }
0x1bb: {  	v19 =	vsel vm3, $0x6, v3;
	vm3 =	vge.f32 v30, v5;
	v32 =	vsel vm1, v8, v10  }
0x1bc: {  	v27 =	vsel vm4, v9, v12;
	vm1 =	vge.f32 v11, v5;
	vm4 =	vge.f32 v13, v6  }
0x1bd: {  	v9 =	vsel vm6, $0x6, v3;
	vm6 =	vge.f32 v33, v6;
	v12 =	vsel vm5, $0x2, v4  }
0x1be: {  	vm5 =	vge.f32 v18, v7;
	v8 =	vsel vm1, $0x2, v4;
	vm1 =	vge.f32 v13, v7  }
0x1bf: {  	v10 =	vsel vm5, $0x6, v3;
	vm5 =	vge.f32 v33, v5;
	v28 =	vsel vm12, v9, v12  }
0x1c0: {  	v35 =	vor.u32 $0x1, v32;
	v31 =	vor.u32 $0x1, v27;
	v14 =	vsel vm1, $0x6, v3  }
0x1c1: {  	v19 =	vsel vm2, v19, v8;
	vm1 =	vge.f32 v18, v6;
	vm2 =	vge.f32 v33, v7  }
0x1c2: {  	v12 =	vld [tilespmem:s18+$0x10];
	v14 =	vsel vm4, v14, v16;
	v16 =	vsel vm13, $0x2, v4;
	v22 =	vor.u32 $0x1, v19  }
0x1c3: {  	v8 =	vld [tilespmem:s18+$0xFFFFFFC0];
	vm4 =	vge.f32 v30, v6;
	v21 =	vsel vm2, $0x6, v3;
	v20 =	vor.u32 $0x1, v14  }
0x1c4: {  	v37 =	vld [tilespmem:s18+$0x20];
	v34 =	vsel vm1, v10, v16;
	v16 =	vsel vm5, $0x2, v4;
	vm1 =	vge.f32 v30, v7  }
0x1c5: {  	v10 =	vld [tilespmem:s18+$0x30];
	v36 =	vsel vm6, v21, v16;
	v9 =	vsel vm1, $0x6, v3;
	v21 =	vsel vm3, $0x2, v4  }
0x1c6: {  	v40 =	vor.u32 $0x1, v28;
	vm5 =	vge.f32 v42, v6;
	v41 =	vsel vm4, v9, v21;
	v21 =	vld [tilespmem:s18+$0xFFFFFFF0]  }
0x1c7: {  	v38 =	vor.u32 $0x1, v34;
	v39 =	vor.u32 $0x1, v36;
	vm6 =	vge.f32 v12, v5;
	v57 =	vld.idx.msk [tilespmem:v22+s30+$0x0], $0xffff  }
0x1c8: {  	vm12 =	vge.f32 v12, v7;
	vm1 =	vge.f32 v8, v7;
	vm2 =	vge.f32 v8, v5;
	v16 =	vld.idx.msk [tilespmem:v20+s30+$0x0], $0xffff  }
0x1c9: {  	v43 =	vor.u32 $0x1, v41;
	v23 =	vsel vm1, $0x6, v3;
	v26 =	vsel vm2, $0x2, v4  }
0x1ca: {  	v9 =	vld [tilespmem:s18+$0xFFFFFFE0];
	vm1 =	vge.f32 v10, v7;
	vm3 =	vge.f32 v10, v5;
	vm4 =	vge.f32 v10, v6  }
0x1cb: {  	v24 =	vsel vm1, $0x6, v3;
	vm1 =	vge.f32 v8, v6;
	v29 =	vsel vm3, $0x2, v4  }
0x1cc: {  	vm3 =	vge.f32 v37, v6;
	vm13 =	vge.f32 v21, v6;
	vm14 =	vge.f32 v11, v57  }
0x1cd: {  	v58 =	vld.idx.msk [tilespmem:v35+s30+$0x0], $0xffff;
	vm2 =	vge.f32 v13, v16;
	v13 =	vsel vm1, v23, v26;
	v16 =	vsel vm4, v24, v29  }
0x1ce: {  	v56 =	vld.idx.msk [tilespmem:v31+s30+$0x0], $0xffff;
	vm4 =	vge.f32 v37, v7;
	vm1 =	vge.f32 v12, v6;
	v24 =	vsel vm12, $0x6, v3  }
0x1cf: {  	v59 =	vld.idx.msk [tilespmem:v40+s30+$0x0], $0xffff;
	v29 =	vsel vm6, $0x2, v4;
	vm6 =	vge.f32 v9, v5;
	vm12 =	vge.f32 v9, v7  }
0x1d0: {  	v23 =	vld.idx.msk [tilespmem:v38+s30+$0x0], $0xffff;
	v19 =	vsel vm14, v22, v19;
	v22 =	vsel vm15, $0x2, v4;
	v20 =	vsel vm2, v20, v14  }
0x1d1: {  	v53 =	vld.idx.msk [tilespmem:v39+s30+$0x0], $0xffff;
	vm2 =	vge.f32 v37, v5;
	v60 =	vsel vm12, $0x6, v3;
	v62 =	vsel vm4, $0x6, v3  }
0x1d2: {  	v14 =	vld [tilespmem:s18+$0x0];
	v24 =	vsel vm1, v24, v29;
	v26 =	vsel vm2, $0x2, v4;
	vm2 =	vge.f32 v42, v7  }
0x1d3: {  	s6 =	simm.s32 $0x3C0;
	v61 =	vld.idx.msk [tilespmem:v43+s30+$0x0], $0xffff;
	v11 =	vsel vm2, $0x6, v3;
	v51 =	vsel vm3, v62, v26;
	vm2 =	vge.f32 v9, v6  }
0x1d4: {  	vm3 =	vge.f32 v21, v7;
	v26 =	vor.u32 $0x1, v13;
	v50 =	vsel vm5, v11, v22;
	v11 =	vld [tilespmem:s6+$0xFFFFFFE0]  }
0x1d5: {  	v22 =	vld [tilespmem:s6+$0x30];
	v54 =	vor.u32 $0x1, v51;
	v52 =	vor.u32 $0x1, v50;
	vm12 =	vge.f32 v18, v23  }
0x1d6: {  	v23 =	vsel vm3, $0x6, v3;
	vm3 =	vge.f32 v15, v59;
	v63 =	vld.idx.msk [tilespmem:v20+s31+$0x0], $0xffff;
	v20 =	vsel vm6, $0x2, v4  }
0x1d7: {  	v46 =	vld.idx.msk [tilespmem:v19+s31+$0x0], $0xffff;
	vm4 =	vge.f32 v14, v5;
	vm5 =	vge.f32 v14, v6;
	vm6 =	vge.f32 v21, v5  }
0x1d8: {  	v15 =	vld [tilespmem:s6+$0xFFFFFFC0];
	vm1 =	vge.f32 v14, v7;
	v18 =	vsel vm2, v60, v20;
	v20 =	vsel vm6, $0x2, v4  }
0x1d9: {  	v40 =	vsel vm3, v40, v28;
	vm2 =	vge.f32 v17, v56;
	v23 =	vsel vm13, v23, v20;
	v20 =	vld [tilespmem:s6+$0x10]  }
0x1da: {  	v28 =	vor.u32 $0x1, v24;
	v17 =	vsel vm1, $0x6, v3;
	v48 =	vsel vm2, v31, v27;
	v31 =	vld [tilespmem:s6+$0xFFFFFFD0]  }
0x1db: {  	vm1 =	vge.f32 v25, v58;
	v19 =	vor.u32 $0x1, v18;
	vm2 =	vge.f32 v30, v61;
	v30 =	vld [tilespmem:s6+$0x20]  }
0x1dc: {  	v27 =	vsel vm4, $0x2, v4;
	v35 =	vsel vm1, v35, v32;
	v32 =	vld.idx.msk [tilespmem:v26+s30+$0x0], $0xffff;
	v29 =	vor.u32 $0x1, v23  }
0x1dd: {  	v27 =	vsel vm5, v17, v27;
	v17 =	vld [tilespmem:s6+$0xFFFFFFF0];
	vm1 =	vge.f32 v22, v7;
	vm5 =	vge.f32 v22, v5  }
0x1de: {  	v55 =	vld.idx.msk [tilespmem:v54+s30+$0x0], $0xffff;
	v61 =	vsel vm2, v43, v41;
	vm3 =	vge.f32 v15, v5;
	vm4 =	vge.f32 v15, v7  }
0x1df: {  	v57 =	vld.idx.msk [tilespmem:v52+s30+$0x0], $0xffff;
	v59 =	vsel vm1, $0x6, v3;
	v58 =	vsel vm4, $0x6, v3;
	vm4 =	vge.f32 v33, v53  }
0x1e0: {  	vm1 =	vge.f32 v15, v6;
	v25 =	vor.u32 $0x1, v27;
	v53 =	vld.idx.msk [tilespmem:v40+s31+$0x0], $0xffff;
	v39 =	vsel vm4, v39, v36  }
0x1e1: {  	s28 =	simm.s32 $0x82C0;
	v62 =	vsel vm5, $0x2, v4;
	v60 =	vsel vm3, $0x2, v4;
	v47 =	vld.idx.msk [tilespmem:v48+s31+$0x0], $0xffff;
	v48 =	vsel vm12, v38, v34  }
0x1e2: {  	[tilespmem:s28+$0xFFFFFFD0] =	vst v63;
	v45 =	vld.idx.msk [tilespmem:v28+s30+$0x0], $0xffff;
	vm4 =	vge.f32 v22, v6;
	v36 =	vor.u32 $0x1, v16;
	v34 =	vsel vm1, v58, v60  }
0x1e3: {  	v63 =	vld.idx.msk [tilespmem:v35+s31+$0x0], $0xffff;
	v33 =	vsel vm4, v59, v62;
	vm1 =	vge.f32 v30, v5;
	vm14 =	vge.f32 v30, v6  }
0x1e4: {  	v38 =	vld.idx.msk [tilespmem:v19+s30+$0x0], $0xffff;
	vm15 =	vge.f32 v31, v6;
	vm3 =	vge.f32 v20, v5;
	vm2 =	vge.f32 v42, v57  }
0x1e5: {  	vm4 =	vge.f32 v20, v7;
	vm12 =	vge.f32 v20, v6;
	v52 =	vsel vm2, v52, v50;
	v56 =	vld.idx.msk [tilespmem:v39+s31+$0x0], $0xffff  }
0x1e6: {  	[tilespmem:s28+$0x20] =	vst v46;
	vm6 =	vge.f32 v31, v5;
	vm13 =	vge.f32 v17, v6;
	v44 =	vsel vm3, $0x2, v4;
	v41 =	vld.idx.msk [tilespmem:v48+s31+$0x0], $0xffff  }
0x1e7: {  	v40 =	vld.idx.msk [tilespmem:v61+s31+$0x0], $0xffff;
	vm3 =	vge.f32 v11, v7;
	vm5 =	vge.f32 v37, v55;
	v42 =	vsel vm4, $0x6, v3;
	[tilespmem:s28+$0x10] =	vst v53  }
0x1e8: {  	v35 =	vld [tilespmem:s6+$0x0];
	vm4 =	vge.f32 v31, v7;
	v46 =	vsel vm3, $0x6, v3;
	vm2 =	vge.f32 v30, v7;
	[tilespmem:s28+$0x30] =	vst v47  }
0x1e9: {  	v37 =	vsel vm4, $0x6, v3;
	v50 =	vsel vm6, $0x2, v4;
	v39 =	vld.idx.msk [tilespmem:v25+s30+$0x0], $0xffff;
	[tilespmem:s28+$0xFFFFFFC0] =	vst v63;
	v47 =	vsel vm5, v54, v51  }
0x1ea: {  	s9 =	simm.s32 $0x100;
	s7 =	simm.s32 $0x8340;
	s8 =	simm.s32 $0x8340;
	v49 =	vsel vm2, $0x6, v3;
	v48 =	vsel vm1, $0x2, v4;
	vm1 =	vge.f32 v11, v5;
	v43 =	vld.idx.msk [tilespmem:v52+s31+$0x0], $0xffff;
	[tilespmem:s28+$0xFFFFFFF0] =	vst v56  }
.LBB2_6:
0x1eb: {  	s9 =	sadd.s32 $0x80, s9;
	v50 =	vsel vm15, v37, v50;
	v51 =	vsel vm1, $0x2, v4;
	v37 =	vsel vm14, v49, v48;
	v48 =	vld.idx.msk [tilespmem:v36+s30+$0x0], $0xffff;
	s7 =	sadd.s32 $0x80, s7;
	[tilespmem:s28+$0xFFFFFFE0] =	vst v41  }
0x1ec: {  	vm3 =	vge.f32 v11, v6;
	s6 =	sadd.s32 $0x80, s6;
	vm14 =	vge.f32 v9, v38;
	p0 =	slt.u32 s9, $0x3F80;
	v41 =	vor.u32 $0x1, v50;
	v38 =	vld.idx.msk [tilespmem:v29+s30+$0x0], $0xffff;
	[tilespmem:s28+$0x0] =	vst v40;
	s28 =	smov.u32 s8  }
0x1ed: {  	vm2 =	vge.f32 v17, v7;
	v9 =	vmovc v11;
	s8 =	smov.u32 s7;
	vm1 =	vge.f32 v35, v5;
	vm15 =	vge.f32 v35, v6;
	v11 =	vld [tilespmem:s6+$0xFFFFFFE0]  }
0x1ee: {  	vm4 =	vge.f32 v17, v5;
	v40 =	vsel vm2, $0x6, v3;
	vm2 =	vge.f32 v12, v45;
	v12 =	vmovc v20;
	v45 =	vld.idx.msk [tilespmem:v47+s31+$0x0], $0xffff  }
0x1ef: {  	v42 =	vsel vm12, v42, v44;
	v44 =	vmovc v27;
	v49 =	vmovc v30;
	v46 =	vsel vm3, v46, v51;
	v20 =	vsel vm4, $0x2, v4;
	v47 =	vld [tilespmem:s6+$0xFFFFFFC0]  }
0x1f0: {  	v52 =	vor.u32 $0x1, v34;
	v53 =	vor.u32 $0x1, v46;
	v40 =	vsel vm13, v40, v20;
	v51 =	vld [tilespmem:s6+$0x30];
	[tilespmem:s28+$0xFFFFFFD0] =	vst v43;
	v43 =	vmovc v13;
	v13 =	vmovc v34  }
0x1f1: {  	vm3 =	vge.f32 v35, v7;
	v54 =	vor.u32 $0x1, v40;
	vm4 =	vge.f32 v10, v48;
	v10 =	vmovc v22;
	v34 =	vld.idx.msk [tilespmem:v41+s30+$0x0], $0xffff  }
0x1f2: {  	v30 =	vmovc v14;
	v55 =	vor.u32 $0x1, v37;
	v22 =	vsel vm3, $0x6, v3;
	v36 =	vsel vm4, v36, v16;
	v16 =	vmovc v33;
	v20 =	vld [tilespmem:s6+$0x10]  }
0x1f3: {  	v14 =	vmovc v35;
	v27 =	vsel vm1, $0x2, v4;
	v33 =	vsel vm2, v28, v24;
	v28 =	vor.u32 $0x1, v42;
	v24 =	vmovc v42;
	v56 =	vld [tilespmem:s6+$0xFFFFFFD0]  }
0x1f4: {  	vm1 =	vge.f32 v8, v32;
	v27 =	vsel vm15, v22, v27;
	vm2 =	vge.f32 v30, v39;
	v57 =	vld [tilespmem:s6+$0xFFFFFFF0];
	[tilespmem:s28+$0x20] =	vst v45  }
0x1f5: {  	v8 =	vmovc v15;
	v35 =	vsel vm1, v26, v43;
	vm3 =	vge.f32 v47, v5;
	vm4 =	vge.f32 v47, v7;
	v30 =	vld [tilespmem:s6+$0x20]  }
0x1f6: {  	v15 =	vmovc v47;
	v39 =	vsel vm4, $0x6, v3;
	vm1 =	vge.f32 v51, v7;
	vm4 =	vge.f32 v21, v38;
	v32 =	vld.idx.msk [tilespmem:v52+s30+$0x0], $0xffff  }
0x1f7: {  	vm5 =	vge.f32 v51, v5;
	v22 =	vmovc v51;
	v21 =	vsel vm1, $0x6, v3;
	v29 =	vsel vm4, v29, v23;
	v43 =	vld.idx.msk [tilespmem:v36+s31+$0x0], $0xffff  }
0x1f8: {  	v42 =	vsel vm14, v19, v18;
	vm1 =	vge.f32 v15, v6;
	vm4 =	vge.f32 v22, v6;
	v47 =	vld.idx.msk [tilespmem:v33+s31+$0x0], $0xffff  }
0x1f9: {  	v18 =	vmovc v46;
	v26 =	vmovc v52;
	v44 =	vsel vm2, v25, v44;
	v25 =	vor.u32 $0x1, v27;
	v33 =	vsel vm3, $0x2, v4;
	v51 =	vld.idx.msk [tilespmem:v55+s30+$0x0], $0xffff  }
0x1fa: {  	v19 =	vmovc v53;
	v38 =	vsel vm5, $0x2, v4;
	vm2 =	vge.f32 v31, v34;
	v23 =	vmovc v40;
	v36 =	vor.u32 $0x1, v16;
	v31 =	vld.idx.msk [tilespmem:v35+s31+$0x0], $0xffff  }
0x1fb: {  	v34 =	vsel vm1, v39, v33;
	v33 =	vsel vm4, v21, v38;
	v21 =	vsel vm2, v41, v50;
	v38 =	vld.idx.msk [tilespmem:v53+s30+$0x0], $0xffff  }
0x1fc: {  	vm1 =	vge.f32 v30, v5;
	vm14 =	vge.f32 v30, v6;
	vm2 =	vge.f32 v30, v7;
	v52 =	vld.idx.msk [tilespmem:v29+s31+$0x0], $0xffff  }
0x1fd: {  	vm15 =	vge.f32 v56, v6;
	vm3 =	vge.f32 v20, v5;
	vm4 =	vge.f32 v20, v7;
	v41 =	vld.idx.msk [tilespmem:v42+s31+$0x0], $0xffff  }
.Ltmp2:
0x1fe: {  	vm12 =	vge.f32 v20, v6;
	v48 =	vsel vm1, $0x2, v4;
	v29 =	vmovc v54;
	v42 =	vsel vm4, $0x6, v3;
	v40 =	vld.idx.msk [tilespmem:v44+s31+$0x0], $0xffff;
	[tilespmem:s28+$0x30] =	vst v43;
	(pc) =	sbr.rel @p0 .LBB2_6-.Ltmp2, $4  }
0x1ff: {  	vm13 =	vge.f32 v57, v6;
	vm4 =	vge.f32 v56, v7;
	v44 =	vsel vm3, $0x2, v4;
	v45 =	vld.idx.msk [tilespmem:v28+s30+$0x0], $0xffff;
	[tilespmem:s28+$0x10] =	vst v47  }
0x200: {  	vm1 =	vge.f32 v11, v5;
	vm3 =	vge.f32 v11, v7;
	vm5 =	vge.f32 v49, v51;
	v35 =	vld [tilespmem:s6+$0x0];
	[tilespmem:s28+$0xFFFFFFC0] =	vst v31  }
0x201: {  	vm6 =	vge.f32 v56, v5;
	v46 =	vsel vm3, $0x6, v3;
	v47 =	vsel vm5, v55, v37;
	v31 =	vmovc v56;
	v39 =	vld.idx.msk [tilespmem:v25+s30+$0x0], $0xffff  }
0x202: {  	v50 =	vsel vm6, $0x2, v4;
	v49 =	vsel vm2, $0x6, v3;
	v37 =	vsel vm4, $0x6, v3;
	v43 =	vld.idx.msk [tilespmem:v21+s31+$0x0], $0xffff;
	[tilespmem:s28+$0xFFFFFFF0] =	vst v52;
	v21 =	vmovc v17;
	v17 =	vmovc v57  }
0x203: {  	_ =	sdelay $0x3  }
0x204: {  	v51 =	vld.idx.msk [tilespmem:v36+s30+$0x0], $0xffff;
	v37 =	vsel vm15, v37, v50;
	v56 =	vsel vm1, $0x2, v4;
	v52 =	vor.u32 $0x1, v34  }
0x205: {  	v48 =	vsel vm14, v49, v48;
	vm1 =	vge.f32 v11, v6;
	vm3 =	vge.f32 v17, v7  }
0x206: {  	v42 =	vsel vm12, v42, v44;
	v60 =	vor.u32 $0x1, v33;
	v49 =	vor.u32 $0x1, v37  }
0x207: {  	vm4 =	vge.f32 v12, v45;
	v12 =	vld.idx.msk [tilespmem:v29+s30+$0x0], $0xffff;
	v57 =	vor.u32 $0x1, v48;
	v58 =	vsel vm1, v46, v56  }
0x208: {  	v62 =	vor.u32 $0x1, v42;
	vm1 =	vge.f32 v8, v32;
	vm5 =	vge.f32 v35, v6  }
0x209: {  	v13 =	vsel vm1, v26, v13;
	v55 =	vor.u32 $0x1, v58;
	vm2 =	vge.f32 v10, v51;
	v8 =	vld.idx.msk [tilespmem:v52+s30+$0x0], $0xffff  }
0x20a: {  	v10 =	vsel vm2, v36, v16;
	v16 =	vsel vm4, v28, v24;
	vm4 =	vge.f32 v17, v5;
	v28 =	vld.idx.msk [tilespmem:v47+s31+$0x0], $0xffff  }
0x20b: {  	vm2 =	vge.f32 v35, v5;
	v24 =	vsel vm3, $0x6, v3;
	v59 =	vld.idx.msk [tilespmem:v49+s30+$0x0], $0xffff;
	v61 =	vsel vm4, $0x2, v4  }
0x20c: {  	vm3 =	vge.f32 v35, v7;
	v56 =	vld.idx.msk [tilespmem:v57+s30+$0x0], $0xffff;
	vm1 =	vge.f32 v21, v12;
	v24 =	vsel vm13, v24, v61  }
0x20d: {  	v21 =	vld.idx.msk [tilespmem:v60+s30+$0x0], $0xffff;
	v63 =	vsel vm3, $0x6, v3;
	v54 =	vsel vm2, $0x2, v4;
	v26 =	vor.u32 $0x1, v24  }
0x20e: {  	vm2 =	vge.f32 v9, v38;
	v9 =	vsel vm1, v29, v23;
	v23 =	vld.idx.msk [tilespmem:v62+s30+$0x0], $0xffff;
	v32 =	vsel vm5, v63, v54  }
0x20f: {  	vm1 =	vge.f32 v14, v39;
	v13 =	vld.idx.msk [tilespmem:v13+s31+$0x0], $0xffff;
	v12 =	vor.u32 $0x1, v32  }
0x210: {  	v14 =	vsel vm2, v19, v18;
	v18 =	vsel vm1, v25, v27;
	v27 =	vld.idx.msk [tilespmem:v55+s30+$0x0], $0xffff  }
0x211: {  	v10 =	vld.idx.msk [tilespmem:v10+s31+$0x0], $0xffff  }
0x212: {  	vm1 =	vge.f32 v31, v59;
	v19 =	vld.idx.msk [tilespmem:v26+s30+$0x0], $0xffff  }
0x213: {  	[tilespmem:s28+$0xFFFFFFE0] =	vst v41;
	v16 =	vld.idx.msk [tilespmem:v16+s31+$0x0], $0xffff;
	v25 =	vsel vm1, v49, v37;
	vm1 =	vge.f32 v30, v56  }
0x214: {  	[tilespmem:s28+$0x0] =	vst v40;
	vm2 =	vge.f32 v20, v23;
	v30 =	vsel vm1, v57, v48;
	v29 =	vld.idx.msk [tilespmem:v12+s30+$0x0], $0xffff  }
0x215: {  	[tilespmem:s8+$0xFFFFFFD0] =	vst v43;
	vm1 =	vge.f32 v22, v21;
	v14 =	vld.idx.msk [tilespmem:v14+s31+$0x0], $0xffff;
	v21 =	vsel vm2, v62, v42  }
0x216: {  	[tilespmem:s8+$0x20] =	vst v28;
	v9 =	vld.idx.msk [tilespmem:v9+s31+$0x0], $0xffff;
	v20 =	vsel vm1, v60, v33;
	vm1 =	vge.f32 v15, v8  }
0x217: {  	v8 =	vld.idx.msk [tilespmem:v18+s31+$0x0], $0xffff;
	[tilespmem:s8+$0x30] =	vst v10;
	v10 =	vsel vm1, v52, v34;
	vm1 =	vge.f32 v17, v19  }
0x218: {  	[tilespmem:s8+$0xFFFFFFC0] =	vst v13;
	vm2 =	vge.f32 v11, v27;
	v15 =	vld.idx.msk [tilespmem:v25+s31+$0x0], $0xffff;
	v11 =	vsel vm1, v26, v24  }
0x219: {  	[tilespmem:s8+$0x10] =	vst v16;
	v16 =	vsel vm2, v55, v58;
	v13 =	vld.idx.msk [tilespmem:v30+s31+$0x0], $0xffff;
	vm1 =	vge.f32 v35, v29  }
0x21a: {  	[tilespmem:s8+$0xFFFFFFE0] =	vst v14;
	v14 =	vld.idx.msk [tilespmem:v21+s31+$0x0], $0xffff;
	v12 =	vsel vm1, v12, v32  }
0x21b: {  	[tilespmem:s8+$0xFFFFFFF0] =	vst v9;
	v9 =	vld.idx.msk [tilespmem:v20+s31+$0x0], $0xffff  }
0x21c: {  	s6 =	sadd.s32 $0x80, s7;
	[tilespmem:s8+$0x0] =	vst v8;
	v8 =	vld.idx.msk [tilespmem:v10+s31+$0x0], $0xffff  }
0x21d: {  	[tilespmem:s6+$0xFFFFFFD0] =	vst v15;
	v10 =	vld.idx.msk [tilespmem:v11+s31+$0x0], $0xffff  }
0x21e: {  	[tilespmem:s6+$0x20] =	vst v13;
	v11 =	vld.idx.msk [tilespmem:v16+s31+$0x0], $0xffff  }
0x21f: {  	[tilespmem:s6+$0x10] =	vst v14;
	v12 =	vld.idx.msk [tilespmem:v12+s31+$0x0], $0xffff  }
0x220: {  	[tilespmem:s6+$0x30] =	vst v9  }
0x221: {  	[tilespmem:s6+$0xFFFFFFC0] =	vst v8  }
0x222: {  	[tilespmem:s6+$0xFFFFFFF0] =	vst v10  }
0x223: {  	[tilespmem:s6+$0xFFFFFFE0] =	vst v11  }
0x224: {  	[tilespmem:s6+$0x0] =	vst v12  }
0x225: {  	s6 =	rddreg [dreg:$0xc]  }
0x226: {  	[hbm4b:s6+s5] =	stream.linear.scatter [tilespmem:s0], [sflag:$0x3], $0x4000, $0x38;
	[tilespmem:$0x10280] =	vst v63  }
0x227: {  	s16 =	rddreg [dreg:$0xd]  }
0x228: {  	[tilespmem:s23], [sflag:$0x1] =	stream.linear.gather [hbm4b:s16+s5], $0x4000, $0x38;
	[tilespmem:$0x10280] =	vst v63  }
0x229: {  	_ =	swait.ge [sflag:s4], $0x4000  }
0x22a: {  	[sflag:s4] =	ssyncset.done $0x0  }
0x22b: {  	[sflag:s4] =	ssyncadd.s32 $0xFFFFC000  }
0x22c: {  	_ =	swait.ge [sflag:s3], $0x4000  }
0x22d: {  	[sflag:s3] =	ssyncset.done $0x0  }
0x22e: {  	s17 =	simm.s32 $0x42C0;
	[sflag:s3] =	ssyncadd.s32 $0xFFFFC000  }
0x22f: {  	v25 =	vld [tilespmem:s17+$0xFFFFFFC0]  }
0x230: {  	v17 =	vld [tilespmem:s17+$0x30]  }
0x231: {  	v13 =	vld [tilespmem:s17+$0xFFFFFFD0]  }
0x232: {  	v15 =	vld [tilespmem:s17+$0x10]  }
0x233: {  	s18 =	simm.s32 $0x4340;
	v18 =	vld [tilespmem:s17+$0xFFFFFFE0]  }
0x234: {  	v42 =	vld [tilespmem:s18+$0xFFFFFFD0];
	_ =	sdelay $0x1  }
0x235: {  	v11 =	vld [tilespmem:s17+$0x20];
	vm1 =	vge.f32 v25, v7  }
0x236: {  	vm2 =	vge.f32 v25, v5;
	vm3 =	vge.f32 v17, v5;
	vm4 =	vge.f32 v17, v6  }
0x237: {  	v30 =	vld [tilespmem:s17+$0x0];
	vm5 =	vge.f32 v15, v5;
	vm6 =	vge.f32 v15, v7;
	vm12 =	vge.f32 v15, v6  }
0x238: {  	vm13 =	vge.f32 v18, v5;
	vm14 =	vge.f32 v13, v5;
	vm15 =	vge.f32 v42, v5  }
0x239: {  	v33 =	vld [tilespmem:s17+$0xFFFFFFF0];
	v8 =	vsel vm1, $0x6, v3;
	vm1 =	vge.f32 v17, v7;
	v10 =	vsel vm2, $0x2, v4  }
0x23a: {  	v12 =	vsel vm3, $0x2, v4;
	vm2 =	vge.f32 v11, v6;
	vm3 =	vge.f32 v11, v7  }
0x23b: {  	v16 =	vsel vm14, $0x2, v4;
	v9 =	vsel vm1, $0x6, v3;
	vm1 =	vge.f32 v25, v6  }
0x23c: {  	v19 =	vsel vm3, $0x6, v3;
	vm3 =	vge.f32 v30, v5;
	v32 =	vsel vm1, v8, v10  }
0x23d: {  	v27 =	vsel vm4, v9, v12;
	vm1 =	vge.f32 v11, v5;
	vm4 =	vge.f32 v13, v6  }
0x23e: {  	v9 =	vsel vm6, $0x6, v3;
	vm6 =	vge.f32 v33, v6;
	v12 =	vsel vm5, $0x2, v4  }
0x23f: {  	vm5 =	vge.f32 v18, v7;
	v8 =	vsel vm1, $0x2, v4;
	vm1 =	vge.f32 v13, v7  }
0x240: {  	v10 =	vsel vm5, $0x6, v3;
	vm5 =	vge.f32 v33, v5;
	v28 =	vsel vm12, v9, v12  }
0x241: {  	v35 =	vor.u32 $0x1, v32;
	v31 =	vor.u32 $0x1, v27;
	v14 =	vsel vm1, $0x6, v3  }
0x242: {  	v19 =	vsel vm2, v19, v8;
	vm1 =	vge.f32 v18, v6;
	vm2 =	vge.f32 v33, v7  }
0x243: {  	v12 =	vld [tilespmem:s18+$0x10];
	v14 =	vsel vm4, v14, v16;
	v16 =	vsel vm13, $0x2, v4;
	v22 =	vor.u32 $0x1, v19  }
0x244: {  	v8 =	vld [tilespmem:s18+$0xFFFFFFC0];
	vm4 =	vge.f32 v30, v6;
	v21 =	vsel vm2, $0x6, v3;
	v20 =	vor.u32 $0x1, v14  }
0x245: {  	v37 =	vld [tilespmem:s18+$0x20];
	v34 =	vsel vm1, v10, v16;
	v16 =	vsel vm5, $0x2, v4;
	vm1 =	vge.f32 v30, v7  }
0x246: {  	v10 =	vld [tilespmem:s18+$0x30];
	v36 =	vsel vm6, v21, v16;
	v9 =	vsel vm1, $0x6, v3;
	v21 =	vsel vm3, $0x2, v4  }
0x247: {  	v40 =	vor.u32 $0x1, v28;
	vm5 =	vge.f32 v42, v6;
	v41 =	vsel vm4, v9, v21;
	v21 =	vld [tilespmem:s18+$0xFFFFFFF0]  }
0x248: {  	v38 =	vor.u32 $0x1, v34;
	v39 =	vor.u32 $0x1, v36;
	vm6 =	vge.f32 v12, v5;
	v57 =	vld.idx.msk [tilespmem:v22+s30+$0x0], $0xffff  }
0x249: {  	vm12 =	vge.f32 v12, v7;
	vm1 =	vge.f32 v8, v7;
	vm2 =	vge.f32 v8, v5;
	v16 =	vld.idx.msk [tilespmem:v20+s30+$0x0], $0xffff  }
0x24a: {  	v43 =	vor.u32 $0x1, v41;
	v23 =	vsel vm1, $0x6, v3;
	v26 =	vsel vm2, $0x2, v4  }
0x24b: {  	v9 =	vld [tilespmem:s18+$0xFFFFFFE0];
	vm1 =	vge.f32 v10, v7;
	vm3 =	vge.f32 v10, v5;
	vm4 =	vge.f32 v10, v6  }
0x24c: {  	v24 =	vsel vm1, $0x6, v3;
	vm1 =	vge.f32 v8, v6;
	v29 =	vsel vm3, $0x2, v4  }
0x24d: {  	vm3 =	vge.f32 v37, v6;
	vm13 =	vge.f32 v21, v6;
	vm14 =	vge.f32 v11, v57  }
0x24e: {  	v58 =	vld.idx.msk [tilespmem:v35+s30+$0x0], $0xffff;
	vm2 =	vge.f32 v13, v16;
	v13 =	vsel vm1, v23, v26;
	v16 =	vsel vm4, v24, v29  }
0x24f: {  	v56 =	vld.idx.msk [tilespmem:v31+s30+$0x0], $0xffff;
	vm4 =	vge.f32 v37, v7;
	vm1 =	vge.f32 v12, v6;
	v24 =	vsel vm12, $0x6, v3  }
0x250: {  	v59 =	vld.idx.msk [tilespmem:v40+s30+$0x0], $0xffff;
	v29 =	vsel vm6, $0x2, v4;
	vm6 =	vge.f32 v9, v5;
	vm12 =	vge.f32 v9, v7  }
0x251: {  	v23 =	vld.idx.msk [tilespmem:v38+s30+$0x0], $0xffff;
	v19 =	vsel vm14, v22, v19;
	v22 =	vsel vm15, $0x2, v4;
	v20 =	vsel vm2, v20, v14  }
0x252: {  	v53 =	vld.idx.msk [tilespmem:v39+s30+$0x0], $0xffff;
	vm2 =	vge.f32 v37, v5;
	v60 =	vsel vm12, $0x6, v3;
	v62 =	vsel vm4, $0x6, v3  }
0x253: {  	v14 =	vld [tilespmem:s18+$0x0];
	v24 =	vsel vm1, v24, v29;
	v26 =	vsel vm2, $0x2, v4;
	vm2 =	vge.f32 v42, v7  }
0x254: {  	s6 =	simm.s32 $0x43C0;
	v61 =	vld.idx.msk [tilespmem:v43+s30+$0x0], $0xffff;
	v11 =	vsel vm2, $0x6, v3;
	v51 =	vsel vm3, v62, v26;
	vm2 =	vge.f32 v9, v6  }
0x255: {  	vm3 =	vge.f32 v21, v7;
	v26 =	vor.u32 $0x1, v13;
	v50 =	vsel vm5, v11, v22;
	v11 =	vld [tilespmem:s6+$0xFFFFFFE0]  }
0x256: {  	v22 =	vld [tilespmem:s6+$0x30];
	v54 =	vor.u32 $0x1, v51;
	v52 =	vor.u32 $0x1, v50;
	vm12 =	vge.f32 v18, v23  }
0x257: {  	v23 =	vsel vm3, $0x6, v3;
	vm3 =	vge.f32 v15, v59;
	v63 =	vld.idx.msk [tilespmem:v20+s31+$0x0], $0xffff;
	v20 =	vsel vm6, $0x2, v4  }
0x258: {  	v46 =	vld.idx.msk [tilespmem:v19+s31+$0x0], $0xffff;
	vm4 =	vge.f32 v14, v5;
	vm5 =	vge.f32 v14, v6;
	vm6 =	vge.f32 v21, v5  }
0x259: {  	v15 =	vld [tilespmem:s6+$0xFFFFFFC0];
	vm1 =	vge.f32 v14, v7;
	v18 =	vsel vm2, v60, v20;
	v20 =	vsel vm6, $0x2, v4  }
0x25a: {  	v40 =	vsel vm3, v40, v28;
	vm2 =	vge.f32 v17, v56;
	v23 =	vsel vm13, v23, v20;
	v20 =	vld [tilespmem:s6+$0x10]  }
0x25b: {  	v28 =	vor.u32 $0x1, v24;
	v17 =	vsel vm1, $0x6, v3;
	v48 =	vsel vm2, v31, v27;
	v31 =	vld [tilespmem:s6+$0xFFFFFFD0]  }
0x25c: {  	vm1 =	vge.f32 v25, v58;
	v19 =	vor.u32 $0x1, v18;
	vm2 =	vge.f32 v30, v61;
	v30 =	vld [tilespmem:s6+$0x20]  }
0x25d: {  	v27 =	vsel vm4, $0x2, v4;
	v35 =	vsel vm1, v35, v32;
	v32 =	vld.idx.msk [tilespmem:v26+s30+$0x0], $0xffff;
	v29 =	vor.u32 $0x1, v23  }
0x25e: {  	v27 =	vsel vm5, v17, v27;
	v17 =	vld [tilespmem:s6+$0xFFFFFFF0];
	vm1 =	vge.f32 v22, v7;
	vm5 =	vge.f32 v22, v5  }
0x25f: {  	v55 =	vld.idx.msk [tilespmem:v54+s30+$0x0], $0xffff;
	v61 =	vsel vm2, v43, v41;
	vm3 =	vge.f32 v15, v5;
	vm4 =	vge.f32 v15, v7  }
0x260: {  	v57 =	vld.idx.msk [tilespmem:v52+s30+$0x0], $0xffff;
	v59 =	vsel vm1, $0x6, v3;
	v58 =	vsel vm4, $0x6, v3;
	vm4 =	vge.f32 v33, v53  }
0x261: {  	vm1 =	vge.f32 v15, v6;
	v25 =	vor.u32 $0x1, v27;
	v53 =	vld.idx.msk [tilespmem:v40+s31+$0x0], $0xffff;
	v39 =	vsel vm4, v39, v36  }
0x262: {  	s28 =	simm.s32 $0xC2C0;
	v62 =	vsel vm5, $0x2, v4;
	v60 =	vsel vm3, $0x2, v4;
	v47 =	vld.idx.msk [tilespmem:v48+s31+$0x0], $0xffff;
	v48 =	vsel vm12, v38, v34  }
0x263: {  	[tilespmem:s28+$0xFFFFFFD0] =	vst v63;
	v45 =	vld.idx.msk [tilespmem:v28+s30+$0x0], $0xffff;
	vm4 =	vge.f32 v22, v6;
	v36 =	vor.u32 $0x1, v16;
	v34 =	vsel vm1, v58, v60  }
0x264: {  	v63 =	vld.idx.msk [tilespmem:v35+s31+$0x0], $0xffff;
	v33 =	vsel vm4, v59, v62;
	vm1 =	vge.f32 v30, v5;
	vm14 =	vge.f32 v30, v6  }
0x265: {  	v38 =	vld.idx.msk [tilespmem:v19+s30+$0x0], $0xffff;
	vm15 =	vge.f32 v31, v6;
	vm3 =	vge.f32 v20, v5;
	vm2 =	vge.f32 v42, v57  }
0x266: {  	vm4 =	vge.f32 v20, v7;
	vm12 =	vge.f32 v20, v6;
	v52 =	vsel vm2, v52, v50;
	v56 =	vld.idx.msk [tilespmem:v39+s31+$0x0], $0xffff  }
0x267: {  	[tilespmem:s28+$0x20] =	vst v46;
	vm6 =	vge.f32 v31, v5;
	vm13 =	vge.f32 v17, v6;
	v44 =	vsel vm3, $0x2, v4;
	v41 =	vld.idx.msk [tilespmem:v48+s31+$0x0], $0xffff  }
0x268: {  	v40 =	vld.idx.msk [tilespmem:v61+s31+$0x0], $0xffff;
	vm3 =	vge.f32 v11, v7;
	vm5 =	vge.f32 v37, v55;
	v42 =	vsel vm4, $0x6, v3;
	[tilespmem:s28+$0x10] =	vst v53  }
0x269: {  	v35 =	vld [tilespmem:s6+$0x0];
	vm4 =	vge.f32 v31, v7;
	v46 =	vsel vm3, $0x6, v3;
	vm2 =	vge.f32 v30, v7;
	[tilespmem:s28+$0x30] =	vst v47  }
0x26a: {  	v37 =	vsel vm4, $0x6, v3;
	v50 =	vsel vm6, $0x2, v4;
	v39 =	vld.idx.msk [tilespmem:v25+s30+$0x0], $0xffff;
	[tilespmem:s28+$0xFFFFFFC0] =	vst v63;
	v47 =	vsel vm5, v54, v51  }
0x26b: {  	s9 =	simm.s32 $0x100;
	s7 =	simm.s32 $0xC340;
	s8 =	simm.s32 $0xC340;
	v49 =	vsel vm2, $0x6, v3;
	v48 =	vsel vm1, $0x2, v4;
	vm1 =	vge.f32 v11, v5;
	v43 =	vld.idx.msk [tilespmem:v52+s31+$0x0], $0xffff;
	[tilespmem:s28+$0xFFFFFFF0] =	vst v56  }
.LBB2_8:
0x26c: {  	s9 =	sadd.s32 $0x80, s9;
	v50 =	vsel vm15, v37, v50;
	v51 =	vsel vm1, $0x2, v4;
	v37 =	vsel vm14, v49, v48;
	v48 =	vld.idx.msk [tilespmem:v36+s30+$0x0], $0xffff;
	s7 =	sadd.s32 $0x80, s7;
	[tilespmem:s28+$0xFFFFFFE0] =	vst v41  }
0x26d: {  	vm3 =	vge.f32 v11, v6;
	s6 =	sadd.s32 $0x80, s6;
	vm14 =	vge.f32 v9, v38;
	p0 =	slt.u32 s9, $0x3F80;
	v41 =	vor.u32 $0x1, v50;
	v38 =	vld.idx.msk [tilespmem:v29+s30+$0x0], $0xffff;
	[tilespmem:s28+$0x0] =	vst v40;
	s28 =	smov.u32 s8  }
0x26e: {  	vm2 =	vge.f32 v17, v7;
	v9 =	vmovc v11;
	s8 =	smov.u32 s7;
	vm1 =	vge.f32 v35, v5;
	vm15 =	vge.f32 v35, v6;
	v11 =	vld [tilespmem:s6+$0xFFFFFFE0]  }
0x26f: {  	vm4 =	vge.f32 v17, v5;
	v40 =	vsel vm2, $0x6, v3;
	vm2 =	vge.f32 v12, v45;
	v12 =	vmovc v20;
	v45 =	vld.idx.msk [tilespmem:v47+s31+$0x0], $0xffff  }
0x270: {  	v42 =	vsel vm12, v42, v44;
	v44 =	vmovc v27;
	v49 =	vmovc v30;
	v46 =	vsel vm3, v46, v51;
	v20 =	vsel vm4, $0x2, v4;
	v47 =	vld [tilespmem:s6+$0xFFFFFFC0]  }
0x271: {  	v52 =	vor.u32 $0x1, v34;
	v53 =	vor.u32 $0x1, v46;
	v40 =	vsel vm13, v40, v20;
	v51 =	vld [tilespmem:s6+$0x30];
	[tilespmem:s28+$0xFFFFFFD0] =	vst v43;
	v43 =	vmovc v13;
	v13 =	vmovc v34  }
0x272: {  	vm3 =	vge.f32 v35, v7;
	v54 =	vor.u32 $0x1, v40;
	vm4 =	vge.f32 v10, v48;
	v10 =	vmovc v22;
	v34 =	vld.idx.msk [tilespmem:v41+s30+$0x0], $0xffff  }
0x273: {  	v30 =	vmovc v14;
	v55 =	vor.u32 $0x1, v37;
	v22 =	vsel vm3, $0x6, v3;
	v36 =	vsel vm4, v36, v16;
	v16 =	vmovc v33;
	v20 =	vld [tilespmem:s6+$0x10]  }
0x274: {  	v14 =	vmovc v35;
	v27 =	vsel vm1, $0x2, v4;
	v33 =	vsel vm2, v28, v24;
	v28 =	vor.u32 $0x1, v42;
	v24 =	vmovc v42;
	v56 =	vld [tilespmem:s6+$0xFFFFFFD0]  }
0x275: {  	vm1 =	vge.f32 v8, v32;
	v27 =	vsel vm15, v22, v27;
	vm2 =	vge.f32 v30, v39;
	v57 =	vld [tilespmem:s6+$0xFFFFFFF0];
	[tilespmem:s28+$0x20] =	vst v45  }
0x276: {  	v8 =	vmovc v15;
	v35 =	vsel vm1, v26, v43;
	vm3 =	vge.f32 v47, v5;
	vm4 =	vge.f32 v47, v7;
	v30 =	vld [tilespmem:s6+$0x20]  }
0x277: {  	v15 =	vmovc v47;
	v39 =	vsel vm4, $0x6, v3;
	vm1 =	vge.f32 v51, v7;
	vm4 =	vge.f32 v21, v38;
	v32 =	vld.idx.msk [tilespmem:v52+s30+$0x0], $0xffff  }
0x278: {  	vm5 =	vge.f32 v51, v5;
	v22 =	vmovc v51;
	v21 =	vsel vm1, $0x6, v3;
	v29 =	vsel vm4, v29, v23;
	v43 =	vld.idx.msk [tilespmem:v36+s31+$0x0], $0xffff  }
0x279: {  	v42 =	vsel vm14, v19, v18;
	vm1 =	vge.f32 v15, v6;
	vm4 =	vge.f32 v22, v6;
	v47 =	vld.idx.msk [tilespmem:v33+s31+$0x0], $0xffff  }
0x27a: {  	v18 =	vmovc v46;
	v26 =	vmovc v52;
	v44 =	vsel vm2, v25, v44;
	v25 =	vor.u32 $0x1, v27;
	v33 =	vsel vm3, $0x2, v4;
	v51 =	vld.idx.msk [tilespmem:v55+s30+$0x0], $0xffff  }
0x27b: {  	v19 =	vmovc v53;
	v38 =	vsel vm5, $0x2, v4;
	vm2 =	vge.f32 v31, v34;
	v23 =	vmovc v40;
	v36 =	vor.u32 $0x1, v16;
	v31 =	vld.idx.msk [tilespmem:v35+s31+$0x0], $0xffff  }
0x27c: {  	v34 =	vsel vm1, v39, v33;
	v33 =	vsel vm4, v21, v38;
	v21 =	vsel vm2, v41, v50;
	v38 =	vld.idx.msk [tilespmem:v53+s30+$0x0], $0xffff  }
0x27d: {  	vm1 =	vge.f32 v30, v5;
	vm14 =	vge.f32 v30, v6;
	vm2 =	vge.f32 v30, v7;
	v52 =	vld.idx.msk [tilespmem:v29+s31+$0x0], $0xffff  }
0x27e: {  	vm15 =	vge.f32 v56, v6;
	vm3 =	vge.f32 v20, v5;
	vm4 =	vge.f32 v20, v7;
	v41 =	vld.idx.msk [tilespmem:v42+s31+$0x0], $0xffff  }
.Ltmp3:
0x27f: {  	vm12 =	vge.f32 v20, v6;
	v48 =	vsel vm1, $0x2, v4;
	v29 =	vmovc v54;
	v42 =	vsel vm4, $0x6, v3;
	v40 =	vld.idx.msk [tilespmem:v44+s31+$0x0], $0xffff;
	[tilespmem:s28+$0x30] =	vst v43;
	(pc) =	sbr.rel @p0 .LBB2_8-.Ltmp3, $4  }
0x280: {  	vm13 =	vge.f32 v57, v6;
	vm4 =	vge.f32 v56, v7;
	v44 =	vsel vm3, $0x2, v4;
	v45 =	vld.idx.msk [tilespmem:v28+s30+$0x0], $0xffff;
	[tilespmem:s28+$0x10] =	vst v47  }
0x281: {  	vm1 =	vge.f32 v11, v5;
	vm3 =	vge.f32 v11, v7;
	vm5 =	vge.f32 v49, v51;
	v35 =	vld [tilespmem:s6+$0x0];
	[tilespmem:s28+$0xFFFFFFC0] =	vst v31  }
0x282: {  	vm6 =	vge.f32 v56, v5;
	v46 =	vsel vm3, $0x6, v3;
	v47 =	vsel vm5, v55, v37;
	v31 =	vmovc v56;
	v39 =	vld.idx.msk [tilespmem:v25+s30+$0x0], $0xffff  }
0x283: {  	v50 =	vsel vm6, $0x2, v4;
	v49 =	vsel vm2, $0x6, v3;
	v37 =	vsel vm4, $0x6, v3;
	v43 =	vld.idx.msk [tilespmem:v21+s31+$0x0], $0xffff;
	[tilespmem:s28+$0xFFFFFFF0] =	vst v52;
	v21 =	vmovc v17;
	v17 =	vmovc v57  }
0x284: {  	_ =	sdelay $0x3  }
0x285: {  	v51 =	vld.idx.msk [tilespmem:v36+s30+$0x0], $0xffff;
	v37 =	vsel vm15, v37, v50;
	v56 =	vsel vm1, $0x2, v4;
	v52 =	vor.u32 $0x1, v34  }
0x286: {  	v48 =	vsel vm14, v49, v48;
	vm1 =	vge.f32 v11, v6;
	vm3 =	vge.f32 v17, v7  }
0x287: {  	v42 =	vsel vm12, v42, v44;
	v60 =	vor.u32 $0x1, v33;
	v49 =	vor.u32 $0x1, v37  }
0x288: {  	vm4 =	vge.f32 v12, v45;
	v12 =	vld.idx.msk [tilespmem:v29+s30+$0x0], $0xffff;
	v57 =	vor.u32 $0x1, v48;
	v58 =	vsel vm1, v46, v56  }
0x289: {  	v62 =	vor.u32 $0x1, v42;
	vm1 =	vge.f32 v8, v32;
	vm5 =	vge.f32 v35, v6  }
0x28a: {  	v13 =	vsel vm1, v26, v13;
	v55 =	vor.u32 $0x1, v58;
	vm2 =	vge.f32 v10, v51;
	v8 =	vld.idx.msk [tilespmem:v52+s30+$0x0], $0xffff  }
0x28b: {  	v10 =	vsel vm2, v36, v16;
	v16 =	vsel vm4, v28, v24;
	vm4 =	vge.f32 v17, v5;
	v28 =	vld.idx.msk [tilespmem:v47+s31+$0x0], $0xffff  }
0x28c: {  	vm2 =	vge.f32 v35, v5;
	v24 =	vsel vm3, $0x6, v3;
	v59 =	vld.idx.msk [tilespmem:v49+s30+$0x0], $0xffff;
	v61 =	vsel vm4, $0x2, v4  }
0x28d: {  	vm3 =	vge.f32 v35, v7;
	v56 =	vld.idx.msk [tilespmem:v57+s30+$0x0], $0xffff;
	vm1 =	vge.f32 v21, v12;
	v24 =	vsel vm13, v24, v61  }
0x28e: {  	v21 =	vld.idx.msk [tilespmem:v60+s30+$0x0], $0xffff;
	v63 =	vsel vm3, $0x6, v3;
	v54 =	vsel vm2, $0x2, v4;
	v26 =	vor.u32 $0x1, v24  }
0x28f: {  	vm2 =	vge.f32 v9, v38;
	v9 =	vsel vm1, v29, v23;
	v23 =	vld.idx.msk [tilespmem:v62+s30+$0x0], $0xffff;
	v32 =	vsel vm5, v63, v54  }
0x290: {  	vm1 =	vge.f32 v14, v39;
	v13 =	vld.idx.msk [tilespmem:v13+s31+$0x0], $0xffff;
	v12 =	vor.u32 $0x1, v32  }
0x291: {  	v14 =	vsel vm2, v19, v18;
	v18 =	vsel vm1, v25, v27;
	v27 =	vld.idx.msk [tilespmem:v55+s30+$0x0], $0xffff  }
0x292: {  	v10 =	vld.idx.msk [tilespmem:v10+s31+$0x0], $0xffff  }
0x293: {  	vm1 =	vge.f32 v31, v59;
	v19 =	vld.idx.msk [tilespmem:v26+s30+$0x0], $0xffff  }
0x294: {  	[tilespmem:s28+$0xFFFFFFE0] =	vst v41;
	v16 =	vld.idx.msk [tilespmem:v16+s31+$0x0], $0xffff;
	v25 =	vsel vm1, v49, v37;
	vm1 =	vge.f32 v30, v56  }
0x295: {  	[tilespmem:s28+$0x0] =	vst v40;
	vm2 =	vge.f32 v20, v23;
	v30 =	vsel vm1, v57, v48;
	v29 =	vld.idx.msk [tilespmem:v12+s30+$0x0], $0xffff  }
0x296: {  	[tilespmem:s8+$0xFFFFFFD0] =	vst v43;
	vm1 =	vge.f32 v22, v21;
	v14 =	vld.idx.msk [tilespmem:v14+s31+$0x0], $0xffff;
	v21 =	vsel vm2, v62, v42  }
0x297: {  	[tilespmem:s8+$0x20] =	vst v28;
	v9 =	vld.idx.msk [tilespmem:v9+s31+$0x0], $0xffff;
	v20 =	vsel vm1, v60, v33;
	vm1 =	vge.f32 v15, v8  }
0x298: {  	v8 =	vld.idx.msk [tilespmem:v18+s31+$0x0], $0xffff;
	[tilespmem:s8+$0x30] =	vst v10;
	v10 =	vsel vm1, v52, v34;
	vm1 =	vge.f32 v17, v19  }
0x299: {  	[tilespmem:s8+$0xFFFFFFC0] =	vst v13;
	vm2 =	vge.f32 v11, v27;
	v15 =	vld.idx.msk [tilespmem:v25+s31+$0x0], $0xffff;
	v11 =	vsel vm1, v26, v24  }
0x29a: {  	[tilespmem:s8+$0x10] =	vst v16;
	v16 =	vsel vm2, v55, v58;
	v13 =	vld.idx.msk [tilespmem:v30+s31+$0x0], $0xffff;
	vm1 =	vge.f32 v35, v29  }
0x29b: {  	[tilespmem:s8+$0xFFFFFFE0] =	vst v14;
	v14 =	vld.idx.msk [tilespmem:v21+s31+$0x0], $0xffff;
	v12 =	vsel vm1, v12, v32  }
0x29c: {  	[tilespmem:s8+$0xFFFFFFF0] =	vst v9;
	v9 =	vld.idx.msk [tilespmem:v20+s31+$0x0], $0xffff  }
0x29d: {  	s6 =	sadd.s32 $0x80, s7;
	[tilespmem:s8+$0x0] =	vst v8;
	v8 =	vld.idx.msk [tilespmem:v10+s31+$0x0], $0xffff  }
0x29e: {  	[tilespmem:s6+$0xFFFFFFD0] =	vst v15;
	v10 =	vld.idx.msk [tilespmem:v11+s31+$0x0], $0xffff  }
0x29f: {  	[tilespmem:s6+$0x20] =	vst v13;
	v11 =	vld.idx.msk [tilespmem:v16+s31+$0x0], $0xffff  }
0x2a0: {  	[tilespmem:s6+$0x10] =	vst v14;
	v12 =	vld.idx.msk [tilespmem:v12+s31+$0x0], $0xffff  }
0x2a1: {  	[tilespmem:s6+$0x30] =	vst v9  }
0x2a2: {  	[tilespmem:s6+$0xFFFFFFC0] =	vst v8  }
0x2a3: {  	[tilespmem:s6+$0xFFFFFFF0] =	vst v10  }
0x2a4: {  	[tilespmem:s6+$0xFFFFFFE0] =	vst v11  }
0x2a5: {  	[tilespmem:s6+$0x0] =	vst v12  }
0x2a6: {  	s6 =	rddreg [dreg:$0xe]  }
0x2a7: {  	[hbm4b:s6+s5] =	stream.linear.scatter [tilespmem:s1], [sflag:$0x4], $0x4000, $0x38;
	[tilespmem:$0x10280] =	vst v63  }
0x2a8: {  	s16 =	rddreg [dreg:$0xf]  }
0x2a9: {  	[tilespmem:s24], [sflag:$0x2] =	stream.linear.gather [hbm4b:s16+s5], $0x4000, $0x38;
	[tilespmem:$0x10280] =	vst v63  }
0x2aa: {  	_ =	swait.ge [sflag:s29], $0x4000  }
0x2ab: {  	[sflag:s29] =	ssyncset.done $0x0  }
0x2ac: {  	[sflag:s29] =	ssyncadd.s32 $0xFFFFC000  }
0x2ad: {  	_ =	swait.ge [sflag:s2], $0x4000  }
0x2ae: {  	[sflag:s2] =	ssyncset.done $0x0  }
0x2af: {  	s17 =	simm.s32 $0x2C0;
	[sflag:s2] =	ssyncadd.s32 $0xFFFFC000  }
0x2b0: {  	v25 =	vld [tilespmem:s17+$0xFFFFFFC0]  }
0x2b1: {  	v17 =	vld [tilespmem:s17+$0x30]  }
0x2b2: {  	v13 =	vld [tilespmem:s17+$0xFFFFFFD0]  }
0x2b3: {  	v15 =	vld [tilespmem:s17+$0x10]  }
0x2b4: {  	s18 =	simm.s32 $0x340;
	v18 =	vld [tilespmem:s17+$0xFFFFFFE0]  }
0x2b5: {  	v42 =	vld [tilespmem:s18+$0xFFFFFFD0];
	_ =	sdelay $0x1  }
0x2b6: {  	v11 =	vld [tilespmem:s17+$0x20];
	vm1 =	vge.f32 v25, v7  }
0x2b7: {  	vm2 =	vge.f32 v25, v5;
	vm3 =	vge.f32 v17, v5;
	vm4 =	vge.f32 v17, v6  }
0x2b8: {  	v30 =	vld [tilespmem:s17+$0x0];
	vm5 =	vge.f32 v15, v5;
	vm6 =	vge.f32 v15, v7;
	vm12 =	vge.f32 v15, v6  }
0x2b9: {  	vm13 =	vge.f32 v18, v5;
	vm14 =	vge.f32 v13, v5;
	vm15 =	vge.f32 v42, v5  }
0x2ba: {  	v33 =	vld [tilespmem:s17+$0xFFFFFFF0];
	v8 =	vsel vm1, $0x6, v3;
	vm1 =	vge.f32 v17, v7;
	v10 =	vsel vm2, $0x2, v4  }
0x2bb: {  	v12 =	vsel vm3, $0x2, v4;
	vm2 =	vge.f32 v11, v6;
	vm3 =	vge.f32 v11, v7  }
0x2bc: {  	v16 =	vsel vm14, $0x2, v4;
	v9 =	vsel vm1, $0x6, v3;
	vm1 =	vge.f32 v25, v6  }
0x2bd: {  	v19 =	vsel vm3, $0x6, v3;
	vm3 =	vge.f32 v30, v5;
	v32 =	vsel vm1, v8, v10  }
0x2be: {  	v27 =	vsel vm4, v9, v12;
	vm1 =	vge.f32 v11, v5;
	vm4 =	vge.f32 v13, v6  }
0x2bf: {  	v9 =	vsel vm6, $0x6, v3;
	vm6 =	vge.f32 v33, v6;
	v12 =	vsel vm5, $0x2, v4  }
0x2c0: {  	vm5 =	vge.f32 v18, v7;
	v8 =	vsel vm1, $0x2, v4;
	vm1 =	vge.f32 v13, v7  }
0x2c1: {  	v10 =	vsel vm5, $0x6, v3;
	vm5 =	vge.f32 v33, v5;
	v28 =	vsel vm12, v9, v12  }
0x2c2: {  	v35 =	vor.u32 $0x1, v32;
	v31 =	vor.u32 $0x1, v27;
	v14 =	vsel vm1, $0x6, v3  }
0x2c3: {  	v19 =	vsel vm2, v19, v8;
	vm1 =	vge.f32 v18, v6;
	vm2 =	vge.f32 v33, v7  }
0x2c4: {  	v12 =	vld [tilespmem:s18+$0x10];
	v14 =	vsel vm4, v14, v16;
	v16 =	vsel vm13, $0x2, v4;
	v22 =	vor.u32 $0x1, v19  }
0x2c5: {  	v8 =	vld [tilespmem:s18+$0xFFFFFFC0];
	vm4 =	vge.f32 v30, v6;
	v21 =	vsel vm2, $0x6, v3;
	v20 =	vor.u32 $0x1, v14  }
0x2c6: {  	v37 =	vld [tilespmem:s18+$0x20];
	v34 =	vsel vm1, v10, v16;
	v16 =	vsel vm5, $0x2, v4;
	vm1 =	vge.f32 v30, v7  }
0x2c7: {  	v10 =	vld [tilespmem:s18+$0x30];
	v36 =	vsel vm6, v21, v16;
	v9 =	vsel vm1, $0x6, v3;
	v21 =	vsel vm3, $0x2, v4  }
0x2c8: {  	v40 =	vor.u32 $0x1, v28;
	vm5 =	vge.f32 v42, v6;
	v41 =	vsel vm4, v9, v21;
	v21 =	vld [tilespmem:s18+$0xFFFFFFF0]  }
0x2c9: {  	v38 =	vor.u32 $0x1, v34;
	v39 =	vor.u32 $0x1, v36;
	vm6 =	vge.f32 v12, v5;
	v57 =	vld.idx.msk [tilespmem:v22+s30+$0x0], $0xffff  }
0x2ca: {  	vm12 =	vge.f32 v12, v7;
	vm1 =	vge.f32 v8, v7;
	vm2 =	vge.f32 v8, v5;
	v16 =	vld.idx.msk [tilespmem:v20+s30+$0x0], $0xffff  }
0x2cb: {  	v43 =	vor.u32 $0x1, v41;
	v23 =	vsel vm1, $0x6, v3;
	v26 =	vsel vm2, $0x2, v4  }
0x2cc: {  	v9 =	vld [tilespmem:s18+$0xFFFFFFE0];
	vm1 =	vge.f32 v10, v7;
	vm3 =	vge.f32 v10, v5;
	vm4 =	vge.f32 v10, v6  }
0x2cd: {  	v24 =	vsel vm1, $0x6, v3;
	vm1 =	vge.f32 v8, v6;
	v29 =	vsel vm3, $0x2, v4  }
0x2ce: {  	vm3 =	vge.f32 v37, v6;
	vm13 =	vge.f32 v21, v6;
	vm14 =	vge.f32 v11, v57  }
0x2cf: {  	v58 =	vld.idx.msk [tilespmem:v35+s30+$0x0], $0xffff;
	vm2 =	vge.f32 v13, v16;
	v13 =	vsel vm1, v23, v26;
	v16 =	vsel vm4, v24, v29  }
0x2d0: {  	v56 =	vld.idx.msk [tilespmem:v31+s30+$0x0], $0xffff;
	vm4 =	vge.f32 v37, v7;
	vm1 =	vge.f32 v12, v6;
	v24 =	vsel vm12, $0x6, v3  }
0x2d1: {  	v59 =	vld.idx.msk [tilespmem:v40+s30+$0x0], $0xffff;
	v29 =	vsel vm6, $0x2, v4;
	vm6 =	vge.f32 v9, v5;
	vm12 =	vge.f32 v9, v7  }
0x2d2: {  	v23 =	vld.idx.msk [tilespmem:v38+s30+$0x0], $0xffff;
	v19 =	vsel vm14, v22, v19;
	v22 =	vsel vm15, $0x2, v4;
	v20 =	vsel vm2, v20, v14  }
0x2d3: {  	v53 =	vld.idx.msk [tilespmem:v39+s30+$0x0], $0xffff;
	vm2 =	vge.f32 v37, v5;
	v60 =	vsel vm12, $0x6, v3;
	v62 =	vsel vm4, $0x6, v3  }
0x2d4: {  	v14 =	vld [tilespmem:s18+$0x0];
	v24 =	vsel vm1, v24, v29;
	v26 =	vsel vm2, $0x2, v4;
	vm2 =	vge.f32 v42, v7  }
0x2d5: {  	s6 =	simm.s32 $0x3C0;
	v61 =	vld.idx.msk [tilespmem:v43+s30+$0x0], $0xffff;
	v11 =	vsel vm2, $0x6, v3;
	v51 =	vsel vm3, v62, v26;
	vm2 =	vge.f32 v9, v6  }
0x2d6: {  	vm3 =	vge.f32 v21, v7;
	v26 =	vor.u32 $0x1, v13;
	v50 =	vsel vm5, v11, v22;
	v11 =	vld [tilespmem:s6+$0xFFFFFFE0]  }
0x2d7: {  	v22 =	vld [tilespmem:s6+$0x30];
	v54 =	vor.u32 $0x1, v51;
	v52 =	vor.u32 $0x1, v50;
	vm12 =	vge.f32 v18, v23  }
0x2d8: {  	v23 =	vsel vm3, $0x6, v3;
	vm3 =	vge.f32 v15, v59;
	v63 =	vld.idx.msk [tilespmem:v20+s31+$0x0], $0xffff;
	v20 =	vsel vm6, $0x2, v4  }
0x2d9: {  	v46 =	vld.idx.msk [tilespmem:v19+s31+$0x0], $0xffff;
	vm4 =	vge.f32 v14, v5;
	vm5 =	vge.f32 v14, v6;
	vm6 =	vge.f32 v21, v5  }
0x2da: {  	v15 =	vld [tilespmem:s6+$0xFFFFFFC0];
	vm1 =	vge.f32 v14, v7;
	v18 =	vsel vm2, v60, v20;
	v20 =	vsel vm6, $0x2, v4  }
0x2db: {  	v40 =	vsel vm3, v40, v28;
	vm2 =	vge.f32 v17, v56;
	v23 =	vsel vm13, v23, v20;
	v20 =	vld [tilespmem:s6+$0x10]  }
0x2dc: {  	v28 =	vor.u32 $0x1, v24;
	v17 =	vsel vm1, $0x6, v3;
	v48 =	vsel vm2, v31, v27;
	v31 =	vld [tilespmem:s6+$0xFFFFFFD0]  }
0x2dd: {  	vm1 =	vge.f32 v25, v58;
	v19 =	vor.u32 $0x1, v18;
	vm2 =	vge.f32 v30, v61;
	v30 =	vld [tilespmem:s6+$0x20]  }
0x2de: {  	v27 =	vsel vm4, $0x2, v4;
	v35 =	vsel vm1, v35, v32;
	v32 =	vld.idx.msk [tilespmem:v26+s30+$0x0], $0xffff;
	v29 =	vor.u32 $0x1, v23  }
0x2df: {  	v27 =	vsel vm5, v17, v27;
	v17 =	vld [tilespmem:s6+$0xFFFFFFF0];
	vm1 =	vge.f32 v22, v7;
	vm5 =	vge.f32 v22, v5  }
0x2e0: {  	v55 =	vld.idx.msk [tilespmem:v54+s30+$0x0], $0xffff;
	v61 =	vsel vm2, v43, v41;
	vm3 =	vge.f32 v15, v5;
	vm4 =	vge.f32 v15, v7  }
0x2e1: {  	v57 =	vld.idx.msk [tilespmem:v52+s30+$0x0], $0xffff;
	v59 =	vsel vm1, $0x6, v3;
	v58 =	vsel vm4, $0x6, v3;
	vm4 =	vge.f32 v33, v53  }
0x2e2: {  	vm1 =	vge.f32 v15, v6;
	v25 =	vor.u32 $0x1, v27;
	v53 =	vld.idx.msk [tilespmem:v40+s31+$0x0], $0xffff;
	v39 =	vsel vm4, v39, v36  }
0x2e3: {  	s28 =	simm.s32 $0x82C0;
	v62 =	vsel vm5, $0x2, v4;
	v60 =	vsel vm3, $0x2, v4;
	v47 =	vld.idx.msk [tilespmem:v48+s31+$0x0], $0xffff;
	v48 =	vsel vm12, v38, v34  }
0x2e4: {  	[tilespmem:s28+$0xFFFFFFD0] =	vst v63;
	v45 =	vld.idx.msk [tilespmem:v28+s30+$0x0], $0xffff;
	vm4 =	vge.f32 v22, v6;
	v36 =	vor.u32 $0x1, v16;
	v34 =	vsel vm1, v58, v60  }
0x2e5: {  	v63 =	vld.idx.msk [tilespmem:v35+s31+$0x0], $0xffff;
	v33 =	vsel vm4, v59, v62;
	vm1 =	vge.f32 v30, v5;
	vm14 =	vge.f32 v30, v6  }
0x2e6: {  	v38 =	vld.idx.msk [tilespmem:v19+s30+$0x0], $0xffff;
	vm15 =	vge.f32 v31, v6;
	vm3 =	vge.f32 v20, v5;
	vm2 =	vge.f32 v42, v57  }
0x2e7: {  	vm4 =	vge.f32 v20, v7;
	vm12 =	vge.f32 v20, v6;
	v52 =	vsel vm2, v52, v50;
	v56 =	vld.idx.msk [tilespmem:v39+s31+$0x0], $0xffff  }
0x2e8: {  	[tilespmem:s28+$0x20] =	vst v46;
	vm6 =	vge.f32 v31, v5;
	vm13 =	vge.f32 v17, v6;
	v44 =	vsel vm3, $0x2, v4;
	v41 =	vld.idx.msk [tilespmem:v48+s31+$0x0], $0xffff  }
0x2e9: {  	v40 =	vld.idx.msk [tilespmem:v61+s31+$0x0], $0xffff;
	vm3 =	vge.f32 v11, v7;
	vm5 =	vge.f32 v37, v55;
	v42 =	vsel vm4, $0x6, v3;
	[tilespmem:s28+$0x10] =	vst v53  }
0x2ea: {  	v35 =	vld [tilespmem:s6+$0x0];
	vm4 =	vge.f32 v31, v7;
	v46 =	vsel vm3, $0x6, v3;
	vm2 =	vge.f32 v30, v7;
	[tilespmem:s28+$0x30] =	vst v47  }
0x2eb: {  	v37 =	vsel vm4, $0x6, v3;
	v50 =	vsel vm6, $0x2, v4;
	v39 =	vld.idx.msk [tilespmem:v25+s30+$0x0], $0xffff;
	[tilespmem:s28+$0xFFFFFFC0] =	vst v63;
	v47 =	vsel vm5, v54, v51  }
0x2ec: {  	s9 =	simm.s32 $0x100;
	s7 =	simm.s32 $0x8340;
	s8 =	simm.s32 $0x8340;
	v49 =	vsel vm2, $0x6, v3;
	v48 =	vsel vm1, $0x2, v4;
	vm1 =	vge.f32 v11, v5;
	v43 =	vld.idx.msk [tilespmem:v52+s31+$0x0], $0xffff;
	[tilespmem:s28+$0xFFFFFFF0] =	vst v56  }
.LBB2_10:
0x2ed: {  	s9 =	sadd.s32 $0x80, s9;
	v50 =	vsel vm15, v37, v50;
	v51 =	vsel vm1, $0x2, v4;
	v37 =	vsel vm14, v49, v48;
	v48 =	vld.idx.msk [tilespmem:v36+s30+$0x0], $0xffff;
	s7 =	sadd.s32 $0x80, s7;
	[tilespmem:s28+$0xFFFFFFE0] =	vst v41  }
0x2ee: {  	vm3 =	vge.f32 v11, v6;
	s6 =	sadd.s32 $0x80, s6;
	vm14 =	vge.f32 v9, v38;
	p0 =	slt.u32 s9, $0x3F80;
	v41 =	vor.u32 $0x1, v50;
	v38 =	vld.idx.msk [tilespmem:v29+s30+$0x0], $0xffff;
	[tilespmem:s28+$0x0] =	vst v40;
	s28 =	smov.u32 s8  }
0x2ef: {  	vm2 =	vge.f32 v17, v7;
	v9 =	vmovc v11;
	s8 =	smov.u32 s7;
	vm1 =	vge.f32 v35, v5;
	vm15 =	vge.f32 v35, v6;
	v11 =	vld [tilespmem:s6+$0xFFFFFFE0]  }
0x2f0: {  	vm4 =	vge.f32 v17, v5;
	v40 =	vsel vm2, $0x6, v3;
	vm2 =	vge.f32 v12, v45;
	v12 =	vmovc v20;
	v45 =	vld.idx.msk [tilespmem:v47+s31+$0x0], $0xffff  }
0x2f1: {  	v42 =	vsel vm12, v42, v44;
	v44 =	vmovc v27;
	v49 =	vmovc v30;
	v46 =	vsel vm3, v46, v51;
	v20 =	vsel vm4, $0x2, v4;
	v47 =	vld [tilespmem:s6+$0xFFFFFFC0]  }
0x2f2: {  	v52 =	vor.u32 $0x1, v34;
	v53 =	vor.u32 $0x1, v46;
	v40 =	vsel vm13, v40, v20;
	v51 =	vld [tilespmem:s6+$0x30];
	[tilespmem:s28+$0xFFFFFFD0] =	vst v43;
	v43 =	vmovc v13;
	v13 =	vmovc v34  }
0x2f3: {  	vm3 =	vge.f32 v35, v7;
	v54 =	vor.u32 $0x1, v40;
	vm4 =	vge.f32 v10, v48;
	v10 =	vmovc v22;
	v34 =	vld.idx.msk [tilespmem:v41+s30+$0x0], $0xffff  }
0x2f4: {  	v30 =	vmovc v14;
	v55 =	vor.u32 $0x1, v37;
	v22 =	vsel vm3, $0x6, v3;
	v36 =	vsel vm4, v36, v16;
	v16 =	vmovc v33;
	v20 =	vld [tilespmem:s6+$0x10]  }
0x2f5: {  	v14 =	vmovc v35;
	v27 =	vsel vm1, $0x2, v4;
	v33 =	vsel vm2, v28, v24;
	v28 =	vor.u32 $0x1, v42;
	v24 =	vmovc v42;
	v56 =	vld [tilespmem:s6+$0xFFFFFFD0]  }
0x2f6: {  	vm1 =	vge.f32 v8, v32;
	v27 =	vsel vm15, v22, v27;
	vm2 =	vge.f32 v30, v39;
	v57 =	vld [tilespmem:s6+$0xFFFFFFF0];
	[tilespmem:s28+$0x20] =	vst v45  }
0x2f7: {  	v8 =	vmovc v15;
	v35 =	vsel vm1, v26, v43;
	vm3 =	vge.f32 v47, v5;
	vm4 =	vge.f32 v47, v7;
	v30 =	vld [tilespmem:s6+$0x20]  }
0x2f8: {  	v15 =	vmovc v47;
	v39 =	vsel vm4, $0x6, v3;
	vm1 =	vge.f32 v51, v7;
	vm4 =	vge.f32 v21, v38;
	v32 =	vld.idx.msk [tilespmem:v52+s30+$0x0], $0xffff  }
0x2f9: {  	vm5 =	vge.f32 v51, v5;
	v22 =	vmovc v51;
	v21 =	vsel vm1, $0x6, v3;
	v29 =	vsel vm4, v29, v23;
	v43 =	vld.idx.msk [tilespmem:v36+s31+$0x0], $0xffff  }
0x2fa: {  	v42 =	vsel vm14, v19, v18;
	vm1 =	vge.f32 v15, v6;
	vm4 =	vge.f32 v22, v6;
	v47 =	vld.idx.msk [tilespmem:v33+s31+$0x0], $0xffff  }
0x2fb: {  	v18 =	vmovc v46;
	v26 =	vmovc v52;
	v44 =	vsel vm2, v25, v44;
	v25 =	vor.u32 $0x1, v27;
	v33 =	vsel vm3, $0x2, v4;
	v51 =	vld.idx.msk [tilespmem:v55+s30+$0x0], $0xffff  }
0x2fc: {  	v19 =	vmovc v53;
	v38 =	vsel vm5, $0x2, v4;
	vm2 =	vge.f32 v31, v34;
	v23 =	vmovc v40;
	v36 =	vor.u32 $0x1, v16;
	v31 =	vld.idx.msk [tilespmem:v35+s31+$0x0], $0xffff  }
0x2fd: {  	v34 =	vsel vm1, v39, v33;
	v33 =	vsel vm4, v21, v38;
	v21 =	vsel vm2, v41, v50;
	v38 =	vld.idx.msk [tilespmem:v53+s30+$0x0], $0xffff  }
0x2fe: {  	vm1 =	vge.f32 v30, v5;
	vm14 =	vge.f32 v30, v6;
	vm2 =	vge.f32 v30, v7;
	v52 =	vld.idx.msk [tilespmem:v29+s31+$0x0], $0xffff  }
0x2ff: {  	vm15 =	vge.f32 v56, v6;
	vm3 =	vge.f32 v20, v5;
	vm4 =	vge.f32 v20, v7;
	v41 =	vld.idx.msk [tilespmem:v42+s31+$0x0], $0xffff  }
.Ltmp4:
0x300: {  	vm12 =	vge.f32 v20, v6;
	v48 =	vsel vm1, $0x2, v4;
	v29 =	vmovc v54;
	v42 =	vsel vm4, $0x6, v3;
	v40 =	vld.idx.msk [tilespmem:v44+s31+$0x0], $0xffff;
	[tilespmem:s28+$0x30] =	vst v43;
	(pc) =	sbr.rel @p0 .LBB2_10-.Ltmp4, $4  }
0x301: {  	vm13 =	vge.f32 v57, v6;
	vm4 =	vge.f32 v56, v7;
	v44 =	vsel vm3, $0x2, v4;
	v45 =	vld.idx.msk [tilespmem:v28+s30+$0x0], $0xffff;
	[tilespmem:s28+$0x10] =	vst v47  }
0x302: {  	vm1 =	vge.f32 v11, v5;
	vm3 =	vge.f32 v11, v7;
	vm5 =	vge.f32 v49, v51;
	v35 =	vld [tilespmem:s6+$0x0];
	[tilespmem:s28+$0xFFFFFFC0] =	vst v31  }
0x303: {  	vm6 =	vge.f32 v56, v5;
	v46 =	vsel vm3, $0x6, v3;
	v47 =	vsel vm5, v55, v37;
	v31 =	vmovc v56;
	v39 =	vld.idx.msk [tilespmem:v25+s30+$0x0], $0xffff  }
0x304: {  	v50 =	vsel vm6, $0x2, v4;
	v49 =	vsel vm2, $0x6, v3;
	v37 =	vsel vm4, $0x6, v3;
	v43 =	vld.idx.msk [tilespmem:v21+s31+$0x0], $0xffff;
	[tilespmem:s28+$0xFFFFFFF0] =	vst v52;
	v21 =	vmovc v17;
	v17 =	vmovc v57  }
0x305: {  	_ =	sdelay $0x3  }
0x306: {  	v51 =	vld.idx.msk [tilespmem:v36+s30+$0x0], $0xffff;
	v37 =	vsel vm15, v37, v50;
	v56 =	vsel vm1, $0x2, v4;
	v52 =	vor.u32 $0x1, v34  }
0x307: {  	v48 =	vsel vm14, v49, v48;
	vm1 =	vge.f32 v11, v6;
	vm3 =	vge.f32 v17, v7  }
0x308: {  	v42 =	vsel vm12, v42, v44;
	v60 =	vor.u32 $0x1, v33;
	v49 =	vor.u32 $0x1, v37  }
0x309: {  	vm4 =	vge.f32 v12, v45;
	v12 =	vld.idx.msk [tilespmem:v29+s30+$0x0], $0xffff;
	v57 =	vor.u32 $0x1, v48;
	v58 =	vsel vm1, v46, v56  }
0x30a: {  	v62 =	vor.u32 $0x1, v42;
	vm1 =	vge.f32 v8, v32;
	vm5 =	vge.f32 v35, v6  }
0x30b: {  	v13 =	vsel vm1, v26, v13;
	v55 =	vor.u32 $0x1, v58;
	vm2 =	vge.f32 v10, v51;
	v8 =	vld.idx.msk [tilespmem:v52+s30+$0x0], $0xffff  }
0x30c: {  	v10 =	vsel vm2, v36, v16;
	v16 =	vsel vm4, v28, v24;
	vm4 =	vge.f32 v17, v5;
	v28 =	vld.idx.msk [tilespmem:v47+s31+$0x0], $0xffff  }
0x30d: {  	vm2 =	vge.f32 v35, v5;
	v24 =	vsel vm3, $0x6, v3;
	v59 =	vld.idx.msk [tilespmem:v49+s30+$0x0], $0xffff;
	v61 =	vsel vm4, $0x2, v4  }
0x30e: {  	vm3 =	vge.f32 v35, v7;
	v56 =	vld.idx.msk [tilespmem:v57+s30+$0x0], $0xffff;
	vm1 =	vge.f32 v21, v12;
	v24 =	vsel vm13, v24, v61  }
0x30f: {  	v21 =	vld.idx.msk [tilespmem:v60+s30+$0x0], $0xffff;
	v63 =	vsel vm3, $0x6, v3;
	v54 =	vsel vm2, $0x2, v4;
	v26 =	vor.u32 $0x1, v24  }
0x310: {  	vm2 =	vge.f32 v9, v38;
	v9 =	vsel vm1, v29, v23;
	v23 =	vld.idx.msk [tilespmem:v62+s30+$0x0], $0xffff;
	v32 =	vsel vm5, v63, v54  }
0x311: {  	vm1 =	vge.f32 v14, v39;
	v13 =	vld.idx.msk [tilespmem:v13+s31+$0x0], $0xffff;
	v12 =	vor.u32 $0x1, v32  }
0x312: {  	v14 =	vsel vm2, v19, v18;
	v18 =	vsel vm1, v25, v27;
	v27 =	vld.idx.msk [tilespmem:v55+s30+$0x0], $0xffff  }
0x313: {  	v10 =	vld.idx.msk [tilespmem:v10+s31+$0x0], $0xffff  }
0x314: {  	vm1 =	vge.f32 v31, v59;
	v19 =	vld.idx.msk [tilespmem:v26+s30+$0x0], $0xffff  }
0x315: {  	[tilespmem:s28+$0xFFFFFFE0] =	vst v41;
	v16 =	vld.idx.msk [tilespmem:v16+s31+$0x0], $0xffff;
	v25 =	vsel vm1, v49, v37;
	vm1 =	vge.f32 v30, v56  }
0x316: {  	[tilespmem:s28+$0x0] =	vst v40;
	vm2 =	vge.f32 v20, v23;
	v30 =	vsel vm1, v57, v48;
	v29 =	vld.idx.msk [tilespmem:v12+s30+$0x0], $0xffff  }
0x317: {  	[tilespmem:s8+$0xFFFFFFD0] =	vst v43;
	vm1 =	vge.f32 v22, v21;
	v14 =	vld.idx.msk [tilespmem:v14+s31+$0x0], $0xffff;
	v21 =	vsel vm2, v62, v42  }
0x318: {  	[tilespmem:s8+$0x20] =	vst v28;
	v9 =	vld.idx.msk [tilespmem:v9+s31+$0x0], $0xffff;
	v20 =	vsel vm1, v60, v33;
	vm1 =	vge.f32 v15, v8  }
0x319: {  	v8 =	vld.idx.msk [tilespmem:v18+s31+$0x0], $0xffff;
	[tilespmem:s8+$0x30] =	vst v10;
	v10 =	vsel vm1, v52, v34;
	vm1 =	vge.f32 v17, v19  }
0x31a: {  	[tilespmem:s8+$0xFFFFFFC0] =	vst v13;
	vm2 =	vge.f32 v11, v27;
	v15 =	vld.idx.msk [tilespmem:v25+s31+$0x0], $0xffff;
	v11 =	vsel vm1, v26, v24  }
0x31b: {  	[tilespmem:s8+$0x10] =	vst v16;
	v16 =	vsel vm2, v55, v58;
	v13 =	vld.idx.msk [tilespmem:v30+s31+$0x0], $0xffff;
	vm1 =	vge.f32 v35, v29  }
0x31c: {  	[tilespmem:s8+$0xFFFFFFE0] =	vst v14;
	v14 =	vld.idx.msk [tilespmem:v21+s31+$0x0], $0xffff;
	v12 =	vsel vm1, v12, v32  }
0x31d: {  	[tilespmem:s8+$0xFFFFFFF0] =	vst v9;
	v9 =	vld.idx.msk [tilespmem:v20+s31+$0x0], $0xffff  }
0x31e: {  	s6 =	sadd.s32 $0x80, s7;
	[tilespmem:s8+$0x0] =	vst v8;
	v8 =	vld.idx.msk [tilespmem:v10+s31+$0x0], $0xffff  }
0x31f: {  	[tilespmem:s6+$0xFFFFFFD0] =	vst v15;
	v10 =	vld.idx.msk [tilespmem:v11+s31+$0x0], $0xffff  }
0x320: {  	[tilespmem:s6+$0x20] =	vst v13;
	v11 =	vld.idx.msk [tilespmem:v16+s31+$0x0], $0xffff  }
0x321: {  	[tilespmem:s6+$0x10] =	vst v14;
	v12 =	vld.idx.msk [tilespmem:v12+s31+$0x0], $0xffff  }
0x322: {  	[tilespmem:s6+$0x30] =	vst v9  }
0x323: {  	[tilespmem:s6+$0xFFFFFFC0] =	vst v8  }
0x324: {  	[tilespmem:s6+$0xFFFFFFF0] =	vst v10  }
0x325: {  	[tilespmem:s6+$0xFFFFFFE0] =	vst v11  }
0x326: {  	[tilespmem:s6+$0x0] =	vst v12  }
0x327: {  	s6 =	rddreg [dreg:$0x10]  }
0x328: {  	[hbm4b:s6+s5] =	stream.linear.scatter [tilespmem:s0], [sflag:$0x3], $0x4000, $0x38;
	[tilespmem:$0x10280] =	vst v63  }
0x329: {  	s16 =	rddreg [dreg:$0x11]  }
0x32a: {  	[tilespmem:s23], [sflag:$0x1] =	stream.linear.gather [hbm4b:s16+s5], $0x4000, $0x38;
	[tilespmem:$0x10280] =	vst v63  }
0x32b: {  	_ =	swait.ge [sflag:s4], $0x4000  }
0x32c: {  	[sflag:s4] =	ssyncset.done $0x0  }
0x32d: {  	[sflag:s4] =	ssyncadd.s32 $0xFFFFC000  }
0x32e: {  	_ =	swait.ge [sflag:s3], $0x4000  }
0x32f: {  	[sflag:s3] =	ssyncset.done $0x0  }
0x330: {  	s17 =	simm.s32 $0x42C0;
	[sflag:s3] =	ssyncadd.s32 $0xFFFFC000  }
0x331: {  	v25 =	vld [tilespmem:s17+$0xFFFFFFC0]  }
0x332: {  	v17 =	vld [tilespmem:s17+$0x30]  }
0x333: {  	v13 =	vld [tilespmem:s17+$0xFFFFFFD0]  }
0x334: {  	v15 =	vld [tilespmem:s17+$0x10]  }
0x335: {  	s18 =	simm.s32 $0x4340;
	v18 =	vld [tilespmem:s17+$0xFFFFFFE0]  }
0x336: {  	v42 =	vld [tilespmem:s18+$0xFFFFFFD0];
	_ =	sdelay $0x1  }
0x337: {  	v11 =	vld [tilespmem:s17+$0x20];
	vm1 =	vge.f32 v25, v7  }
0x338: {  	vm2 =	vge.f32 v25, v5;
	vm3 =	vge.f32 v17, v5;
	vm4 =	vge.f32 v17, v6  }
0x339: {  	v30 =	vld [tilespmem:s17+$0x0];
	vm5 =	vge.f32 v15, v5;
	vm6 =	vge.f32 v15, v7;
	vm12 =	vge.f32 v15, v6  }
0x33a: {  	vm13 =	vge.f32 v18, v5;
	vm14 =	vge.f32 v13, v5;
	vm15 =	vge.f32 v42, v5  }
0x33b: {  	v33 =	vld [tilespmem:s17+$0xFFFFFFF0];
	v8 =	vsel vm1, $0x6, v3;
	vm1 =	vge.f32 v17, v7;
	v10 =	vsel vm2, $0x2, v4  }
0x33c: {  	v12 =	vsel vm3, $0x2, v4;
	vm2 =	vge.f32 v11, v6;
	vm3 =	vge.f32 v11, v7  }
0x33d: {  	v16 =	vsel vm14, $0x2, v4;
	v9 =	vsel vm1, $0x6, v3;
	vm1 =	vge.f32 v25, v6  }
0x33e: {  	v19 =	vsel vm3, $0x6, v3;
	vm3 =	vge.f32 v30, v5;
	v32 =	vsel vm1, v8, v10  }
0x33f: {  	v27 =	vsel vm4, v9, v12;
	vm1 =	vge.f32 v11, v5;
	vm4 =	vge.f32 v13, v6  }
0x340: {  	v9 =	vsel vm6, $0x6, v3;
	vm6 =	vge.f32 v33, v6;
	v12 =	vsel vm5, $0x2, v4  }
0x341: {  	vm5 =	vge.f32 v18, v7;
	v8 =	vsel vm1, $0x2, v4;
	vm1 =	vge.f32 v13, v7  }
0x342: {  	v10 =	vsel vm5, $0x6, v3;
	vm5 =	vge.f32 v33, v5;
	v28 =	vsel vm12, v9, v12  }
0x343: {  	v35 =	vor.u32 $0x1, v32;
	v31 =	vor.u32 $0x1, v27;
	v14 =	vsel vm1, $0x6, v3  }
0x344: {  	v19 =	vsel vm2, v19, v8;
	vm1 =	vge.f32 v18, v6;
	vm2 =	vge.f32 v33, v7  }
0x345: {  	v12 =	vld [tilespmem:s18+$0x10];
	v14 =	vsel vm4, v14, v16;
	v16 =	vsel vm13, $0x2, v4;
	v22 =	vor.u32 $0x1, v19  }
0x346: {  	v8 =	vld [tilespmem:s18+$0xFFFFFFC0];
	vm4 =	vge.f32 v30, v6;
	v21 =	vsel vm2, $0x6, v3;
	v20 =	vor.u32 $0x1, v14  }
0x347: {  	v37 =	vld [tilespmem:s18+$0x20];
	v34 =	vsel vm1, v10, v16;
	v16 =	vsel vm5, $0x2, v4;
	vm1 =	vge.f32 v30, v7  }
0x348: {  	v10 =	vld [tilespmem:s18+$0x30];
	v36 =	vsel vm6, v21, v16;
	v9 =	vsel vm1, $0x6, v3;
	v21 =	vsel vm3, $0x2, v4  }
0x349: {  	v40 =	vor.u32 $0x1, v28;
	vm5 =	vge.f32 v42, v6;
	v41 =	vsel vm4, v9, v21;
	v21 =	vld [tilespmem:s18+$0xFFFFFFF0]  }
0x34a: {  	v38 =	vor.u32 $0x1, v34;
	v39 =	vor.u32 $0x1, v36;
	vm6 =	vge.f32 v12, v5;
	v57 =	vld.idx.msk [tilespmem:v22+s30+$0x0], $0xffff  }
0x34b: {  	vm12 =	vge.f32 v12, v7;
	vm1 =	vge.f32 v8, v7;
	vm2 =	vge.f32 v8, v5;
	v16 =	vld.idx.msk [tilespmem:v20+s30+$0x0], $0xffff  }
0x34c: {  	v43 =	vor.u32 $0x1, v41;
	v23 =	vsel vm1, $0x6, v3;
	v26 =	vsel vm2, $0x2, v4  }
0x34d: {  	v9 =	vld [tilespmem:s18+$0xFFFFFFE0];
	vm1 =	vge.f32 v10, v7;
	vm3 =	vge.f32 v10, v5;
	vm4 =	vge.f32 v10, v6  }
0x34e: {  	v24 =	vsel vm1, $0x6, v3;
	vm1 =	vge.f32 v8, v6;
	v29 =	vsel vm3, $0x2, v4  }
0x34f: {  	vm3 =	vge.f32 v37, v6;
	vm13 =	vge.f32 v21, v6;
	vm14 =	vge.f32 v11, v57  }
0x350: {  	v58 =	vld.idx.msk [tilespmem:v35+s30+$0x0], $0xffff;
	vm2 =	vge.f32 v13, v16;
	v13 =	vsel vm1, v23, v26;
	v16 =	vsel vm4, v24, v29  }
0x351: {  	v56 =	vld.idx.msk [tilespmem:v31+s30+$0x0], $0xffff;
	vm4 =	vge.f32 v37, v7;
	vm1 =	vge.f32 v12, v6;
	v24 =	vsel vm12, $0x6, v3  }
0x352: {  	v59 =	vld.idx.msk [tilespmem:v40+s30+$0x0], $0xffff;
	v29 =	vsel vm6, $0x2, v4;
	vm6 =	vge.f32 v9, v5;
	vm12 =	vge.f32 v9, v7  }
0x353: {  	v23 =	vld.idx.msk [tilespmem:v38+s30+$0x0], $0xffff;
	v19 =	vsel vm14, v22, v19;
	v22 =	vsel vm15, $0x2, v4;
	v20 =	vsel vm2, v20, v14  }
0x354: {  	v53 =	vld.idx.msk [tilespmem:v39+s30+$0x0], $0xffff;
	vm2 =	vge.f32 v37, v5;
	v60 =	vsel vm12, $0x6, v3;
	v62 =	vsel vm4, $0x6, v3  }
0x355: {  	v14 =	vld [tilespmem:s18+$0x0];
	v24 =	vsel vm1, v24, v29;
	v26 =	vsel vm2, $0x2, v4;
	vm2 =	vge.f32 v42, v7  }
0x356: {  	s6 =	simm.s32 $0x43C0;
	v61 =	vld.idx.msk [tilespmem:v43+s30+$0x0], $0xffff;
	v11 =	vsel vm2, $0x6, v3;
	v51 =	vsel vm3, v62, v26;
	vm2 =	vge.f32 v9, v6  }
0x357: {  	vm3 =	vge.f32 v21, v7;
	v26 =	vor.u32 $0x1, v13;
	v50 =	vsel vm5, v11, v22;
	v11 =	vld [tilespmem:s6+$0xFFFFFFE0]  }
0x358: {  	v22 =	vld [tilespmem:s6+$0x30];
	v54 =	vor.u32 $0x1, v51;
	v52 =	vor.u32 $0x1, v50;
	vm12 =	vge.f32 v18, v23  }
0x359: {  	v23 =	vsel vm3, $0x6, v3;
	vm3 =	vge.f32 v15, v59;
	v63 =	vld.idx.msk [tilespmem:v20+s31+$0x0], $0xffff;
	v20 =	vsel vm6, $0x2, v4  }
0x35a: {  	v46 =	vld.idx.msk [tilespmem:v19+s31+$0x0], $0xffff;
	vm4 =	vge.f32 v14, v5;
	vm5 =	vge.f32 v14, v6;
	vm6 =	vge.f32 v21, v5  }
0x35b: {  	v15 =	vld [tilespmem:s6+$0xFFFFFFC0];
	vm1 =	vge.f32 v14, v7;
	v18 =	vsel vm2, v60, v20;
	v20 =	vsel vm6, $0x2, v4  }
0x35c: {  	v40 =	vsel vm3, v40, v28;
	vm2 =	vge.f32 v17, v56;
	v23 =	vsel vm13, v23, v20;
	v20 =	vld [tilespmem:s6+$0x10]  }
0x35d: {  	v28 =	vor.u32 $0x1, v24;
	v17 =	vsel vm1, $0x6, v3;
	v48 =	vsel vm2, v31, v27;
	v31 =	vld [tilespmem:s6+$0xFFFFFFD0]  }
0x35e: {  	vm1 =	vge.f32 v25, v58;
	v19 =	vor.u32 $0x1, v18;
	vm2 =	vge.f32 v30, v61;
	v30 =	vld [tilespmem:s6+$0x20]  }
0x35f: {  	v27 =	vsel vm4, $0x2, v4;
	v35 =	vsel vm1, v35, v32;
	v32 =	vld.idx.msk [tilespmem:v26+s30+$0x0], $0xffff;
	v29 =	vor.u32 $0x1, v23  }
0x360: {  	v27 =	vsel vm5, v17, v27;
	v17 =	vld [tilespmem:s6+$0xFFFFFFF0];
	vm1 =	vge.f32 v22, v7;
	vm5 =	vge.f32 v22, v5  }
0x361: {  	v55 =	vld.idx.msk [tilespmem:v54+s30+$0x0], $0xffff;
	v61 =	vsel vm2, v43, v41;
	vm3 =	vge.f32 v15, v5;
	vm4 =	vge.f32 v15, v7  }
0x362: {  	v57 =	vld.idx.msk [tilespmem:v52+s30+$0x0], $0xffff;
	v59 =	vsel vm1, $0x6, v3;
	v58 =	vsel vm4, $0x6, v3;
	vm4 =	vge.f32 v33, v53  }
0x363: {  	vm1 =	vge.f32 v15, v6;
	v25 =	vor.u32 $0x1, v27;
	v53 =	vld.idx.msk [tilespmem:v40+s31+$0x0], $0xffff;
	v39 =	vsel vm4, v39, v36  }
0x364: {  	s28 =	simm.s32 $0xC2C0;
	v62 =	vsel vm5, $0x2, v4;
	v60 =	vsel vm3, $0x2, v4;
	v47 =	vld.idx.msk [tilespmem:v48+s31+$0x0], $0xffff;
	v48 =	vsel vm12, v38, v34  }
0x365: {  	[tilespmem:s28+$0xFFFFFFD0] =	vst v63;
	v45 =	vld.idx.msk [tilespmem:v28+s30+$0x0], $0xffff;
	vm4 =	vge.f32 v22, v6;
	v36 =	vor.u32 $0x1, v16;
	v34 =	vsel vm1, v58, v60  }
0x366: {  	v63 =	vld.idx.msk [tilespmem:v35+s31+$0x0], $0xffff;
	v33 =	vsel vm4, v59, v62;
	vm1 =	vge.f32 v30, v5;
	vm14 =	vge.f32 v30, v6  }
0x367: {  	v38 =	vld.idx.msk [tilespmem:v19+s30+$0x0], $0xffff;
	vm15 =	vge.f32 v31, v6;
	vm3 =	vge.f32 v20, v5;
	vm2 =	vge.f32 v42, v57  }
0x368: {  	vm4 =	vge.f32 v20, v7;
	vm12 =	vge.f32 v20, v6;
	v52 =	vsel vm2, v52, v50;
	v56 =	vld.idx.msk [tilespmem:v39+s31+$0x0], $0xffff  }
0x369: {  	[tilespmem:s28+$0x20] =	vst v46;
	vm6 =	vge.f32 v31, v5;
	vm13 =	vge.f32 v17, v6;
	v44 =	vsel vm3, $0x2, v4;
	v41 =	vld.idx.msk [tilespmem:v48+s31+$0x0], $0xffff  }
0x36a: {  	v40 =	vld.idx.msk [tilespmem:v61+s31+$0x0], $0xffff;
	vm3 =	vge.f32 v11, v7;
	vm5 =	vge.f32 v37, v55;
	v42 =	vsel vm4, $0x6, v3;
	[tilespmem:s28+$0x10] =	vst v53  }
0x36b: {  	v35 =	vld [tilespmem:s6+$0x0];
	vm4 =	vge.f32 v31, v7;
	v46 =	vsel vm3, $0x6, v3;
	vm2 =	vge.f32 v30, v7;
	[tilespmem:s28+$0x30] =	vst v47  }
0x36c: {  	v37 =	vsel vm4, $0x6, v3;
	v50 =	vsel vm6, $0x2, v4;
	v39 =	vld.idx.msk [tilespmem:v25+s30+$0x0], $0xffff;
	[tilespmem:s28+$0xFFFFFFC0] =	vst v63;
	v47 =	vsel vm5, v54, v51  }
0x36d: {  	s9 =	simm.s32 $0x100;
	s7 =	simm.s32 $0xC340;
	s8 =	simm.s32 $0xC340;
	v49 =	vsel vm2, $0x6, v3;
	v48 =	vsel vm1, $0x2, v4;
	vm1 =	vge.f32 v11, v5;
	v43 =	vld.idx.msk [tilespmem:v52+s31+$0x0], $0xffff;
	[tilespmem:s28+$0xFFFFFFF0] =	vst v56  }
.LBB2_12:
0x36e: {  	s9 =	sadd.s32 $0x80, s9;
	v50 =	vsel vm15, v37, v50;
	v51 =	vsel vm1, $0x2, v4;
	v37 =	vsel vm14, v49, v48;
	v48 =	vld.idx.msk [tilespmem:v36+s30+$0x0], $0xffff;
	s7 =	sadd.s32 $0x80, s7;
	[tilespmem:s28+$0xFFFFFFE0] =	vst v41  }
0x36f: {  	vm3 =	vge.f32 v11, v6;
	s6 =	sadd.s32 $0x80, s6;
	vm14 =	vge.f32 v9, v38;
	p0 =	slt.u32 s9, $0x3F80;
	v41 =	vor.u32 $0x1, v50;
	v38 =	vld.idx.msk [tilespmem:v29+s30+$0x0], $0xffff;
	[tilespmem:s28+$0x0] =	vst v40;
	s28 =	smov.u32 s8  }
0x370: {  	vm2 =	vge.f32 v17, v7;
	v9 =	vmovc v11;
	s8 =	smov.u32 s7;
	vm1 =	vge.f32 v35, v5;
	vm15 =	vge.f32 v35, v6;
	v11 =	vld [tilespmem:s6+$0xFFFFFFE0]  }
0x371: {  	vm4 =	vge.f32 v17, v5;
	v40 =	vsel vm2, $0x6, v3;
	vm2 =	vge.f32 v12, v45;
	v12 =	vmovc v20;
	v45 =	vld.idx.msk [tilespmem:v47+s31+$0x0], $0xffff  }
0x372: {  	v42 =	vsel vm12, v42, v44;
	v44 =	vmovc v27;
	v49 =	vmovc v30;
	v46 =	vsel vm3, v46, v51;
	v20 =	vsel vm4, $0x2, v4;
	v47 =	vld [tilespmem:s6+$0xFFFFFFC0]  }
0x373: {  	v52 =	vor.u32 $0x1, v34;
	v53 =	vor.u32 $0x1, v46;
	v40 =	vsel vm13, v40, v20;
	v51 =	vld [tilespmem:s6+$0x30];
	[tilespmem:s28+$0xFFFFFFD0] =	vst v43;
	v43 =	vmovc v13;
	v13 =	vmovc v34  }
0x374: {  	vm3 =	vge.f32 v35, v7;
	v54 =	vor.u32 $0x1, v40;
	vm4 =	vge.f32 v10, v48;
	v10 =	vmovc v22;
	v34 =	vld.idx.msk [tilespmem:v41+s30+$0x0], $0xffff  }
0x375: {  	v30 =	vmovc v14;
	v55 =	vor.u32 $0x1, v37;
	v22 =	vsel vm3, $0x6, v3;
	v36 =	vsel vm4, v36, v16;
	v16 =	vmovc v33;
	v20 =	vld [tilespmem:s6+$0x10]  }
0x376: {  	v14 =	vmovc v35;
	v27 =	vsel vm1, $0x2, v4;
	v33 =	vsel vm2, v28, v24;
	v28 =	vor.u32 $0x1, v42;
	v24 =	vmovc v42;
	v56 =	vld [tilespmem:s6+$0xFFFFFFD0]  }
0x377: {  	vm1 =	vge.f32 v8, v32;
	v27 =	vsel vm15, v22, v27;
	vm2 =	vge.f32 v30, v39;
	v57 =	vld [tilespmem:s6+$0xFFFFFFF0];
	[tilespmem:s28+$0x20] =	vst v45  }
0x378: {  	v8 =	vmovc v15;
	v35 =	vsel vm1, v26, v43;
	vm3 =	vge.f32 v47, v5;
	vm4 =	vge.f32 v47, v7;
	v30 =	vld [tilespmem:s6+$0x20]  }
0x379: {  	v15 =	vmovc v47;
	v39 =	vsel vm4, $0x6, v3;
	vm1 =	vge.f32 v51, v7;
	vm4 =	vge.f32 v21, v38;
	v32 =	vld.idx.msk [tilespmem:v52+s30+$0x0], $0xffff  }
0x37a: {  	vm5 =	vge.f32 v51, v5;
	v22 =	vmovc v51;
	v21 =	vsel vm1, $0x6, v3;
	v29 =	vsel vm4, v29, v23;
	v43 =	vld.idx.msk [tilespmem:v36+s31+$0x0], $0xffff  }
0x37b: {  	v42 =	vsel vm14, v19, v18;
	vm1 =	vge.f32 v15, v6;
	vm4 =	vge.f32 v22, v6;
	v47 =	vld.idx.msk [tilespmem:v33+s31+$0x0], $0xffff  }
0x37c: {  	v18 =	vmovc v46;
	v26 =	vmovc v52;
	v44 =	vsel vm2, v25, v44;
	v25 =	vor.u32 $0x1, v27;
	v33 =	vsel vm3, $0x2, v4;
	v51 =	vld.idx.msk [tilespmem:v55+s30+$0x0], $0xffff  }
0x37d: {  	v19 =	vmovc v53;
	v38 =	vsel vm5, $0x2, v4;
	vm2 =	vge.f32 v31, v34;
	v23 =	vmovc v40;
	v36 =	vor.u32 $0x1, v16;
	v31 =	vld.idx.msk [tilespmem:v35+s31+$0x0], $0xffff  }
0x37e: {  	v34 =	vsel vm1, v39, v33;
	v33 =	vsel vm4, v21, v38;
	v21 =	vsel vm2, v41, v50;
	v38 =	vld.idx.msk [tilespmem:v53+s30+$0x0], $0xffff  }
0x37f: {  	vm1 =	vge.f32 v30, v5;
	vm14 =	vge.f32 v30, v6;
	vm2 =	vge.f32 v30, v7;
	v52 =	vld.idx.msk [tilespmem:v29+s31+$0x0], $0xffff  }
0x380: {  	vm15 =	vge.f32 v56, v6;
	vm3 =	vge.f32 v20, v5;
	vm4 =	vge.f32 v20, v7;
	v41 =	vld.idx.msk [tilespmem:v42+s31+$0x0], $0xffff  }
.Ltmp5:
0x381: {  	vm12 =	vge.f32 v20, v6;
	v48 =	vsel vm1, $0x2, v4;
	v29 =	vmovc v54;
	v42 =	vsel vm4, $0x6, v3;
	v40 =	vld.idx.msk [tilespmem:v44+s31+$0x0], $0xffff;
	[tilespmem:s28+$0x30] =	vst v43;
	(pc) =	sbr.rel @p0 .LBB2_12-.Ltmp5, $4  }
0x382: {  	vm13 =	vge.f32 v57, v6;
	vm4 =	vge.f32 v56, v7;
	v44 =	vsel vm3, $0x2, v4;
	v45 =	vld.idx.msk [tilespmem:v28+s30+$0x0], $0xffff;
	[tilespmem:s28+$0x10] =	vst v47  }
0x383: {  	vm1 =	vge.f32 v11, v5;
	vm3 =	vge.f32 v11, v7;
	vm5 =	vge.f32 v49, v51;
	v35 =	vld [tilespmem:s6+$0x0];
	[tilespmem:s28+$0xFFFFFFC0] =	vst v31  }
0x384: {  	vm6 =	vge.f32 v56, v5;
	v46 =	vsel vm3, $0x6, v3;
	v47 =	vsel vm5, v55, v37;
	v31 =	vmovc v56;
	v39 =	vld.idx.msk [tilespmem:v25+s30+$0x0], $0xffff  }
0x385: {  	v50 =	vsel vm6, $0x2, v4;
	v49 =	vsel vm2, $0x6, v3;
	v37 =	vsel vm4, $0x6, v3;
	v43 =	vld.idx.msk [tilespmem:v21+s31+$0x0], $0xffff;
	[tilespmem:s28+$0xFFFFFFF0] =	vst v52;
	v21 =	vmovc v17;
	v17 =	vmovc v57  }
0x386: {  	_ =	sdelay $0x3  }
0x387: {  	v51 =	vld.idx.msk [tilespmem:v36+s30+$0x0], $0xffff;
	v37 =	vsel vm15, v37, v50;
	v56 =	vsel vm1, $0x2, v4;
	v52 =	vor.u32 $0x1, v34  }
0x388: {  	v48 =	vsel vm14, v49, v48;
	vm1 =	vge.f32 v11, v6;
	vm3 =	vge.f32 v17, v7  }
0x389: {  	v42 =	vsel vm12, v42, v44;
	v60 =	vor.u32 $0x1, v33;
	v49 =	vor.u32 $0x1, v37  }
0x38a: {  	vm4 =	vge.f32 v12, v45;
	v12 =	vld.idx.msk [tilespmem:v29+s30+$0x0], $0xffff;
	v57 =	vor.u32 $0x1, v48;
	v58 =	vsel vm1, v46, v56  }
0x38b: {  	v62 =	vor.u32 $0x1, v42;
	vm1 =	vge.f32 v8, v32;
	vm5 =	vge.f32 v35, v6  }
0x38c: {  	v13 =	vsel vm1, v26, v13;
	v55 =	vor.u32 $0x1, v58;
	vm2 =	vge.f32 v10, v51;
	v8 =	vld.idx.msk [tilespmem:v52+s30+$0x0], $0xffff  }
0x38d: {  	v10 =	vsel vm2, v36, v16;
	v16 =	vsel vm4, v28, v24;
	vm4 =	vge.f32 v17, v5;
	v28 =	vld.idx.msk [tilespmem:v47+s31+$0x0], $0xffff  }
0x38e: {  	vm2 =	vge.f32 v35, v5;
	v24 =	vsel vm3, $0x6, v3;
	v59 =	vld.idx.msk [tilespmem:v49+s30+$0x0], $0xffff;
	v61 =	vsel vm4, $0x2, v4  }
0x38f: {  	vm3 =	vge.f32 v35, v7;
	v56 =	vld.idx.msk [tilespmem:v57+s30+$0x0], $0xffff;
	vm1 =	vge.f32 v21, v12;
	v24 =	vsel vm13, v24, v61  }
0x390: {  	v21 =	vld.idx.msk [tilespmem:v60+s30+$0x0], $0xffff;
	v63 =	vsel vm3, $0x6, v3;
	v54 =	vsel vm2, $0x2, v4;
	v26 =	vor.u32 $0x1, v24  }
0x391: {  	vm2 =	vge.f32 v9, v38;
	v9 =	vsel vm1, v29, v23;
	v23 =	vld.idx.msk [tilespmem:v62+s30+$0x0], $0xffff;
	v32 =	vsel vm5, v63, v54  }
0x392: {  	vm1 =	vge.f32 v14, v39;
	v13 =	vld.idx.msk [tilespmem:v13+s31+$0x0], $0xffff;
	v12 =	vor.u32 $0x1, v32  }
0x393: {  	v14 =	vsel vm2, v19, v18;
	v18 =	vsel vm1, v25, v27;
	v27 =	vld.idx.msk [tilespmem:v55+s30+$0x0], $0xffff  }
0x394: {  	v10 =	vld.idx.msk [tilespmem:v10+s31+$0x0], $0xffff  }
0x395: {  	vm1 =	vge.f32 v31, v59;
	v19 =	vld.idx.msk [tilespmem:v26+s30+$0x0], $0xffff  }
0x396: {  	[tilespmem:s28+$0xFFFFFFE0] =	vst v41;
	v16 =	vld.idx.msk [tilespmem:v16+s31+$0x0], $0xffff;
	v25 =	vsel vm1, v49, v37;
	vm1 =	vge.f32 v30, v56  }
0x397: {  	[tilespmem:s28+$0x0] =	vst v40;
	vm2 =	vge.f32 v20, v23;
	v30 =	vsel vm1, v57, v48;
	v29 =	vld.idx.msk [tilespmem:v12+s30+$0x0], $0xffff  }
0x398: {  	[tilespmem:s8+$0xFFFFFFD0] =	vst v43;
	vm1 =	vge.f32 v22, v21;
	v14 =	vld.idx.msk [tilespmem:v14+s31+$0x0], $0xffff;
	v21 =	vsel vm2, v62, v42  }
0x399: {  	[tilespmem:s8+$0x20] =	vst v28;
	v9 =	vld.idx.msk [tilespmem:v9+s31+$0x0], $0xffff;
	v20 =	vsel vm1, v60, v33;
	vm1 =	vge.f32 v15, v8  }
0x39a: {  	v8 =	vld.idx.msk [tilespmem:v18+s31+$0x0], $0xffff;
	[tilespmem:s8+$0x30] =	vst v10;
	v10 =	vsel vm1, v52, v34;
	vm1 =	vge.f32 v17, v19  }
0x39b: {  	[tilespmem:s8+$0xFFFFFFC0] =	vst v13;
	vm2 =	vge.f32 v11, v27;
	v15 =	vld.idx.msk [tilespmem:v25+s31+$0x0], $0xffff;
	v11 =	vsel vm1, v26, v24  }
0x39c: {  	[tilespmem:s8+$0x10] =	vst v16;
	v16 =	vsel vm2, v55, v58;
	v13 =	vld.idx.msk [tilespmem:v30+s31+$0x0], $0xffff;
	vm1 =	vge.f32 v35, v29  }
0x39d: {  	[tilespmem:s8+$0xFFFFFFE0] =	vst v14;
	v14 =	vld.idx.msk [tilespmem:v21+s31+$0x0], $0xffff;
	v12 =	vsel vm1, v12, v32  }
0x39e: {  	[tilespmem:s8+$0xFFFFFFF0] =	vst v9;
	v9 =	vld.idx.msk [tilespmem:v20+s31+$0x0], $0xffff  }
0x39f: {  	s6 =	sadd.s32 $0x80, s7;
	[tilespmem:s8+$0x0] =	vst v8;
	v8 =	vld.idx.msk [tilespmem:v10+s31+$0x0], $0xffff  }
0x3a0: {  	[tilespmem:s6+$0xFFFFFFD0] =	vst v15;
	v10 =	vld.idx.msk [tilespmem:v11+s31+$0x0], $0xffff  }
0x3a1: {  	[tilespmem:s6+$0x20] =	vst v13;
	v11 =	vld.idx.msk [tilespmem:v16+s31+$0x0], $0xffff  }
0x3a2: {  	[tilespmem:s6+$0x10] =	vst v14;
	v12 =	vld.idx.msk [tilespmem:v12+s31+$0x0], $0xffff  }
0x3a3: {  	[tilespmem:s6+$0x30] =	vst v9  }
0x3a4: {  	[tilespmem:s6+$0xFFFFFFC0] =	vst v8  }
0x3a5: {  	[tilespmem:s6+$0xFFFFFFF0] =	vst v10  }
0x3a6: {  	[tilespmem:s6+$0xFFFFFFE0] =	vst v11  }
0x3a7: {  	[tilespmem:s6+$0x0] =	vst v12  }
0x3a8: {  	s6 =	rddreg [dreg:$0x12]  }
0x3a9: {  	[hbm4b:s6+s5] =	stream.linear.scatter [tilespmem:s1], [sflag:$0x4], $0x4000, $0x38;
	[tilespmem:$0x10280] =	vst v63  }
0x3aa: {  	_ = 	snop  }
0x3ab: {  	[tilespmem:s24], [sflag:$0x2] =	stream.linear.gather [hbm4b:s19+s5], $0x4000, $0x38;
	[tilespmem:$0x10280] =	vst v63  }
0x3ac: {  	_ =	swait.ge [sflag:s29], $0x4000  }
0x3ad: {  	[sflag:s29] =	ssyncset.done $0x0  }
0x3ae: {  	[sflag:s29] =	ssyncadd.s32 $0xFFFFC000  }
0x3af: {  	_ =	swait.ge [sflag:s2], $0x4000  }
0x3b0: {  	[sflag:s2] =	ssyncset.done $0x0  }
0x3b1: {  	s17 =	simm.s32 $0x2C0;
	[sflag:s2] =	ssyncadd.s32 $0xFFFFC000  }
0x3b2: {  	v25 =	vld [tilespmem:s17+$0xFFFFFFC0]  }
0x3b3: {  	v17 =	vld [tilespmem:s17+$0x30]  }
0x3b4: {  	v13 =	vld [tilespmem:s17+$0xFFFFFFD0]  }
0x3b5: {  	v15 =	vld [tilespmem:s17+$0x10]  }
0x3b6: {  	s18 =	simm.s32 $0x340;
	v18 =	vld [tilespmem:s17+$0xFFFFFFE0]  }
0x3b7: {  	v42 =	vld [tilespmem:s18+$0xFFFFFFD0];
	_ =	sdelay $0x1  }
0x3b8: {  	v11 =	vld [tilespmem:s17+$0x20];
	vm1 =	vge.f32 v25, v7  }
0x3b9: {  	vm2 =	vge.f32 v25, v5;
	vm3 =	vge.f32 v17, v5;
	vm4 =	vge.f32 v17, v6  }
0x3ba: {  	v30 =	vld [tilespmem:s17+$0x0];
	vm5 =	vge.f32 v15, v5;
	vm6 =	vge.f32 v15, v7;
	vm12 =	vge.f32 v15, v6  }
0x3bb: {  	vm13 =	vge.f32 v18, v5;
	vm14 =	vge.f32 v13, v5;
	vm15 =	vge.f32 v42, v5  }
0x3bc: {  	v33 =	vld [tilespmem:s17+$0xFFFFFFF0];
	v8 =	vsel vm1, $0x6, v3;
	vm1 =	vge.f32 v17, v7;
	v10 =	vsel vm2, $0x2, v4  }
0x3bd: {  	v12 =	vsel vm3, $0x2, v4;
	vm2 =	vge.f32 v11, v6;
	vm3 =	vge.f32 v11, v7  }
0x3be: {  	v16 =	vsel vm14, $0x2, v4;
	v9 =	vsel vm1, $0x6, v3;
	vm1 =	vge.f32 v25, v6  }
0x3bf: {  	v19 =	vsel vm3, $0x6, v3;
	vm3 =	vge.f32 v30, v5;
	v32 =	vsel vm1, v8, v10  }
0x3c0: {  	v27 =	vsel vm4, v9, v12;
	vm1 =	vge.f32 v11, v5;
	vm4 =	vge.f32 v13, v6  }
0x3c1: {  	v9 =	vsel vm6, $0x6, v3;
	vm6 =	vge.f32 v33, v6;
	v12 =	vsel vm5, $0x2, v4  }
0x3c2: {  	vm5 =	vge.f32 v18, v7;
	v8 =	vsel vm1, $0x2, v4;
	vm1 =	vge.f32 v13, v7  }
0x3c3: {  	v10 =	vsel vm5, $0x6, v3;
	vm5 =	vge.f32 v33, v5;
	v28 =	vsel vm12, v9, v12  }
0x3c4: {  	v35 =	vor.u32 $0x1, v32;
	v31 =	vor.u32 $0x1, v27;
	v14 =	vsel vm1, $0x6, v3  }
0x3c5: {  	v19 =	vsel vm2, v19, v8;
	vm1 =	vge.f32 v18, v6;
	vm2 =	vge.f32 v33, v7  }
0x3c6: {  	v12 =	vld [tilespmem:s18+$0x10];
	v14 =	vsel vm4, v14, v16;
	v16 =	vsel vm13, $0x2, v4;
	v22 =	vor.u32 $0x1, v19  }
0x3c7: {  	v8 =	vld [tilespmem:s18+$0xFFFFFFC0];
	vm4 =	vge.f32 v30, v6;
	v21 =	vsel vm2, $0x6, v3;
	v20 =	vor.u32 $0x1, v14  }
0x3c8: {  	v37 =	vld [tilespmem:s18+$0x20];
	v34 =	vsel vm1, v10, v16;
	v16 =	vsel vm5, $0x2, v4;
	vm1 =	vge.f32 v30, v7  }
0x3c9: {  	v10 =	vld [tilespmem:s18+$0x30];
	v36 =	vsel vm6, v21, v16;
	v9 =	vsel vm1, $0x6, v3;
	v21 =	vsel vm3, $0x2, v4  }
0x3ca: {  	v40 =	vor.u32 $0x1, v28;
	vm5 =	vge.f32 v42, v6;
	v41 =	vsel vm4, v9, v21;
	v21 =	vld [tilespmem:s18+$0xFFFFFFF0]  }
0x3cb: {  	v38 =	vor.u32 $0x1, v34;
	v39 =	vor.u32 $0x1, v36;
	vm6 =	vge.f32 v12, v5;
	v57 =	vld.idx.msk [tilespmem:v22+s30+$0x0], $0xffff  }
0x3cc: {  	vm12 =	vge.f32 v12, v7;
	vm1 =	vge.f32 v8, v7;
	vm2 =	vge.f32 v8, v5;
	v16 =	vld.idx.msk [tilespmem:v20+s30+$0x0], $0xffff  }
0x3cd: {  	v43 =	vor.u32 $0x1, v41;
	v23 =	vsel vm1, $0x6, v3;
	v26 =	vsel vm2, $0x2, v4  }
0x3ce: {  	v9 =	vld [tilespmem:s18+$0xFFFFFFE0];
	vm1 =	vge.f32 v10, v7;
	vm3 =	vge.f32 v10, v5;
	vm4 =	vge.f32 v10, v6  }
0x3cf: {  	v24 =	vsel vm1, $0x6, v3;
	vm1 =	vge.f32 v8, v6;
	v29 =	vsel vm3, $0x2, v4  }
0x3d0: {  	vm3 =	vge.f32 v37, v6;
	vm13 =	vge.f32 v21, v6;
	vm14 =	vge.f32 v11, v57  }
0x3d1: {  	v58 =	vld.idx.msk [tilespmem:v35+s30+$0x0], $0xffff;
	vm2 =	vge.f32 v13, v16;
	v13 =	vsel vm1, v23, v26;
	v16 =	vsel vm4, v24, v29  }
0x3d2: {  	v56 =	vld.idx.msk [tilespmem:v31+s30+$0x0], $0xffff;
	vm4 =	vge.f32 v37, v7;
	vm1 =	vge.f32 v12, v6;
	v24 =	vsel vm12, $0x6, v3  }
0x3d3: {  	v59 =	vld.idx.msk [tilespmem:v40+s30+$0x0], $0xffff;
	v29 =	vsel vm6, $0x2, v4;
	vm6 =	vge.f32 v9, v5;
	vm12 =	vge.f32 v9, v7  }
0x3d4: {  	v23 =	vld.idx.msk [tilespmem:v38+s30+$0x0], $0xffff;
	v19 =	vsel vm14, v22, v19;
	v22 =	vsel vm15, $0x2, v4;
	v20 =	vsel vm2, v20, v14  }
0x3d5: {  	v53 =	vld.idx.msk [tilespmem:v39+s30+$0x0], $0xffff;
	vm2 =	vge.f32 v37, v5;
	v60 =	vsel vm12, $0x6, v3;
	v62 =	vsel vm4, $0x6, v3  }
0x3d6: {  	v14 =	vld [tilespmem:s18+$0x0];
	v24 =	vsel vm1, v24, v29;
	v26 =	vsel vm2, $0x2, v4;
	vm2 =	vge.f32 v42, v7  }
0x3d7: {  	s6 =	simm.s32 $0x3C0;
	v61 =	vld.idx.msk [tilespmem:v43+s30+$0x0], $0xffff;
	v11 =	vsel vm2, $0x6, v3;
	v51 =	vsel vm3, v62, v26;
	vm2 =	vge.f32 v9, v6  }
0x3d8: {  	vm3 =	vge.f32 v21, v7;
	v26 =	vor.u32 $0x1, v13;
	v50 =	vsel vm5, v11, v22;
	v11 =	vld [tilespmem:s6+$0xFFFFFFE0]  }
0x3d9: {  	v22 =	vld [tilespmem:s6+$0x30];
	v54 =	vor.u32 $0x1, v51;
	v52 =	vor.u32 $0x1, v50;
	vm12 =	vge.f32 v18, v23  }
0x3da: {  	v23 =	vsel vm3, $0x6, v3;
	vm3 =	vge.f32 v15, v59;
	v63 =	vld.idx.msk [tilespmem:v20+s31+$0x0], $0xffff;
	v20 =	vsel vm6, $0x2, v4  }
0x3db: {  	v46 =	vld.idx.msk [tilespmem:v19+s31+$0x0], $0xffff;
	vm4 =	vge.f32 v14, v5;
	vm5 =	vge.f32 v14, v6;
	vm6 =	vge.f32 v21, v5  }
0x3dc: {  	v15 =	vld [tilespmem:s6+$0xFFFFFFC0];
	vm1 =	vge.f32 v14, v7;
	v18 =	vsel vm2, v60, v20;
	v20 =	vsel vm6, $0x2, v4  }
0x3dd: {  	v40 =	vsel vm3, v40, v28;
	vm2 =	vge.f32 v17, v56;
	v23 =	vsel vm13, v23, v20;
	v20 =	vld [tilespmem:s6+$0x10]  }
0x3de: {  	v28 =	vor.u32 $0x1, v24;
	v17 =	vsel vm1, $0x6, v3;
	v48 =	vsel vm2, v31, v27;
	v31 =	vld [tilespmem:s6+$0xFFFFFFD0]  }
0x3df: {  	vm1 =	vge.f32 v25, v58;
	v19 =	vor.u32 $0x1, v18;
	vm2 =	vge.f32 v30, v61;
	v30 =	vld [tilespmem:s6+$0x20]  }
0x3e0: {  	v27 =	vsel vm4, $0x2, v4;
	v35 =	vsel vm1, v35, v32;
	v32 =	vld.idx.msk [tilespmem:v26+s30+$0x0], $0xffff;
	v29 =	vor.u32 $0x1, v23  }
0x3e1: {  	v27 =	vsel vm5, v17, v27;
	v17 =	vld [tilespmem:s6+$0xFFFFFFF0];
	vm1 =	vge.f32 v22, v7;
	vm5 =	vge.f32 v22, v5  }
0x3e2: {  	v55 =	vld.idx.msk [tilespmem:v54+s30+$0x0], $0xffff;
	v61 =	vsel vm2, v43, v41;
	vm3 =	vge.f32 v15, v5;
	vm4 =	vge.f32 v15, v7  }
0x3e3: {  	v57 =	vld.idx.msk [tilespmem:v52+s30+$0x0], $0xffff;
	v59 =	vsel vm1, $0x6, v3;
	v58 =	vsel vm4, $0x6, v3;
	vm4 =	vge.f32 v33, v53  }
0x3e4: {  	vm1 =	vge.f32 v15, v6;
	v25 =	vor.u32 $0x1, v27;
	v53 =	vld.idx.msk [tilespmem:v40+s31+$0x0], $0xffff;
	v39 =	vsel vm4, v39, v36  }
0x3e5: {  	s28 =	simm.s32 $0x82C0;
	v62 =	vsel vm5, $0x2, v4;
	v60 =	vsel vm3, $0x2, v4;
	v47 =	vld.idx.msk [tilespmem:v48+s31+$0x0], $0xffff;
	v48 =	vsel vm12, v38, v34  }
0x3e6: {  	[tilespmem:s28+$0xFFFFFFD0] =	vst v63;
	v45 =	vld.idx.msk [tilespmem:v28+s30+$0x0], $0xffff;
	vm4 =	vge.f32 v22, v6;
	v36 =	vor.u32 $0x1, v16;
	v34 =	vsel vm1, v58, v60  }
0x3e7: {  	v63 =	vld.idx.msk [tilespmem:v35+s31+$0x0], $0xffff;
	v33 =	vsel vm4, v59, v62;
	vm1 =	vge.f32 v30, v5;
	vm14 =	vge.f32 v30, v6  }
0x3e8: {  	v38 =	vld.idx.msk [tilespmem:v19+s30+$0x0], $0xffff;
	vm15 =	vge.f32 v31, v6;
	vm3 =	vge.f32 v20, v5;
	vm2 =	vge.f32 v42, v57  }
0x3e9: {  	vm4 =	vge.f32 v20, v7;
	vm12 =	vge.f32 v20, v6;
	v52 =	vsel vm2, v52, v50;
	v56 =	vld.idx.msk [tilespmem:v39+s31+$0x0], $0xffff  }
0x3ea: {  	[tilespmem:s28+$0x20] =	vst v46;
	vm6 =	vge.f32 v31, v5;
	vm13 =	vge.f32 v17, v6;
	v44 =	vsel vm3, $0x2, v4;
	v41 =	vld.idx.msk [tilespmem:v48+s31+$0x0], $0xffff  }
0x3eb: {  	v40 =	vld.idx.msk [tilespmem:v61+s31+$0x0], $0xffff;
	vm3 =	vge.f32 v11, v7;
	vm5 =	vge.f32 v37, v55;
	v42 =	vsel vm4, $0x6, v3;
	[tilespmem:s28+$0x10] =	vst v53  }
0x3ec: {  	v35 =	vld [tilespmem:s6+$0x0];
	vm4 =	vge.f32 v31, v7;
	v46 =	vsel vm3, $0x6, v3;
	vm2 =	vge.f32 v30, v7;
	[tilespmem:s28+$0x30] =	vst v47  }
0x3ed: {  	v37 =	vsel vm4, $0x6, v3;
	v50 =	vsel vm6, $0x2, v4;
	v39 =	vld.idx.msk [tilespmem:v25+s30+$0x0], $0xffff;
	[tilespmem:s28+$0xFFFFFFC0] =	vst v63;
	v47 =	vsel vm5, v54, v51  }
0x3ee: {  	s9 =	simm.s32 $0x100;
	s7 =	simm.s32 $0x8340;
	s8 =	simm.s32 $0x8340;
	v49 =	vsel vm2, $0x6, v3;
	v48 =	vsel vm1, $0x2, v4;
	vm1 =	vge.f32 v11, v5;
	v43 =	vld.idx.msk [tilespmem:v52+s31+$0x0], $0xffff;
	[tilespmem:s28+$0xFFFFFFF0] =	vst v56  }
.LBB2_14:
0x3ef: {  	s9 =	sadd.s32 $0x80, s9;
	v50 =	vsel vm15, v37, v50;
	v51 =	vsel vm1, $0x2, v4;
	v37 =	vsel vm14, v49, v48;
	v48 =	vld.idx.msk [tilespmem:v36+s30+$0x0], $0xffff;
	s7 =	sadd.s32 $0x80, s7;
	[tilespmem:s28+$0xFFFFFFE0] =	vst v41  }
0x3f0: {  	vm3 =	vge.f32 v11, v6;
	s6 =	sadd.s32 $0x80, s6;
	vm14 =	vge.f32 v9, v38;
	p0 =	slt.u32 s9, $0x3F80;
	v41 =	vor.u32 $0x1, v50;
	v38 =	vld.idx.msk [tilespmem:v29+s30+$0x0], $0xffff;
	[tilespmem:s28+$0x0] =	vst v40;
	s28 =	smov.u32 s8  }
0x3f1: {  	vm2 =	vge.f32 v17, v7;
	v9 =	vmovc v11;
	s8 =	smov.u32 s7;
	vm1 =	vge.f32 v35, v5;
	vm15 =	vge.f32 v35, v6;
	v11 =	vld [tilespmem:s6+$0xFFFFFFE0]  }
0x3f2: {  	vm4 =	vge.f32 v17, v5;
	v40 =	vsel vm2, $0x6, v3;
	vm2 =	vge.f32 v12, v45;
	v12 =	vmovc v20;
	v45 =	vld.idx.msk [tilespmem:v47+s31+$0x0], $0xffff  }
0x3f3: {  	v42 =	vsel vm12, v42, v44;
	v44 =	vmovc v27;
	v49 =	vmovc v30;
	v46 =	vsel vm3, v46, v51;
	v20 =	vsel vm4, $0x2, v4;
	v47 =	vld [tilespmem:s6+$0xFFFFFFC0]  }
0x3f4: {  	v52 =	vor.u32 $0x1, v34;
	v53 =	vor.u32 $0x1, v46;
	v40 =	vsel vm13, v40, v20;
	v51 =	vld [tilespmem:s6+$0x30];
	[tilespmem:s28+$0xFFFFFFD0] =	vst v43;
	v43 =	vmovc v13;
	v13 =	vmovc v34  }
0x3f5: {  	vm3 =	vge.f32 v35, v7;
	v54 =	vor.u32 $0x1, v40;
	vm4 =	vge.f32 v10, v48;
	v10 =	vmovc v22;
	v34 =	vld.idx.msk [tilespmem:v41+s30+$0x0], $0xffff  }
0x3f6: {  	v30 =	vmovc v14;
	v55 =	vor.u32 $0x1, v37;
	v22 =	vsel vm3, $0x6, v3;
	v36 =	vsel vm4, v36, v16;
	v16 =	vmovc v33;
	v20 =	vld [tilespmem:s6+$0x10]  }
0x3f7: {  	v14 =	vmovc v35;
	v27 =	vsel vm1, $0x2, v4;
	v33 =	vsel vm2, v28, v24;
	v28 =	vor.u32 $0x1, v42;
	v24 =	vmovc v42;
	v56 =	vld [tilespmem:s6+$0xFFFFFFD0]  }
0x3f8: {  	vm1 =	vge.f32 v8, v32;
	v27 =	vsel vm15, v22, v27;
	vm2 =	vge.f32 v30, v39;
	v57 =	vld [tilespmem:s6+$0xFFFFFFF0];
	[tilespmem:s28+$0x20] =	vst v45  }
0x3f9: {  	v8 =	vmovc v15;
	v35 =	vsel vm1, v26, v43;
	vm3 =	vge.f32 v47, v5;
	vm4 =	vge.f32 v47, v7;
	v30 =	vld [tilespmem:s6+$0x20]  }
0x3fa: {  	v15 =	vmovc v47;
	v39 =	vsel vm4, $0x6, v3;
	vm1 =	vge.f32 v51, v7;
	vm4 =	vge.f32 v21, v38;
	v32 =	vld.idx.msk [tilespmem:v52+s30+$0x0], $0xffff  }
0x3fb: {  	vm5 =	vge.f32 v51, v5;
	v22 =	vmovc v51;
	v21 =	vsel vm1, $0x6, v3;
	v29 =	vsel vm4, v29, v23;
	v43 =	vld.idx.msk [tilespmem:v36+s31+$0x0], $0xffff  }
0x3fc: {  	v42 =	vsel vm14, v19, v18;
	vm1 =	vge.f32 v15, v6;
	vm4 =	vge.f32 v22, v6;
	v47 =	vld.idx.msk [tilespmem:v33+s31+$0x0], $0xffff  }
0x3fd: {  	v18 =	vmovc v46;
	v26 =	vmovc v52;
	v44 =	vsel vm2, v25, v44;
	v25 =	vor.u32 $0x1, v27;
	v33 =	vsel vm3, $0x2, v4;
	v51 =	vld.idx.msk [tilespmem:v55+s30+$0x0], $0xffff  }
0x3fe: {  	v19 =	vmovc v53;
	v38 =	vsel vm5, $0x2, v4;
	vm2 =	vge.f32 v31, v34;
	v23 =	vmovc v40;
	v36 =	vor.u32 $0x1, v16;
	v31 =	vld.idx.msk [tilespmem:v35+s31+$0x0], $0xffff  }
0x3ff: {  	v34 =	vsel vm1, v39, v33;
	v33 =	vsel vm4, v21, v38;
	v21 =	vsel vm2, v41, v50;
	v38 =	vld.idx.msk [tilespmem:v53+s30+$0x0], $0xffff  }
0x400: {  	vm1 =	vge.f32 v30, v5;
	vm14 =	vge.f32 v30, v6;
	vm2 =	vge.f32 v30, v7;
	v52 =	vld.idx.msk [tilespmem:v29+s31+$0x0], $0xffff  }
0x401: {  	vm15 =	vge.f32 v56, v6;
	vm3 =	vge.f32 v20, v5;
	vm4 =	vge.f32 v20, v7;
	v41 =	vld.idx.msk [tilespmem:v42+s31+$0x0], $0xffff  }
.Ltmp6:
0x402: {  	vm12 =	vge.f32 v20, v6;
	v48 =	vsel vm1, $0x2, v4;
	v29 =	vmovc v54;
	v42 =	vsel vm4, $0x6, v3;
	v40 =	vld.idx.msk [tilespmem:v44+s31+$0x0], $0xffff;
	[tilespmem:s28+$0x30] =	vst v43;
	(pc) =	sbr.rel @p0 .LBB2_14-.Ltmp6, $4  }
0x403: {  	vm13 =	vge.f32 v57, v6;
	vm4 =	vge.f32 v56, v7;
	v44 =	vsel vm3, $0x2, v4;
	v45 =	vld.idx.msk [tilespmem:v28+s30+$0x0], $0xffff;
	[tilespmem:s28+$0x10] =	vst v47  }
0x404: {  	vm1 =	vge.f32 v11, v5;
	vm3 =	vge.f32 v11, v7;
	vm5 =	vge.f32 v49, v51;
	v35 =	vld [tilespmem:s6+$0x0];
	[tilespmem:s28+$0xFFFFFFC0] =	vst v31  }
0x405: {  	vm6 =	vge.f32 v56, v5;
	v46 =	vsel vm3, $0x6, v3;
	v47 =	vsel vm5, v55, v37;
	v31 =	vmovc v56;
	v39 =	vld.idx.msk [tilespmem:v25+s30+$0x0], $0xffff  }
0x406: {  	v50 =	vsel vm6, $0x2, v4;
	v49 =	vsel vm2, $0x6, v3;
	v37 =	vsel vm4, $0x6, v3;
	v43 =	vld.idx.msk [tilespmem:v21+s31+$0x0], $0xffff;
	[tilespmem:s28+$0xFFFFFFF0] =	vst v52;
	v21 =	vmovc v17;
	v17 =	vmovc v57  }
0x407: {  	_ =	sdelay $0x3  }
0x408: {  	v51 =	vld.idx.msk [tilespmem:v36+s30+$0x0], $0xffff;
	v37 =	vsel vm15, v37, v50;
	v56 =	vsel vm1, $0x2, v4;
	v52 =	vor.u32 $0x1, v34  }
0x409: {  	v48 =	vsel vm14, v49, v48;
	vm1 =	vge.f32 v11, v6;
	vm3 =	vge.f32 v17, v7  }
0x40a: {  	v42 =	vsel vm12, v42, v44;
	v60 =	vor.u32 $0x1, v33;
	v49 =	vor.u32 $0x1, v37  }
0x40b: {  	vm4 =	vge.f32 v12, v45;
	v12 =	vld.idx.msk [tilespmem:v29+s30+$0x0], $0xffff;
	v57 =	vor.u32 $0x1, v48;
	v58 =	vsel vm1, v46, v56  }
0x40c: {  	v62 =	vor.u32 $0x1, v42;
	vm1 =	vge.f32 v8, v32;
	vm5 =	vge.f32 v35, v6  }
0x40d: {  	v13 =	vsel vm1, v26, v13;
	v55 =	vor.u32 $0x1, v58;
	vm2 =	vge.f32 v10, v51;
	v8 =	vld.idx.msk [tilespmem:v52+s30+$0x0], $0xffff  }
0x40e: {  	v10 =	vsel vm2, v36, v16;
	v16 =	vsel vm4, v28, v24;
	vm4 =	vge.f32 v17, v5;
	v28 =	vld.idx.msk [tilespmem:v47+s31+$0x0], $0xffff  }
0x40f: {  	vm2 =	vge.f32 v35, v5;
	v24 =	vsel vm3, $0x6, v3;
	v59 =	vld.idx.msk [tilespmem:v49+s30+$0x0], $0xffff;
	v61 =	vsel vm4, $0x2, v4  }
0x410: {  	vm3 =	vge.f32 v35, v7;
	v56 =	vld.idx.msk [tilespmem:v57+s30+$0x0], $0xffff;
	vm1 =	vge.f32 v21, v12;
	v24 =	vsel vm13, v24, v61  }
0x411: {  	v21 =	vld.idx.msk [tilespmem:v60+s30+$0x0], $0xffff;
	v63 =	vsel vm3, $0x6, v3;
	v54 =	vsel vm2, $0x2, v4;
	v26 =	vor.u32 $0x1, v24  }
0x412: {  	vm2 =	vge.f32 v9, v38;
	v9 =	vsel vm1, v29, v23;
	v23 =	vld.idx.msk [tilespmem:v62+s30+$0x0], $0xffff;
	v32 =	vsel vm5, v63, v54  }
0x413: {  	vm1 =	vge.f32 v14, v39;
	v13 =	vld.idx.msk [tilespmem:v13+s31+$0x0], $0xffff;
	v12 =	vor.u32 $0x1, v32  }
0x414: {  	v14 =	vsel vm2, v19, v18;
	v18 =	vsel vm1, v25, v27;
	v27 =	vld.idx.msk [tilespmem:v55+s30+$0x0], $0xffff  }
0x415: {  	v10 =	vld.idx.msk [tilespmem:v10+s31+$0x0], $0xffff  }
0x416: {  	vm1 =	vge.f32 v31, v59;
	v19 =	vld.idx.msk [tilespmem:v26+s30+$0x0], $0xffff  }
0x417: {  	[tilespmem:s28+$0xFFFFFFE0] =	vst v41;
	v16 =	vld.idx.msk [tilespmem:v16+s31+$0x0], $0xffff;
	v25 =	vsel vm1, v49, v37;
	vm1 =	vge.f32 v30, v56  }
0x418: {  	[tilespmem:s28+$0x0] =	vst v40;
	vm2 =	vge.f32 v20, v23;
	v30 =	vsel vm1, v57, v48;
	v29 =	vld.idx.msk [tilespmem:v12+s30+$0x0], $0xffff  }
0x419: {  	[tilespmem:s8+$0xFFFFFFD0] =	vst v43;
	vm1 =	vge.f32 v22, v21;
	v14 =	vld.idx.msk [tilespmem:v14+s31+$0x0], $0xffff;
	v21 =	vsel vm2, v62, v42  }
0x41a: {  	[tilespmem:s8+$0x20] =	vst v28;
	v9 =	vld.idx.msk [tilespmem:v9+s31+$0x0], $0xffff;
	v20 =	vsel vm1, v60, v33;
	vm1 =	vge.f32 v15, v8  }
0x41b: {  	v8 =	vld.idx.msk [tilespmem:v18+s31+$0x0], $0xffff;
	[tilespmem:s8+$0x30] =	vst v10;
	v10 =	vsel vm1, v52, v34;
	vm1 =	vge.f32 v17, v19  }
0x41c: {  	[tilespmem:s8+$0xFFFFFFC0] =	vst v13;
	vm2 =	vge.f32 v11, v27;
	v15 =	vld.idx.msk [tilespmem:v25+s31+$0x0], $0xffff;
	v11 =	vsel vm1, v26, v24  }
0x41d: {  	[tilespmem:s8+$0x10] =	vst v16;
	v16 =	vsel vm2, v55, v58;
	v13 =	vld.idx.msk [tilespmem:v30+s31+$0x0], $0xffff;
	vm1 =	vge.f32 v35, v29  }
0x41e: {  	[tilespmem:s8+$0xFFFFFFE0] =	vst v14;
	v14 =	vld.idx.msk [tilespmem:v21+s31+$0x0], $0xffff;
	v12 =	vsel vm1, v12, v32  }
0x41f: {  	[tilespmem:s8+$0xFFFFFFF0] =	vst v9;
	v9 =	vld.idx.msk [tilespmem:v20+s31+$0x0], $0xffff  }
0x420: {  	s6 =	sadd.s32 $0x80, s7;
	[tilespmem:s8+$0x0] =	vst v8;
	v8 =	vld.idx.msk [tilespmem:v10+s31+$0x0], $0xffff  }
0x421: {  	[tilespmem:s6+$0xFFFFFFD0] =	vst v15;
	v10 =	vld.idx.msk [tilespmem:v11+s31+$0x0], $0xffff  }
0x422: {  	[tilespmem:s6+$0x20] =	vst v13;
	v11 =	vld.idx.msk [tilespmem:v16+s31+$0x0], $0xffff  }
0x423: {  	[tilespmem:s6+$0x10] =	vst v14;
	v12 =	vld.idx.msk [tilespmem:v12+s31+$0x0], $0xffff  }
0x424: {  	[tilespmem:s6+$0x30] =	vst v9  }
0x425: {  	[tilespmem:s6+$0xFFFFFFC0] =	vst v8  }
0x426: {  	[tilespmem:s6+$0xFFFFFFF0] =	vst v10  }
0x427: {  	[tilespmem:s6+$0xFFFFFFE0] =	vst v11  }
0x428: {  	[tilespmem:s6+$0x0] =	vst v12  }
0x429: {  	[hbm4b:s20+s5] =	stream.linear.scatter [tilespmem:s0], [sflag:$0x3], $0x4000, $0x38;
	[tilespmem:$0x10280] =	vst v63  }
0x42a: {  	_ =	swait.ge [sflag:s4], $0x4000  }
0x42b: {  	[sflag:s4] =	ssyncset.done $0x0  }
0x42c: {  	[sflag:s4] =	ssyncadd.s32 $0xFFFFC000  }
0x42d: {  	_ =	swait.ge [sflag:s3], $0x4000  }
0x42e: {  	[sflag:s3] =	ssyncset.done $0x0  }
0x42f: {  	s17 =	simm.s32 $0x42C0;
	[sflag:s3] =	ssyncadd.s32 $0xFFFFC000  }
0x430: {  	v25 =	vld [tilespmem:s17+$0xFFFFFFC0]  }
0x431: {  	v17 =	vld [tilespmem:s17+$0x30]  }
0x432: {  	v13 =	vld [tilespmem:s17+$0xFFFFFFD0]  }
0x433: {  	v15 =	vld [tilespmem:s17+$0x10]  }
0x434: {  	s18 =	simm.s32 $0x4340;
	v18 =	vld [tilespmem:s17+$0xFFFFFFE0]  }
0x435: {  	v42 =	vld [tilespmem:s18+$0xFFFFFFD0];
	_ =	sdelay $0x1  }
0x436: {  	v11 =	vld [tilespmem:s17+$0x20];
	vm1 =	vge.f32 v25, v7  }
0x437: {  	vm2 =	vge.f32 v25, v5;
	vm3 =	vge.f32 v17, v5;
	vm4 =	vge.f32 v17, v6  }
0x438: {  	v30 =	vld [tilespmem:s17+$0x0];
	vm5 =	vge.f32 v15, v5;
	vm6 =	vge.f32 v15, v7;
	vm12 =	vge.f32 v15, v6  }
0x439: {  	vm13 =	vge.f32 v18, v5;
	vm14 =	vge.f32 v13, v5;
	vm15 =	vge.f32 v42, v5  }
0x43a: {  	v33 =	vld [tilespmem:s17+$0xFFFFFFF0];
	v8 =	vsel vm1, $0x6, v3;
	vm1 =	vge.f32 v17, v7;
	v10 =	vsel vm2, $0x2, v4  }
0x43b: {  	v12 =	vsel vm3, $0x2, v4;
	vm2 =	vge.f32 v11, v6;
	vm3 =	vge.f32 v11, v7  }
0x43c: {  	v16 =	vsel vm14, $0x2, v4;
	v9 =	vsel vm1, $0x6, v3;
	vm1 =	vge.f32 v25, v6  }
0x43d: {  	v19 =	vsel vm3, $0x6, v3;
	vm3 =	vge.f32 v30, v5;
	v32 =	vsel vm1, v8, v10  }
0x43e: {  	v27 =	vsel vm4, v9, v12;
	vm1 =	vge.f32 v11, v5;
	vm4 =	vge.f32 v13, v6  }
0x43f: {  	v9 =	vsel vm6, $0x6, v3;
	vm6 =	vge.f32 v33, v6;
	v12 =	vsel vm5, $0x2, v4  }
0x440: {  	vm5 =	vge.f32 v18, v7;
	v8 =	vsel vm1, $0x2, v4;
	vm1 =	vge.f32 v13, v7  }
0x441: {  	v10 =	vsel vm5, $0x6, v3;
	vm5 =	vge.f32 v33, v5;
	v28 =	vsel vm12, v9, v12  }
0x442: {  	v35 =	vor.u32 $0x1, v32;
	v31 =	vor.u32 $0x1, v27;
	v14 =	vsel vm1, $0x6, v3  }
0x443: {  	v19 =	vsel vm2, v19, v8;
	vm1 =	vge.f32 v18, v6;
	vm2 =	vge.f32 v33, v7  }
0x444: {  	v12 =	vld [tilespmem:s18+$0x10];
	v14 =	vsel vm4, v14, v16;
	v16 =	vsel vm13, $0x2, v4;
	v22 =	vor.u32 $0x1, v19  }
0x445: {  	v8 =	vld [tilespmem:s18+$0xFFFFFFC0];
	vm4 =	vge.f32 v30, v6;
	v21 =	vsel vm2, $0x6, v3;
	v20 =	vor.u32 $0x1, v14  }
0x446: {  	v37 =	vld [tilespmem:s18+$0x20];
	v34 =	vsel vm1, v10, v16;
	v16 =	vsel vm5, $0x2, v4;
	vm1 =	vge.f32 v30, v7  }
0x447: {  	v10 =	vld [tilespmem:s18+$0x30];
	v36 =	vsel vm6, v21, v16;
	v9 =	vsel vm1, $0x6, v3;
	v21 =	vsel vm3, $0x2, v4  }
0x448: {  	v40 =	vor.u32 $0x1, v28;
	vm5 =	vge.f32 v42, v6;
	v41 =	vsel vm4, v9, v21;
	v21 =	vld [tilespmem:s18+$0xFFFFFFF0]  }
0x449: {  	v38 =	vor.u32 $0x1, v34;
	v39 =	vor.u32 $0x1, v36;
	vm6 =	vge.f32 v12, v5;
	v57 =	vld.idx.msk [tilespmem:v22+s30+$0x0], $0xffff  }
0x44a: {  	vm12 =	vge.f32 v12, v7;
	vm1 =	vge.f32 v8, v7;
	vm2 =	vge.f32 v8, v5;
	v16 =	vld.idx.msk [tilespmem:v20+s30+$0x0], $0xffff  }
0x44b: {  	v43 =	vor.u32 $0x1, v41;
	v23 =	vsel vm1, $0x6, v3;
	v26 =	vsel vm2, $0x2, v4  }
0x44c: {  	v9 =	vld [tilespmem:s18+$0xFFFFFFE0];
	vm1 =	vge.f32 v10, v7;
	vm3 =	vge.f32 v10, v5;
	vm4 =	vge.f32 v10, v6  }
0x44d: {  	v24 =	vsel vm1, $0x6, v3;
	vm1 =	vge.f32 v8, v6;
	v29 =	vsel vm3, $0x2, v4  }
0x44e: {  	vm3 =	vge.f32 v37, v6;
	vm13 =	vge.f32 v21, v6;
	vm14 =	vge.f32 v11, v57  }
0x44f: {  	v58 =	vld.idx.msk [tilespmem:v35+s30+$0x0], $0xffff;
	vm2 =	vge.f32 v13, v16;
	v13 =	vsel vm1, v23, v26;
	v16 =	vsel vm4, v24, v29  }
0x450: {  	v56 =	vld.idx.msk [tilespmem:v31+s30+$0x0], $0xffff;
	vm4 =	vge.f32 v37, v7;
	vm1 =	vge.f32 v12, v6;
	v24 =	vsel vm12, $0x6, v3  }
0x451: {  	v59 =	vld.idx.msk [tilespmem:v40+s30+$0x0], $0xffff;
	v29 =	vsel vm6, $0x2, v4;
	vm6 =	vge.f32 v9, v5;
	vm12 =	vge.f32 v9, v7  }
0x452: {  	v23 =	vld.idx.msk [tilespmem:v38+s30+$0x0], $0xffff;
	v19 =	vsel vm14, v22, v19;
	v22 =	vsel vm15, $0x2, v4;
	v20 =	vsel vm2, v20, v14  }
0x453: {  	v53 =	vld.idx.msk [tilespmem:v39+s30+$0x0], $0xffff;
	vm2 =	vge.f32 v37, v5;
	v60 =	vsel vm12, $0x6, v3;
	v62 =	vsel vm4, $0x6, v3  }
0x454: {  	v14 =	vld [tilespmem:s18+$0x0];
	v24 =	vsel vm1, v24, v29;
	v26 =	vsel vm2, $0x2, v4;
	vm2 =	vge.f32 v42, v7  }
0x455: {  	s6 =	simm.s32 $0x43C0;
	v61 =	vld.idx.msk [tilespmem:v43+s30+$0x0], $0xffff;
	v11 =	vsel vm2, $0x6, v3;
	v48 =	vsel vm3, v62, v26;
	vm2 =	vge.f32 v9, v6  }
0x456: {  	vm3 =	vge.f32 v21, v7;
	v26 =	vor.u32 $0x1, v13;
	v50 =	vsel vm5, v11, v22;
	v11 =	vld [tilespmem:s6+$0xFFFFFFE0]  }
0x457: {  	v22 =	vld [tilespmem:s6+$0x30];
	v51 =	vor.u32 $0x1, v48;
	v52 =	vor.u32 $0x1, v50;
	vm12 =	vge.f32 v18, v23  }
0x458: {  	v23 =	vsel vm3, $0x6, v3;
	vm3 =	vge.f32 v15, v59;
	v63 =	vld.idx.msk [tilespmem:v20+s31+$0x0], $0xffff;
	v20 =	vsel vm6, $0x2, v4  }
0x459: {  	v46 =	vld.idx.msk [tilespmem:v19+s31+$0x0], $0xffff;
	vm4 =	vge.f32 v14, v5;
	vm5 =	vge.f32 v14, v6;
	vm6 =	vge.f32 v21, v5  }
0x45a: {  	v15 =	vld [tilespmem:s6+$0xFFFFFFC0];
	vm1 =	vge.f32 v14, v7;
	v18 =	vsel vm2, v60, v20;
	v20 =	vsel vm6, $0x2, v4  }
0x45b: {  	v40 =	vsel vm3, v40, v28;
	vm2 =	vge.f32 v17, v56;
	v23 =	vsel vm13, v23, v20;
	v20 =	vld [tilespmem:s6+$0x10]  }
0x45c: {  	v28 =	vor.u32 $0x1, v24;
	v47 =	vsel vm12, v38, v34;
	v54 =	vsel vm2, v31, v27;
	v31 =	vld [tilespmem:s6+$0xFFFFFFD0]  }
0x45d: {  	v17 =	vsel vm1, $0x6, v3;
	vm1 =	vge.f32 v25, v58;
	vm2 =	vge.f32 v30, v61;
	v30 =	vld [tilespmem:s6+$0x20]  }
0x45e: {  	v19 =	vor.u32 $0x1, v18;
	v27 =	vsel vm4, $0x2, v4;
	v35 =	vsel vm1, v35, v32;
	v32 =	vld.idx.msk [tilespmem:v26+s30+$0x0], $0xffff  }
0x45f: {  	v29 =	vor.u32 $0x1, v23;
	v27 =	vsel vm5, v17, v27;
	v17 =	vld [tilespmem:s6+$0xFFFFFFF0];
	vm1 =	vge.f32 v22, v7  }
0x460: {  	vm5 =	vge.f32 v22, v5;
	v55 =	vld.idx.msk [tilespmem:v51+s30+$0x0], $0xffff;
	v61 =	vsel vm2, v43, v41;
	vm4 =	vge.f32 v15, v7  }
0x461: {  	v57 =	vld.idx.msk [tilespmem:v52+s30+$0x0], $0xffff;
	vm3 =	vge.f32 v15, v5;
	v58 =	vsel vm4, $0x6, v3;
	vm4 =	vge.f32 v33, v53  }
0x462: {  	v59 =	vsel vm1, $0x6, v3;
	vm1 =	vge.f32 v15, v6;
	v41 =	vld.idx.msk [tilespmem:v47+s31+$0x0], $0xffff;
	v39 =	vsel vm4, v39, v36  }
0x463: {  	s28 =	simm.s32 $0xC2C0;
	v25 =	vor.u32 $0x1, v27;
	v62 =	vsel vm5, $0x2, v4;
	v60 =	vsel vm3, $0x2, v4;
	v45 =	vld.idx.msk [tilespmem:v28+s30+$0x0], $0xffff  }
0x464: {  	[tilespmem:s28+$0xFFFFFFD0] =	vst v63;
	vm4 =	vge.f32 v22, v6;
	v36 =	vor.u32 $0x1, v16;
	v34 =	vsel vm1, v58, v60;
	v53 =	vld.idx.msk [tilespmem:v54+s31+$0x0], $0xffff  }
0x465: {  	v54 =	vld.idx.msk [tilespmem:v40+s31+$0x0], $0xffff;
	v33 =	vsel vm4, v59, v62;
	vm1 =	vge.f32 v30, v5;
	vm14 =	vge.f32 v30, v6  }
0x466: {  	v63 =	vld.idx.msk [tilespmem:v35+s31+$0x0], $0xffff;
	vm15 =	vge.f32 v31, v6;
	vm3 =	vge.f32 v20, v5;
	vm2 =	vge.f32 v42, v57  }
0x467: {  	vm4 =	vge.f32 v20, v7;
	vm12 =	vge.f32 v20, v6;
	v52 =	vsel vm2, v52, v50;
	v56 =	vld.idx.msk [tilespmem:v39+s31+$0x0], $0xffff  }
0x468: {  	[tilespmem:s28+$0x20] =	vst v46;
	v38 =	vld.idx.msk [tilespmem:v19+s30+$0x0], $0xffff;
	vm6 =	vge.f32 v31, v5;
	v47 =	vsel vm1, $0x2, v4;
	vm13 =	vge.f32 v17, v6  }
0x469: {  	v40 =	vld.idx.msk [tilespmem:v61+s31+$0x0], $0xffff;
	v44 =	vsel vm3, $0x2, v4;
	vm1 =	vge.f32 v11, v5;
	vm3 =	vge.f32 v11, v7;
	[tilespmem:s28+$0x30] =	vst v53  }
0x46a: {  	v35 =	vld [tilespmem:s6+$0x0];
	vm5 =	vge.f32 v37, v55;
	v42 =	vsel vm4, $0x6, v3;
	vm4 =	vge.f32 v31, v7;
	[tilespmem:s28+$0x10] =	vst v54  }
0x46b: {  	v46 =	vsel vm3, $0x6, v3;
	v48 =	vsel vm5, v51, v48;
	vm2 =	vge.f32 v30, v7;
	v39 =	vld.idx.msk [tilespmem:v25+s30+$0x0], $0xffff;
	[tilespmem:s28+$0xFFFFFFC0] =	vst v63  }
0x46c: {  	s9 =	simm.s32 $0x100;
	s7 =	simm.s32 $0xC340;
	s8 =	simm.s32 $0xC340;
	v49 =	vsel vm4, $0x6, v3;
	v50 =	vsel vm6, $0x2, v4;
	v37 =	vsel vm2, $0x6, v3;
	v43 =	vld.idx.msk [tilespmem:v52+s31+$0x0], $0xffff;
	[tilespmem:s28+$0xFFFFFFF0] =	vst v56  }
.LBB2_16:
0x46d: {  	s9 =	sadd.s32 $0x80, s9;
	v49 =	vsel vm15, v49, v50;
	v50 =	vsel vm1, $0x2, v4;
	v37 =	vsel vm14, v37, v47;
	v47 =	vld.idx.msk [tilespmem:v36+s30+$0x0], $0xffff;
	s7 =	sadd.s32 $0x80, s7;
	[tilespmem:s28+$0xFFFFFFE0] =	vst v41  }
0x46e: {  	vm3 =	vge.f32 v11, v6;
	s6 =	sadd.s32 $0x80, s6;
	vm14 =	vge.f32 v9, v38;
	p0 =	slt.u32 s9, $0x3F80;
	v41 =	vor.u32 $0x1, v49;
	v38 =	vld.idx.msk [tilespmem:v29+s30+$0x0], $0xffff;
	[tilespmem:s28+$0x0] =	vst v40;
	s28 =	smov.u32 s8  }
0x46f: {  	vm2 =	vge.f32 v17, v7;
	v9 =	vmovc v11;
	s8 =	smov.u32 s7;
	vm1 =	vge.f32 v35, v5;
	vm15 =	vge.f32 v35, v6;
	v11 =	vld [tilespmem:s6+$0xFFFFFFE0]  }
0x470: {  	vm4 =	vge.f32 v17, v5;
	v40 =	vsel vm2, $0x6, v3;
	vm2 =	vge.f32 v12, v45;
	v12 =	vmovc v20;
	v45 =	vld.idx.msk [tilespmem:v48+s31+$0x0], $0xffff  }
0x471: {  	v42 =	vsel vm12, v42, v44;
	v44 =	vmovc v27;
	v46 =	vsel vm3, v46, v50;
	v20 =	vsel vm4, $0x2, v4;
	v50 =	vmovc v30;
	v48 =	vld [tilespmem:s6+$0xFFFFFFC0]  }
0x472: {  	v52 =	vor.u32 $0x1, v34;
	v53 =	vor.u32 $0x1, v46;
	v40 =	vsel vm13, v40, v20;
	v51 =	vld [tilespmem:s6+$0x30];
	[tilespmem:s28+$0xFFFFFFD0] =	vst v43;
	v43 =	vmovc v13;
	v13 =	vmovc v34  }
0x473: {  	vm3 =	vge.f32 v35, v7;
	v54 =	vor.u32 $0x1, v40;
	vm4 =	vge.f32 v10, v47;
	v10 =	vmovc v22;
	v34 =	vld.idx.msk [tilespmem:v41+s30+$0x0], $0xffff  }
0x474: {  	v55 =	vor.u32 $0x1, v37;
	v30 =	vmovc v14;
	v22 =	vsel vm3, $0x6, v3;
	v36 =	vsel vm4, v36, v16;
	v16 =	vmovc v33;
	v20 =	vld [tilespmem:s6+$0x10]  }
0x475: {  	v27 =	vsel vm1, $0x2, v4;
	v14 =	vmovc v35;
	v33 =	vsel vm2, v28, v24;
	v28 =	vor.u32 $0x1, v42;
	v24 =	vmovc v42;
	v56 =	vld [tilespmem:s6+$0xFFFFFFD0]  }
0x476: {  	vm1 =	vge.f32 v8, v32;
	v27 =	vsel vm15, v22, v27;
	vm2 =	vge.f32 v30, v39;
	v57 =	vld [tilespmem:s6+$0xFFFFFFF0];
	[tilespmem:s28+$0x20] =	vst v45  }
0x477: {  	v8 =	vmovc v15;
	v35 =	vsel vm1, v26, v43;
	vm3 =	vge.f32 v48, v5;
	vm4 =	vge.f32 v48, v7;
	v30 =	vld [tilespmem:s6+$0x20]  }
0x478: {  	v15 =	vmovc v48;
	v39 =	vsel vm4, $0x6, v3;
	vm1 =	vge.f32 v51, v7;
	vm4 =	vge.f32 v21, v38;
	v32 =	vld.idx.msk [tilespmem:v52+s30+$0x0], $0xffff  }
0x479: {  	vm5 =	vge.f32 v51, v5;
	v22 =	vmovc v51;
	v21 =	vsel vm1, $0x6, v3;
	v29 =	vsel vm4, v29, v23;
	v43 =	vld.idx.msk [tilespmem:v36+s31+$0x0], $0xffff  }
0x47a: {  	v42 =	vsel vm14, v19, v18;
	vm1 =	vge.f32 v15, v6;
	vm4 =	vge.f32 v22, v6;
	v48 =	vld.idx.msk [tilespmem:v33+s31+$0x0], $0xffff  }
0x47b: {  	v18 =	vmovc v46;
	v26 =	vmovc v52;
	v44 =	vsel vm2, v25, v44;
	v25 =	vor.u32 $0x1, v27;
	v33 =	vsel vm3, $0x2, v4;
	v51 =	vld.idx.msk [tilespmem:v55+s30+$0x0], $0xffff  }
0x47c: {  	v19 =	vmovc v53;
	v38 =	vsel vm5, $0x2, v4;
	vm2 =	vge.f32 v31, v34;
	v23 =	vmovc v40;
	v36 =	vor.u32 $0x1, v16;
	v31 =	vld.idx.msk [tilespmem:v35+s31+$0x0], $0xffff  }
0x47d: {  	v34 =	vsel vm1, v39, v33;
	v33 =	vsel vm4, v21, v38;
	v21 =	vsel vm2, v41, v49;
	v38 =	vld.idx.msk [tilespmem:v53+s30+$0x0], $0xffff  }
0x47e: {  	vm1 =	vge.f32 v30, v5;
	vm14 =	vge.f32 v30, v6;
	vm2 =	vge.f32 v30, v7;
	v52 =	vld.idx.msk [tilespmem:v29+s31+$0x0], $0xffff  }
0x47f: {  	vm15 =	vge.f32 v56, v6;
	vm3 =	vge.f32 v20, v5;
	vm4 =	vge.f32 v20, v7;
	v41 =	vld.idx.msk [tilespmem:v42+s31+$0x0], $0xffff  }
.Ltmp7:
0x480: {  	vm12 =	vge.f32 v20, v6;
	v47 =	vsel vm1, $0x2, v4;
	v29 =	vmovc v54;
	v42 =	vsel vm4, $0x6, v3;
	v40 =	vld.idx.msk [tilespmem:v44+s31+$0x0], $0xffff;
	[tilespmem:s28+$0x30] =	vst v43;
	(pc) =	sbr.rel @p0 .LBB2_16-.Ltmp7, $4  }
0x481: {  	vm13 =	vge.f32 v57, v6;
	vm4 =	vge.f32 v56, v7;
	v44 =	vsel vm3, $0x2, v4;
	v45 =	vld.idx.msk [tilespmem:v28+s30+$0x0], $0xffff;
	[tilespmem:s28+$0x10] =	vst v48  }
0x482: {  	vm1 =	vge.f32 v11, v5;
	vm3 =	vge.f32 v11, v7;
	vm5 =	vge.f32 v50, v51;
	v35 =	vld [tilespmem:s6+$0x0];
	[tilespmem:s28+$0xFFFFFFC0] =	vst v31  }
0x483: {  	vm6 =	vge.f32 v56, v5;
	v46 =	vsel vm3, $0x6, v3;
	v48 =	vsel vm5, v55, v37;
	v31 =	vmovc v56;
	v39 =	vld.idx.msk [tilespmem:v25+s30+$0x0], $0xffff  }
0x484: {  	v49 =	vsel vm4, $0x6, v3;
	v50 =	vsel vm6, $0x2, v4;
	v37 =	vsel vm2, $0x6, v3;
	v43 =	vld.idx.msk [tilespmem:v21+s31+$0x0], $0xffff;
	[tilespmem:s28+$0xFFFFFFF0] =	vst v52;
	v21 =	vmovc v17;
	v17 =	vmovc v57  }
0x485: {  	_ =	sdelay $0x3  }
0x486: {  	v51 =	vld.idx.msk [tilespmem:v36+s30+$0x0], $0xffff  }
0x487: {  	v49 =	vsel vm15, v49, v50  }
0x488: {  	v52 =	vsel vm1, $0x2, v4;
	v37 =	vsel vm14, v37, v47;
	v47 =	vor.u32 $0x1, v34  }
0x489: {  	vm1 =	vge.f32 v11, v6;
	v50 =	vor.u32 $0x1, v49;
	vm4 =	vge.f32 v12, v45  }
0x48a: {  	vm3 =	vge.f32 v17, v7;
	vm5 =	vge.f32 v35, v6;
	v6 =	vsel vm4, v28, v24  }
0x48b: {  	v54 =	vld.idx.msk [tilespmem:v29+s30+$0x0], $0xffff;
	vm4 =	vge.f32 v17, v5;
	v28 =	vor.u32 $0x1, v37;
	vm2 =	vge.f32 v10, v51  }
0x48c: {  	v24 =	vld.idx.msk [tilespmem:v48+s31+$0x0], $0xffff;
	v56 =	vsel vm4, $0x2, v4;
	v10 =	vsel vm1, v46, v52;
	v53 =	vsel vm2, v36, v16  }
0x48d: {  	vm1 =	vge.f32 v8, v32;
	v8 =	vld.idx.msk [tilespmem:v47+s30+$0x0], $0xffff;
	v36 =	vsel vm12, v42, v44;
	v44 =	vor.u32 $0x1, v33  }
0x48e: {  	vm2 =	vge.f32 v35, v5;
	v5 =	vsel vm3, $0x6, v3;
	v55 =	vld.idx.msk [tilespmem:v50+s30+$0x0], $0xffff;
	v57 =	vor.u32 $0x1, v36  }
0x48f: {  	vm3 =	vge.f32 v35, v7;
	v7 =	vsel vm1, v26, v13;
	v5 =	vsel vm13, v5, v56;
	v6 =	vld.idx.msk [tilespmem:v6+s31+$0x0], $0xffff  }
0x490: {  	v58 =	vsel vm3, $0x6, v3;
	v59 =	vsel vm2, $0x2, v4;
	v60 =	vld.idx.msk [tilespmem:v28+s30+$0x0], $0xffff;
	v13 =	vor.u32 $0x1, v5  }
0x491: {  	v45 =	vor.u32 $0x1, v10;
	v26 =	vsel vm5, v58, v59;
	v12 =	vld.idx.msk [tilespmem:v53+s31+$0x0], $0xffff  }
0x492: {  	vm1 =	vge.f32 v21, v54;
	v61 =	vor.u32 $0x1, v26;
	v62 =	vld.idx.msk [tilespmem:v44+s30+$0x0], $0xffff  }
0x493: {  	vm2 =	vge.f32 v9, v38;
	v63 =	vsel vm1, v29, v23;
	v38 =	vld.idx.msk [tilespmem:v57+s30+$0x0], $0xffff  }
0x494: {  	vm1 =	vge.f32 v14, v39;
	v48 =	vsel vm2, v19, v18;
	v7 =	vld.idx.msk [tilespmem:v7+s31+$0x0], $0xffff  }
0x495: {  	v51 =	vsel vm1, v25, v27;
	vm1 =	vge.f32 v31, v55;
	v52 =	vld.idx.msk [tilespmem:v13+s30+$0x0], $0xffff  }
0x496: {  	[tilespmem:s28+$0xFFFFFFE0] =	vst v41;
	v54 =	vld.idx.msk [tilespmem:v45+s30+$0x0], $0xffff;
	v53 =	vsel vm1, v50, v49;
	vm1 =	vge.f32 v30, v60  }
0x497: {  	[tilespmem:s28+$0x0] =	vst v40;
	v28 =	vsel vm1, v28, v37;
	v55 =	vld.idx.msk [tilespmem:v61+s30+$0x0], $0xffff;
	vm1 =	vge.f32 v22, v62  }
0x498: {  	[tilespmem:s8+$0xFFFFFFD0] =	vst v43;
	v9 =	vld.idx.msk [tilespmem:v63+s31+$0x0], $0xffff;
	vm2 =	vge.f32 v20, v38;
	v56 =	vsel vm1, v44, v33  }
0x499: {  	[tilespmem:s8+$0x20] =	vst v24;
	v14 =	vld.idx.msk [tilespmem:v48+s31+$0x0], $0xffff;
	vm1 =	vge.f32 v15, v8;
	v57 =	vsel vm2, v57, v36  }
0x49a: {  	[tilespmem:s8+$0x10] =	vst v6;
	v58 =	vld.idx.msk [tilespmem:v51+s31+$0x0], $0xffff;
	v59 =	vsel vm1, v47, v34;
	vm1 =	vge.f32 v17, v52  }
0x49b: {  	[tilespmem:s8+$0x30] =	vst v12;
	v6 =	vld.idx.msk [tilespmem:v53+s31+$0x0], $0xffff;
	vm2 =	vge.f32 v11, v54;
	v5 =	vsel vm1, v13, v5  }
0x49c: {  	[tilespmem:s8+$0xFFFFFFC0] =	vst v7;
	v7 =	vld.idx.msk [tilespmem:v28+s31+$0x0], $0xffff;
	vm1 =	vge.f32 v35, v55;
	v10 =	vsel vm2, v45, v10  }
0x49d: {  	[tilespmem:s8+$0xFFFFFFF0] =	vst v9;
	v61 =	vsel vm1, v61, v26;
	v60 =	vld.idx.msk [tilespmem:v56+s31+$0x0], $0xffff  }
0x49e: {  	[tilespmem:s8+$0xFFFFFFE0] =	vst v14;
	v62 =	vld.idx.msk [tilespmem:v57+s31+$0x0], $0xffff  }
0x49f: {  	s6 =	sadd.s32 $0x80, s7;
	[tilespmem:s8+$0x0] =	vst v58;
	v63 =	vld.idx.msk [tilespmem:v59+s31+$0x0], $0xffff  }
0x4a0: {  	[tilespmem:s6+$0xFFFFFFD0] =	vst v6;
	v5 =	vld.idx.msk [tilespmem:v5+s31+$0x0], $0xffff  }
0x4a1: {  	[tilespmem:s6+$0x20] =	vst v7;
	v6 =	vld.idx.msk [tilespmem:v10+s31+$0x0], $0xffff  }
0x4a2: {  	v7 =	vld.idx.msk [tilespmem:v61+s31+$0x0], $0xffff;
	[tilespmem:s6+$0x30] =	vst v60  }
0x4a3: {  	[tilespmem:s6+$0x10] =	vst v62  }
0x4a4: {  	[tilespmem:s6+$0xFFFFFFC0] =	vst v63  }
0x4a5: {  	[tilespmem:s6+$0xFFFFFFF0] =	vst v5  }
0x4a6: {  	[tilespmem:s6+$0xFFFFFFE0] =	vst v6  }
0x4a7: {  	s26 =	sadd.s32 $0x1, s26;
	[tilespmem:s6+$0x0] =	vst v7  }
0x4a8: {  	[hbm4b:s21+s5] =	stream.linear.scatter [tilespmem:s1], [sflag:$0x4], $0x4000, $0x38;
	[tilespmem:$0x10280] =	vst v63  }
0x4a9: {  	p0 =	sne.s32 s26, s22;
	_ =	swait.ge [sflag:s2], $0x4000  }
.Ltmp8:
0x4aa: {  	[sflag:s2] =	ssyncset.done $0x0;
	(pc) =	sbr.rel @p0 .LBB2_1-.Ltmp8, $4  }
0x4ab: {  	[sflag:s2] =	ssyncadd.s32 $0xFFFFC000  }
0x4ac: {  	_ =	swait.ge [sflag:s3], $0x4000  }
0x4ad: {  	[sflag:s3] =	ssyncset.done $0x0  }
0x4ae: {  	[sflag:s3] =	ssyncadd.s32 $0xFFFFC000  }
0x4af: {  	_ =	sfence.sel $0x180000  }
0x4b0: {  	[bflag:$0x0] =	sbarrier.arrive $0xFFFF  }
0x4b1: {  	_ =	strace $0x90000047  }
0x4b2: {  	s0 =	stileid.u32;
	[bflag:$0x2] =	sbarrier.arrive $0xFFFF  }
0x4b3: {  	p0 =	sne.s32 s0, $0x0;
	s0 =	rddreg [dreg:$0x5]  }
0x4b4: {  	s0 =	sadd.s32 @!p0 $0x100000, s0  }
0x4b5: {  	[sflag:s0] =	ssyncadd.tile.s32 @!p0 $0x1;
	_ =	shalt  }
.Lfunc_end2:
_tile_overlayer_lowered:
.L_overlay_start_2:
0x4b6: {  	(tag) =	ssettag $0x2  }
0x4b7: {  	s0 =	rddreg [dreg:$0x0];
	s2 =	stileid.u32  }
0x4b8: {  	s1 =	rddreg [dreg:$0x1];
	p0 =	sne.s32 s2, $0x0  }
0x4b9: {  	s3 =	rddreg [dreg:$0x2];
	[bflag:$0x3] =	sbarrier.arrive $0xFFFF;
	s2 =	simm.s32 @!p0 $0x1C05  }
0x4ba: {  	[timem:s3], [sflag:s2] =	dma.local @!p0 [hbm:s0], s1  }
0x4bb: {  	s0 =	simm.s32 @!p0 $0x5  }
0x4bc: {  	_ =	swait.ge @!p0 [sflag:s0], s1  }
0x4bd: {  	s1 =	ssub.s32 @!p0 $0x0, s1;
	[sflag:s0] =	ssyncset.done @!p0 $0x0  }
0x4be: {  	[sflag:s0] =	ssyncadd.s32 @!p0 s1  }
0x4bf: {  	[bflag:$0x3] =	sbarrier.arrive $0xFFFF  }
0x4c0: {  	_ =	shalt  }

</sc_bundles>
